<compile_context>
chip_gen: v7x
topology: tpu7x:2x2x1
jax: 0.10.2.dev20260603
libtpu: 0.0.44.dev20260713+nightly
codegen_flags: <defaults>
</compile_context>

<pallas_src>
import jax
import jax.numpy as jnp
from jax import lax
from jax.experimental import pallas as pl
from jax.experimental.pallas import tpu as pltpu
from jax.experimental.pallas import tpu_sc as plsc

D = 64
V = 1000000
SCALE = 8.0
NC = 2
NS = 16
NW = NC * NS
S = 50
BB = 4096
B_PER_W = BB // NW
CB = 8
CR = CB * S
NCH = B_PER_W // CB


def _emb_body(idx_hbm, lut_hbm, out_hbm, idx_v,
              rows_a, rows_b, gsem_a, gsem_b, osem_a, osem_b):
    wid = lax.axis_index("s") * NC + lax.axis_index("c")
    base = wid * (B_PER_W * S)
    b0 = wid * B_PER_W
    pltpu.sync_copy(idx_hbm.at[pl.ds(base, B_PER_W * S)], idx_v)

    def fire(c, buf, gsem):
        @pl.loop(0, CR // 16)
        def _grp(k):
            iv = idx_v[pl.ds(c * CR + k * 16, 16)]
            for j in range(16):
                si = iv[j]
                pltpu.async_copy(lut_hbm.at[si], buf.at[k * 16 + j], gsem)

    def drain_gather(buf, gsem):
        pltpu.make_async_copy(lut_hbm.at[pl.ds(0, CR), :], buf, gsem).wait()

    def scale(buf):
        @pl.loop(0, CR, unroll=8)
        def _mul(r):
            for j in range(D // 16):
                buf[r, pl.ds(j * 16, 16)] = buf[r, pl.ds(j * 16, 16)] * SCALE

    def out_start(c, buf, osem):
        for k in range(CB):
            pltpu.async_copy(buf.at[pl.ds(k * S, S), :],
                             out_hbm.at[b0 + c * CB + k], osem)

    def drain_out(buf, osem):
        pltpu.make_async_copy(lut_hbm.at[pl.ds(0, CR), :], buf, osem).wait()

    fire(0, rows_a, gsem_a)

    @pl.loop(0, NCH, step=2)
    def _pipe(c):
        @pl.when(c > 0)
        def _():
            drain_out(rows_b, osem_b)
        fire(c + 1, rows_b, gsem_b)
        drain_gather(rows_a, gsem_a)
        scale(rows_a)
        out_start(c, rows_a, osem_a)

        drain_out(rows_a, osem_a)

        @pl.when(c + 2 < NCH)
        def _():
            fire(c + 2, rows_a, gsem_a)
        drain_gather(rows_b, gsem_b)
        scale(rows_b)
        out_start(c + 1, rows_b, osem_b)

    drain_out(rows_b, osem_b)


def kernel(x, lut):
    b0, s = x.shape
    idx = x.reshape(b0 * s).astype(jnp.int32)
    mesh = plsc.VectorSubcoreMesh(core_axis_name="c", subcore_axis_name="s", num_cores=2)
    out = pl.kernel(
        _emb_body,
        out_type=jax.ShapeDtypeStruct((b0, s, D), jnp.float32),
        mesh=mesh,
        scratch_types=[
            pltpu.VMEM((B_PER_W * S,), jnp.int32),
            pltpu.VMEM((CR, D), jnp.float32),
            pltpu.VMEM((CR, D), jnp.float32),
            pltpu.SemaphoreType.DMA,
            pltpu.SemaphoreType.DMA,
            pltpu.SemaphoreType.DMA,
            pltpu.SemaphoreType.DMA,
        ],
    )(idx, lut)
    return out

# --- scband reference (transcript-rebuilt; emitter-appended) ---
"""Pipeline reference for scband-embeddings-25881472926110 (READ-ONLY COPY).

The authoritative reference and input builder live on the scoring server;
editing this copy changes nothing except your own understanding.
"""

import jax, jax.numpy as jnp
import numpy as np
import math

D_MODEL = 64
VOCAB = 1000000

def setup_inputs(seed: int = 0) -> dict:
    key = jax.random.key(seed)
    k1, k2 = jax.random.split(key)
    x = jax.random.randint(k1, (4096, 50), 0, VOCAB, dtype=jnp.int64) if jax.config.jax_enable_x64 else jax.random.randint(k1, (4096, 50), 0, VOCAB, dtype=jnp.int32)
    # embedding table (learned parameter), nn.Embedding default init ~ N(0,1)
    lut = jax.random.normal(k2, (VOCAB, D_MODEL), dtype=jnp.float32)
    return {"x": x, "lut": lut}

def reference(x, lut):
    # Faithful translation of Embeddings.forward: self.lut(x) * sqrt(d_model)
    emb = jnp.take(lut, x, axis=0)
    return emb * math.sqrt(D_MODEL)

if __name__ == "__main__":
    import jax
    _d = setup_inputs()
    print(jax.jit(kernel)(*tuple(_d.values())))

</pallas_src>

<mosaic_0001>
#map = affine_map<(d0, d1) -> (0)>
#map1 = affine_map<(d0, d1) -> (0, 0)>
#map2 = affine_map<(d0, d1) -> (0, 0, 0)>
module attributes {stable_mosaic.version = 14 : i64} {
  func.func @_emb_body(%arg0: i32, %arg1: i32, %arg2: memref<204800xi32, #tpu.memory_space<hbm>>, %arg3: memref<1000000x64xf32, #tpu.memory_space<hbm>>, %arg4: memref<4096x50x64xf32, #tpu.memory_space<hbm>>, %arg5: memref<6400xi32, #tpu.memory_space<vmem>>, %arg6: memref<400x64xf32, #tpu.memory_space<vmem>>, %arg7: memref<400x64xf32, #tpu.memory_space<vmem>>, %arg8: memref<!tpu.dma_semaphore, #tpu.memory_space<semaphore_mem>>, %arg9: memref<!tpu.dma_semaphore, #tpu.memory_space<semaphore_mem>>, %arg10: memref<!tpu.dma_semaphore, #tpu.memory_space<semaphore_mem>>, %arg11: memref<!tpu.dma_semaphore, #tpu.memory_space<semaphore_mem>>) attributes {dimension_semantics = [#tpu.dimension_semantics<core_parallel>, #tpu.dimension_semantics<subcore_parallel>], iteration_bounds = array<i64: 2, 16>, scalar_prefetch = 0 : i64, scratch_operands = 7 : i64, tpu.core_type = #tpu.core_type<sc_vector_subcore>, window_params = [{transform_indices = #map}, {transform_indices = #map1}, {transform_indices = #map2}]} {
    %mul3A = arith.constant 2 : i32
    %mul3A_0 = arith.muli %arg1, %mul3A : i32
    %add3A = arith.addi %mul3A_0, %arg0 : i32
    %mul3A_1 = arith.constant 6400 : i32
    %mul3A_2 = arith.muli %add3A, %mul3A_1 : i32
    %mul3A_3 = arith.constant 128 : i32
    %mul3A_4 = arith.muli %add3A, %mul3A_3 : i32
    "tpu.region"() ({
      %run_scoped3A = tpu.sem_alloc : memref<!tpu.dma_semaphore, #tpu.memory_space<semaphore_mem>>
      %dma_start3A = tpu.memref_slice %arg2[%mul3A_2] : memref<204800xi32, #tpu.memory_space<hbm>> -> memref<6400xi32, #tpu.memory_space<hbm>>
      %dma_start3A_19 = tpu.memref_slice %arg2[%mul3A_2] : memref<204800xi32, #tpu.memory_space<hbm>> -> memref<6400xi32, #tpu.memory_space<hbm>>
      tpu.enqueue_dma source(%dma_start3A_19 : memref<6400xi32, #tpu.memory_space<hbm>>) target(%arg5 : memref<6400xi32, #tpu.memory_space<vmem>>) target_semaphore(%run_scoped3A : memref<!tpu.dma_semaphore, #tpu.memory_space<semaphore_mem>>)
      %dma_wait3A_20 = tpu.memref_slice %arg2[%mul3A_2] : memref<204800xi32, #tpu.memory_space<hbm>> -> memref<6400xi32, #tpu.memory_space<hbm>>
      %dma_wait3A_21 = tpu.memref_slice %arg2[%mul3A_2] : memref<204800xi32, #tpu.memory_space<hbm>> -> memref<6400xi32, #tpu.memory_space<hbm>>
      tpu.wait_dma2 semaphore(%run_scoped3A : memref<!tpu.dma_semaphore, #tpu.memory_space<semaphore_mem>>) src(%dma_wait3A_21 : memref<6400xi32, #tpu.memory_space<hbm>>) dst(%arg5 : memref<6400xi32, #tpu.memory_space<vmem>>)
      tpu.yield
    }) : () -> ()
    %scan3A = arith.constant 0 : i32
    %scan3A_5 = arith.constant 25 : i32
    %scan3A_6 = arith.addi %scan3A, %scan3A_5 : i32
    %scan3A_7 = arith.constant 1 : i32
    scf.for %scan3A_19 = %scan3A to %scan3A_6 step %scan3A_7  : i32 {
      %mul3A_20 = arith.constant 1 : i32
      %mul3A_21 = arith.muli %scan3A_19, %mul3A_20 : i32
      %add3A_22 = arith.constant 0 : i32
      %add3A_23 = arith.addi %add3A_22, %mul3A_21 : i32
      %mul3A_24 = arith.constant 16 : i32
      %mul3A_25 = arith.muli %add3A_23, %mul3A_24 : i32
      %add3A_26 = arith.constant 0 : i32
      %add3A_27 = arith.addi %add3A_26, %mul3A_25 : i32
      %get3A = arith.index_cast %add3A_27 : i32 to index
      %get3A_28 = tpu.vector_load %arg5[%get3A] {strides = array<i32>} : memref<6400xi32, #tpu.memory_space<vmem>>, vector<16xi32>,
      %get3A_29 = vector.shape_cast %get3A_28 : vector<16xi32> to vector<16xi32>
      %slice3A = vector.extract_strided_slice %get3A_29 {offsets = [0], sizes = [1], strides = [1]} : vector<16xi32> to vector<1xi32>
      %squeeze3A = vector.extract %slice3A[0] : i32 from vector<1xi32>
      %mul3A_30 = arith.constant 16 : i32
      %mul3A_31 = arith.muli %add3A_23, %mul3A_30 : i32
      %add3A_32 = arith.constant 0 : i32
      %add3A_33 = arith.addi %mul3A_31, %add3A_32 : i32
      %dma_start3A = arith.constant 0 : i32
      %dma_start3A_34 = tpu.memref_slice %arg6[%add3A_33, %dma_start3A] : memref<400x64xf32, #tpu.memory_space<vmem>> -> memref<1x64xf32, #tpu.memory_space<vmem>>
      %dma_start3A_35 = tpu.memref_squeeze %dma_start3A_34 : memref<1x64xf32, #tpu.memory_space<vmem>> -> memref<64xf32, #tpu.memory_space<vmem>>
      %dma_start3A_36 = arith.constant 0 : i32
      %dma_start3A_37 = tpu.memref_slice %arg3[%squeeze3A, %dma_start3A_36] : memref<1000000x64xf32, #tpu.memory_space<hbm>> -> memref<1x64xf32, #tpu.memory_space<hbm>>
      %dma_start3A_38 = tpu.memref_squeeze %dma_start3A_37 : memref<1x64xf32, #tpu.memory_space<hbm>> -> memref<64xf32, #tpu.memory_space<hbm>>
      %dma_start3A_39 = arith.constant 0 : i32
      %dma_start3A_40 = tpu.memref_slice %arg6[%add3A_33, %dma_start3A_39] : memref<400x64xf32, #tpu.memory_space<vmem>> -> memref<1x64xf32, #tpu.memory_space<vmem>>
      %dma_start3A_41 = tpu.memref_squeeze %dma_start3A_40 : memref<1x64xf32, #tpu.memory_space<vmem>> -> memref<64xf32, #tpu.memory_space<vmem>>
      %dma_start3A_42 = arith.constant 0 : i32
      %dma_start3A_43 = tpu.memref_slice %arg3[%squeeze3A, %dma_start3A_42] : memref<1000000x64xf32, #tpu.memory_space<hbm>> -> memref<1x64xf32, #tpu.memory_space<hbm>>
      %dma_start3A_44 = tpu.memref_squeeze %dma_start3A_43 : memref<1x64xf32, #tpu.memory_space<hbm>> -> memref<64xf32, #tpu.memory_space<hbm>>
      tpu.enqueue_dma source(%dma_start3A_44 : memref<64xf32, #tpu.memory_space<hbm>>) target(%dma_start3A_41 : memref<64xf32, #tpu.memory_space<vmem>>) target_semaphore(%arg8 : memref<!tpu.dma_semaphore, #tpu.memory_space<semaphore_mem>>)
      %slice3A_45 = vector.extract_strided_slice %get3A_29 {offsets = [1], sizes = [1], strides = [1]} : vector<16xi32> to vector<1xi32>
      %squeeze3A_46 = vector.extract %slice3A_45[0] : i32 from vector<1xi32>
      %mul3A_47 = arith.constant 16 : i32
      %mul3A_48 = arith.muli %add3A_23, %mul3A_47 : i32
      %add3A_49 = arith.constant 1 : i32
      %add3A_50 = arith.addi %mul3A_48, %add3A_49 : i32
      %dma_start3A_51 = arith.constant 0 : i32
      %dma_start3A_52 = tpu.memref_slice %arg6[%add3A_50, %dma_start3A_51] : memref<400x64xf32, #tpu.memory_space<vmem>> -> memref<1x64xf32, #tpu.memory_space<vmem>>
      %dma_start3A_53 = tpu.memref_squeeze %dma_start3A_52 : memref<1x64xf32, #tpu.memory_space<vmem>> -> memref<64xf32, #tpu.memory_space<vmem>>
      %dma_start3A_54 = arith.constant 0 : i32
      %dma_start3A_55 = tpu.memref_slice %arg3[%squeeze3A_46, %dma_start3A_54] : memref<1000000x64xf32, #tpu.memory_space<hbm>> -> memref<1x64xf32, #tpu.memory_space<hbm>>
      %dma_start3A_56 = tpu.memref_squeeze %dma_start3A_55 : memref<1x64xf32, #tpu.memory_space<hbm>> -> memref<64xf32, #tpu.memory_space<hbm>>
      %dma_start3A_57 = arith.constant 0 : i32
      %dma_start3A_58 = tpu.memref_slice %arg6[%add3A_50, %dma_start3A_57] : memref<400x64xf32, #tpu.memory_space<vmem>> -> memref<1x64xf32, #tpu.memory_space<vmem>>
      %dma_start3A_59 = tpu.memref_squeeze %dma_start3A_58 : memref<1x64xf32, #tpu.memory_space<vmem>> -> memref<64xf32, #tpu.memory_space<vmem>>
      %dma_start3A_60 = arith.constant 0 : i32
      %dma_start3A_61 = tpu.memref_slice %arg3[%squeeze3A_46, %dma_start3A_60] : memref<1000000x64xf32, #tpu.memory_space<hbm>> -> memref<1x64xf32, #tpu.memory_space<hbm>>
      %dma_start3A_62 = tpu.memref_squeeze %dma_start3A_61 : memref<1x64xf32, #tpu.memory_space<hbm>> -> memref<64xf32, #tpu.memory_space<hbm>>
      tpu.enqueue_dma source(%dma_start3A_62 : memref<64xf32, #tpu.memory_space<hbm>>) target(%dma_start3A_59 : memref<64xf32, #tpu.memory_space<vmem>>) target_semaphore(%arg8 : memref<!tpu.dma_semaphore, #tpu.memory_space<semaphore_mem>>)
      %slice3A_63 = vector.extract_strided_slice %get3A_29 {offsets = [2], sizes = [1], strides = [1]} : vector<16xi32> to vector<1xi32>
      %squeeze3A_64 = vector.extract %slice3A_63[0] : i32 from vector<1xi32>
      %mul3A_65 = arith.constant 16 : i32
      %mul3A_66 = arith.muli %add3A_23, %mul3A_65 : i32
      %add3A_67 = arith.constant 2 : i32
      %add3A_68 = arith.addi %mul3A_66, %add3A_67 : i32
      %dma_start3A_69 = arith.constant 0 : i32
      %dma_start3A_70 = tpu.memref_slice %arg6[%add3A_68, %dma_start3A_69] : memref<400x64xf32, #tpu.memory_space<vmem>> -> memref<1x64xf32, #tpu.memory_space<vmem>>
      %dma_start3A_71 = tpu.memref_squeeze %dma_start3A_70 : memref<1x64xf32, #tpu.memory_space<vmem>> -> memref<64xf32, #tpu.memory_space<vmem>>
      %dma_start3A_72 = arith.constant 0 : i32
      %dma_start3A_73 = tpu.memref_slice %arg3[%squeeze3A_64, %dma_start3A_72] : memref<1000000x64xf32, #tpu.memory_space<hbm>> -> memref<1x64xf32, #tpu.memory_space<hbm>>
      %dma_start3A_74 = tpu.memref_squeeze %dma_start3A_73 : memref<1x64xf32, #tpu.memory_space<hbm>> -> memref<64xf32, #tpu.memory_space<hbm>>
      %dma_start3A_75 = arith.constant 0 : i32
      %dma_start3A_76 = tpu.memref_slice %arg6[%add3A_68, %dma_start3A_75] : memref<400x64xf32, #tpu.memory_space<vmem>> -> memref<1x64xf32, #tpu.memory_space<vmem>>
      %dma_start3A_77 = tpu.memref_squeeze %dma_start3A_76 : memref<1x64xf32, #tpu.memory_space<vmem>> -> memref<64xf32, #tpu.memory_space<vmem>>
      %dma_start3A_78 = arith.constant 0 : i32
      %dma_start3A_79 = tpu.memref_slice %arg3[%squeeze3A_64, %dma_start3A_78] : memref<1000000x64xf32, #tpu.memory_space<hbm>> -> memref<1x64xf32, #tpu.memory_space<hbm>>
      %dma_start3A_80 = tpu.memref_squeeze %dma_start3A_79 : memref<1x64xf32, #tpu.memory_space<hbm>> -> memref<64xf32, #tpu.memory_space<hbm>>
      tpu.enqueue_dma source(%dma_start3A_80 : memref<64xf32, #tpu.memory_space<hbm>>) target(%dma_start3A_77 : memref<64xf32, #tpu.memory_space<vmem>>) target_semaphore(%arg8 : memref<!tpu.dma_semaphore, #tpu.memory_space<semaphore_mem>>)
      %slice3A_81 = vector.extract_strided_slice %get3A_29 {offsets = [3], sizes = [1], strides = [1]} : vector<16xi32> to vector<1xi32>
      %squeeze3A_82 = vector.extract %slice3A_81[0] : i32 from vector<1xi32>
      %mul3A_83 = arith.constant 16 : i32
      %mul3A_84 = arith.muli %add3A_23, %mul3A_83 : i32
      %add3A_85 = arith.constant 3 : i32
      %add3A_86 = arith.addi %mul3A_84, %add3A_85 : i32
      %dma_start3A_87 = arith.constant 0 : i32
      %dma_start3A_88 = tpu.memref_slice %arg6[%add3A_86, %dma_start3A_87] : memref<400x64xf32, #tpu.memory_space<vmem>> -> memref<1x64xf32, #tpu.memory_space<vmem>>
      %dma_start3A_89 = tpu.memref_squeeze %dma_start3A_88 : memref<1x64xf32, #tpu.memory_space<vmem>> -> memref<64xf32, #tpu.memory_space<vmem>>
      %dma_start3A_90 = arith.constant 0 : i32
      %dma_start3A_91 = tpu.memref_slice %arg3[%squeeze3A_82, %dma_start3A_90] : memref<1000000x64xf32, #tpu.memory_space<hbm>> -> memref<1x64xf32, #tpu.memory_space<hbm>>
      %dma_start3A_92 = tpu.memref_squeeze %dma_start3A_91 : memref<1x64xf32, #tpu.memory_space<hbm>> -> memref<64xf32, #tpu.memory_space<hbm>>
      %dma_start3A_93 = arith.constant 0 : i32
      %dma_start3A_94 = tpu.memref_slice %arg6[%add3A_86, %dma_start3A_93] : memref<400x64xf32, #tpu.memory_space<vmem>> -> memref<1x64xf32, #tpu.memory_space<vmem>>
      %dma_start3A_95 = tpu.memref_squeeze %dma_start3A_94 : memref<1x64xf32, #tpu.memory_space<vmem>> -> memref<64xf32, #tpu.memory_space<vmem>>
      %dma_start3A_96 = arith.constant 0 : i32
      %dma_start3A_97 = tpu.memref_slice %arg3[%squeeze3A_82, %dma_start3A_96] : memref<1000000x64xf32, #tpu.memory_space<hbm>> -> memref<1x64xf32, #tpu.memory_space<hbm>>
      %dma_start3A_98 = tpu.memref_squeeze %dma_start3A_97 : memref<1x64xf32, #tpu.memory_space<hbm>> -> memref<64xf32, #tpu.memory_space<hbm>>
      tpu.enqueue_dma source(%dma_start3A_98 : memref<64xf32, #tpu.memory_space<hbm>>) target(%dma_start3A_95 : memref<64xf32, #tpu.memory_space<vmem>>) target_semaphore(%arg8 : memref<!tpu.dma_semaphore, #tpu.memory_space<semaphore_mem>>)
      %slice3A_99 = vector.extract_strided_slice %get3A_29 {offsets = [4], sizes = [1], strides = [1]} : vector<16xi32> to vector<1xi32>
      %squeeze3A_100 = vector.extract %slice3A_99[0] : i32 from vector<1xi32>
      %mul3A_101 = arith.constant 16 : i32
      %mul3A_102 = arith.muli %add3A_23, %mul3A_101 : i32
      %add3A_103 = arith.constant 4 : i32
      %add3A_104 = arith.addi %mul3A_102, %add3A_103 : i32
      %dma_start3A_105 = arith.constant 0 : i32
      %dma_start3A_106 = tpu.memref_slice %arg6[%add3A_104, %dma_start3A_105] : memref<400x64xf32, #tpu.memory_space<vmem>> -> memref<1x64xf32, #tpu.memory_space<vmem>>
      %dma_start3A_107 = tpu.memref_squeeze %dma_start3A_106 : memref<1x64xf32, #tpu.memory_space<vmem>> -> memref<64xf32, #tpu.memory_space<vmem>>
      %dma_start3A_108 = arith.constant 0 : i32
      %dma_start3A_109 = tpu.memref_slice %arg3[%squeeze3A_100, %dma_start3A_108] : memref<1000000x64xf32, #tpu.memory_space<hbm>> -> memref<1x64xf32, #tpu.memory_space<hbm>>
      %dma_start3A_110 = tpu.memref_squeeze %dma_start3A_109 : memref<1x64xf32, #tpu.memory_space<hbm>> -> memref<64xf32, #tpu.memory_space<hbm>>
      %dma_start3A_111 = arith.constant 0 : i32
      %dma_start3A_112 = tpu.memref_slice %arg6[%add3A_104, %dma_start3A_111] : memref<400x64xf32, #tpu.memory_space<vmem>> -> memref<1x64xf32, #tpu.memory_space<vmem>>
      %dma_start3A_113 = tpu.memref_squeeze %dma_start3A_112 : memref<1x64xf32, #tpu.memory_space<vmem>> -> memref<64xf32, #tpu.memory_space<vmem>>
      %dma_start3A_114 = arith.constant 0 : i32
      %dma_start3A_115 = tpu.memref_slice %arg3[%squeeze3A_100, %dma_start3A_114] : memref<1000000x64xf32, #tpu.memory_space<hbm>> -> memref<1x64xf32, #tpu.memory_space<hbm>>
      %dma_start3A_116 = tpu.memref_squeeze %dma_start3A_115 : memref<1x64xf32, #tpu.memory_space<hbm>> -> memref<64xf32, #tpu.memory_space<hbm>>
      tpu.enqueue_dma source(%dma_start3A_116 : memref<64xf32, #tpu.memory_space<hbm>>) target(%dma_start3A_113 : memref<64xf32, #tpu.memory_space<vmem>>) target_semaphore(%arg8 : memref<!tpu.dma_semaphore, #tpu.memory_space<semaphore_mem>>)
      %slice3A_117 = vector.extract_strided_slice %get3A_29 {offsets = [5], sizes = [1], strides = [1]} : vector<16xi32> to vector<1xi32>
      %squeeze3A_118 = vector.extract %slice3A_117[0] : i32 from vector<1xi32>
      %mul3A_119 = arith.constant 16 : i32
      %mul3A_120 = arith.muli %add3A_23, %mul3A_119 : i32
      %add3A_121 = arith.constant 5 : i32
      %add3A_122 = arith.addi %mul3A_120, %add3A_121 : i32
      %dma_start3A_123 = arith.constant 0 : i32
      %dma_start3A_124 = tpu.memref_slice %arg6[%add3A_122, %dma_start3A_123] : memref<400x64xf32, #tpu.memory_space<vmem>> -> memref<1x64xf32, #tpu.memory_space<vmem>>
      %dma_start3A_125 = tpu.memref_squeeze %dma_start3A_124 : memref<1x64xf32, #tpu.memory_space<vmem>> -> memref<64xf32, #tpu.memory_space<vmem>>
      %dma_start3A_126 = arith.constant 0 : i32
      %dma_start3A_127 = tpu.memref_slice %arg3[%squeeze3A_118, %dma_start3A_126] : memref<1000000x64xf32, #tpu.memory_space<hbm>> -> memref<1x64xf32, #tpu.memory_space<hbm>>
      %dma_start3A_128 = tpu.memref_squeeze %dma_start3A_127 : memref<1x64xf32, #tpu.memory_space<hbm>> -> memref<64xf32, #tpu.memory_space<hbm>>
      %dma_start3A_129 = arith.constant 0 : i32
      %dma_start3A_130 = tpu.memref_slice %arg6[%add3A_122, %dma_start3A_129] : memref<400x64xf32, #tpu.memory_space<vmem>> -> memref<1x64xf32, #tpu.memory_space<vmem>>
      %dma_start3A_131 = tpu.memref_squeeze %dma_start3A_130 : memref<1x64xf32, #tpu.memory_space<vmem>> -> memref<64xf32, #tpu.memory_space<vmem>>
      %dma_start3A_132 = arith.constant 0 : i32
      %dma_start3A_133 = tpu.memref_slice %arg3[%squeeze3A_118, %dma_start3A_132] : memref<1000000x64xf32, #tpu.memory_space<hbm>> -> memref<1x64xf32, #tpu.memory_space<hbm>>
      %dma_start3A_134 = tpu.memref_squeeze %dma_start3A_133 : memref<1x64xf32, #tpu.memory_space<hbm>> -> memref<64xf32, #tpu.memory_space<hbm>>
      tpu.enqueue_dma source(%dma_start3A_134 : memref<64xf32, #tpu.memory_space<hbm>>) target(%dma_start3A_131 : memref<64xf32, #tpu.memory_space<vmem>>) target_semaphore(%arg8 : memref<!tpu.dma_semaphore, #tpu.memory_space<semaphore_mem>>)
      %slice3A_135 = vector.extract_strided_slice %get3A_29 {offsets = [6], sizes = [1], strides = [1]} : vector<16xi32> to vector<1xi32>
      %squeeze3A_136 = vector.extract %slice3A_135[0] : i32 from vector<1xi32>
      %mul3A_137 = arith.constant 16 : i32
      %mul3A_138 = arith.muli %add3A_23, %mul3A_137 : i32
      %add3A_139 = arith.constant 6 : i32
      %add3A_140 = arith.addi %mul3A_138, %add3A_139 : i32
      %dma_start3A_141 = arith.constant 0 : i32
      %dma_start3A_142 = tpu.memref_slice %arg6[%add3A_140, %dma_start3A_141] : memref<400x64xf32, #tpu.memory_space<vmem>> -> memref<1x64xf32, #tpu.memory_space<vmem>>
      %dma_start3A_143 = tpu.memref_squeeze %dma_start3A_142 : memref<1x64xf32, #tpu.memory_space<vmem>> -> memref<64xf32, #tpu.memory_space<vmem>>
      %dma_start3A_144 = arith.constant 0 : i32
      %dma_start3A_145 = tpu.memref_slice %arg3[%squeeze3A_136, %dma_start3A_144] : memref<1000000x64xf32, #tpu.memory_space<hbm>> -> memref<1x64xf32, #tpu.memory_space<hbm>>
      %dma_start3A_146 = tpu.memref_squeeze %dma_start3A_145 : memref<1x64xf32, #tpu.memory_space<hbm>> -> memref<64xf32, #tpu.memory_space<hbm>>
      %dma_start3A_147 = arith.constant 0 : i32
      %dma_start3A_148 = tpu.memref_slice %arg6[%add3A_140, %dma_start3A_147] : memref<400x64xf32, #tpu.memory_space<vmem>> -> memref<1x64xf32, #tpu.memory_space<vmem>>
      %dma_start3A_149 = tpu.memref_squeeze %dma_start3A_148 : memref<1x64xf32, #tpu.memory_space<vmem>> -> memref<64xf32, #tpu.memory_space<vmem>>
      %dma_start3A_150 = arith.constant 0 : i32
      %dma_start3A_151 = tpu.memref_slice %arg3[%squeeze3A_136, %dma_start3A_150] : memref<1000000x64xf32, #tpu.memory_space<hbm>> -> memref<1x64xf32, #tpu.memory_space<hbm>>
      %dma_start3A_152 = tpu.memref_squeeze %dma_start3A_151 : memref<1x64xf32, #tpu.memory_space<hbm>> -> memref<64xf32, #tpu.memory_space<hbm>>
      tpu.enqueue_dma source(%dma_start3A_152 : memref<64xf32, #tpu.memory_space<hbm>>) target(%dma_start3A_149 : memref<64xf32, #tpu.memory_space<vmem>>) target_semaphore(%arg8 : memref<!tpu.dma_semaphore, #tpu.memory_space<semaphore_mem>>)
      %slice3A_153 = vector.extract_strided_slice %get3A_29 {offsets = [7], sizes = [1], strides = [1]} : vector<16xi32> to vector<1xi32>
      %squeeze3A_154 = vector.extract %slice3A_153[0] : i32 from vector<1xi32>
      %mul3A_155 = arith.constant 16 : i32
      %mul3A_156 = arith.muli %add3A_23, %mul3A_155 : i32
      %add3A_157 = arith.constant 7 : i32
      %add3A_158 = arith.addi %mul3A_156, %add3A_157 : i32
      %dma_start3A_159 = arith.constant 0 : i32
      %dma_start3A_160 = tpu.memref_slice %arg6[%add3A_158, %dma_start3A_159] : memref<400x64xf32, #tpu.memory_space<vmem>> -> memref<1x64xf32, #tpu.memory_space<vmem>>
      %dma_start3A_161 = tpu.memref_squeeze %dma_start3A_160 : memref<1x64xf32, #tpu.memory_space<vmem>> -> memref<64xf32, #tpu.memory_space<vmem>>
      %dma_start3A_162 = arith.constant 0 : i32
      %dma_start3A_163 = tpu.memref_slice %arg3[%squeeze3A_154, %dma_start3A_162] : memref<1000000x64xf32, #tpu.memory_space<hbm>> -> memref<1x64xf32, #tpu.memory_space<hbm>>
      %dma_start3A_164 = tpu.memref_squeeze %dma_start3A_163 : memref<1x64xf32, #tpu.memory_space<hbm>> -> memref<64xf32, #tpu.memory_space<hbm>>
      %dma_start3A_165 = arith.constant 0 : i32
      %dma_start3A_166 = tpu.memref_slice %arg6[%add3A_158, %dma_start3A_165] : memref<400x64xf32, #tpu.memory_space<vmem>> -> memref<1x64xf32, #tpu.memory_space<vmem>>
      %dma_start3A_167 = tpu.memref_squeeze %dma_start3A_166 : memref<1x64xf32, #tpu.memory_space<vmem>> -> memref<64xf32, #tpu.memory_space<vmem>>
      %dma_start3A_168 = arith.constant 0 : i32
      %dma_start3A_169 = tpu.memref_slice %arg3[%squeeze3A_154, %dma_start3A_168] : memref<1000000x64xf32, #tpu.memory_space<hbm>> -> memref<1x64xf32, #tpu.memory_space<hbm>>
      %dma_start3A_170 = tpu.memref_squeeze %dma_start3A_169 : memref<1x64xf32, #tpu.memory_space<hbm>> -> memref<64xf32, #tpu.memory_space<hbm>>
      tpu.enqueue_dma source(%dma_start3A_170 : memref<64xf32, #tpu.memory_space<hbm>>) target(%dma_start3A_167 : memref<64xf32, #tpu.memory_space<vmem>>) target_semaphore(%arg8 : memref<!tpu.dma_semaphore, #tpu.memory_space<semaphore_mem>>)
      %slice3A_171 = vector.extract_strided_slice %get3A_29 {offsets = [8], sizes = [1], strides = [1]} : vector<16xi32> to vector<1xi32>
      %squeeze3A_172 = vector.extract %slice3A_171[0] : i32 from vector<1xi32>
      %mul3A_173 = arith.constant 16 : i32
      %mul3A_174 = arith.muli %add3A_23, %mul3A_173 : i32
      %add3A_175 = arith.constant 8 : i32
      %add3A_176 = arith.addi %mul3A_174, %add3A_175 : i32
      %dma_start3A_177 = arith.constant 0 : i32
      %dma_start3A_178 = tpu.memref_slice %arg6[%add3A_176, %dma_start3A_177] : memref<400x64xf32, #tpu.memory_space<vmem>> -> memref<1x64xf32, #tpu.memory_space<vmem>>
      %dma_start3A_179 = tpu.memref_squeeze %dma_start3A_178 : memref<1x64xf32, #tpu.memory_space<vmem>> -> memref<64xf32, #tpu.memory_space<vmem>>
      %dma_start3A_180 = arith.constant 0 : i32
      %dma_start3A_181 = tpu.memref_slice %arg3[%squeeze3A_172, %dma_start3A_180] : memref<1000000x64xf32, #tpu.memory_space<hbm>> -> memref<1x64xf32, #tpu.memory_space<hbm>>
      %dma_start3A_182 = tpu.memref_squeeze %dma_start3A_181 : memref<1x64xf32, #tpu.memory_space<hbm>> -> memref<64xf32, #tpu.memory_space<hbm>>
      %dma_start3A_183 = arith.constant 0 : i32
      %dma_start3A_184 = tpu.memref_slice %arg6[%add3A_176, %dma_start3A_183] : memref<400x64xf32, #tpu.memory_space<vmem>> -> memref<1x64xf32, #tpu.memory_space<vmem>>
      %dma_start3A_185 = tpu.memref_squeeze %dma_start3A_184 : memref<1x64xf32, #tpu.memory_space<vmem>> -> memref<64xf32, #tpu.memory_space<vmem>>
      %dma_start3A_186 = arith.constant 0 : i32
      %dma_start3A_187 = tpu.memref_slice %arg3[%squeeze3A_172, %dma_start3A_186] : memref<1000000x64xf32, #tpu.memory_space<hbm>> -> memref<1x64xf32, #tpu.memory_space<hbm>>
      %dma_start3A_188 = tpu.memref_squeeze %dma_start3A_187 : memref<1x64xf32, #tpu.memory_space<hbm>> -> memref<64xf32, #tpu.memory_space<hbm>>
      tpu.enqueue_dma source(%dma_start3A_188 : memref<64xf32, #tpu.memory_space<hbm>>) target(%dma_start3A_185 : memref<64xf32, #tpu.memory_space<vmem>>) target_semaphore(%arg8 : memref<!tpu.dma_semaphore, #tpu.memory_space<semaphore_mem>>)
      %slice3A_189 = vector.extract_strided_slice %get3A_29 {offsets = [9], sizes = [1], strides = [1]} : vector<16xi32> to vector<1xi32>
      %squeeze3A_190 = vector.extract %slice3A_189[0] : i32 from vector<1xi32>
      %mul3A_191 = arith.constant 16 : i32
      %mul3A_192 = arith.muli %add3A_23, %mul3A_191 : i32
      %add3A_193 = arith.constant 9 : i32
      %add3A_194 = arith.addi %mul3A_192, %add3A_193 : i32
      %dma_start3A_195 = arith.constant 0 : i32
      %dma_start3A_196 = tpu.memref_slice %arg6[%add3A_194, %dma_start3A_195] : memref<400x64xf32, #tpu.memory_space<vmem>> -> memref<1x64xf32, #tpu.memory_space<vmem>>
      %dma_start3A_197 = tpu.memref_squeeze %dma_start3A_196 : memref<1x64xf32, #tpu.memory_space<vmem>> -> memref<64xf32, #tpu.memory_space<vmem>>
      %dma_start3A_198 = arith.constant 0 : i32
      %dma_start3A_199 = tpu.memref_slice %arg3[%squeeze3A_190, %dma_start3A_198] : memref<1000000x64xf32, #tpu.memory_space<hbm>> -> memref<1x64xf32, #tpu.memory_space<hbm>>
      %dma_start3A_200 = tpu.memref_squeeze %dma_start3A_199 : memref<1x64xf32, #tpu.memory_space<hbm>> -> memref<64xf32, #tpu.memory_space<hbm>>
      %dma_start3A_201 = arith.constant 0 : i32
      %dma_start3A_202 = tpu.memref_slice %arg6[%add3A_194, %dma_start3A_201] : memref<400x64xf32, #tpu.memory_space<vmem>> -> memref<1x64xf32, #tpu.memory_space<vmem>>
      %dma_start3A_203 = tpu.memref_squeeze %dma_start3A_202 : memref<1x64xf32, #tpu.memory_space<vmem>> -> memref<64xf32, #tpu.memory_space<vmem>>
      %dma_start3A_204 = arith.constant 0 : i32
      %dma_start3A_205 = tpu.memref_slice %arg3[%squeeze3A_190, %dma_start3A_204] : memref<1000000x64xf32, #tpu.memory_space<hbm>> -> memref<1x64xf32, #tpu.memory_space<hbm>>
      %dma_start3A_206 = tpu.memref_squeeze %dma_start3A_205 : memref<1x64xf32, #tpu.memory_space<hbm>> -> memref<64xf32, #tpu.memory_space<hbm>>
      tpu.enqueue_dma source(%dma_start3A_206 : memref<64xf32, #tpu.memory_space<hbm>>) target(%dma_start3A_203 : memref<64xf32, #tpu.memory_space<vmem>>) target_semaphore(%arg8 : memref<!tpu.dma_semaphore, #tpu.memory_space<semaphore_mem>>)
      %slice3A_207 = vector.extract_strided_slice %get3A_29 {offsets = [10], sizes = [1], strides = [1]} : vector<16xi32> to vector<1xi32>
      %squeeze3A_208 = vector.extract %slice3A_207[0] : i32 from vector<1xi32>
      %mul3A_209 = arith.constant 16 : i32
      %mul3A_210 = arith.muli %add3A_23, %mul3A_209 : i32
      %add3A_211 = arith.constant 10 : i32
      %add3A_212 = arith.addi %mul3A_210, %add3A_211 : i32
      %dma_start3A_213 = arith.constant 0 : i32
      %dma_start3A_214 = tpu.memref_slice %arg6[%add3A_212, %dma_start3A_213] : memref<400x64xf32, #tpu.memory_space<vmem>> -> memref<1x64xf32, #tpu.memory_space<vmem>>
      %dma_start3A_215 = tpu.memref_squeeze %dma_start3A_214 : memref<1x64xf32, #tpu.memory_space<vmem>> -> memref<64xf32, #tpu.memory_space<vmem>>
      %dma_start3A_216 = arith.constant 0 : i32
      %dma_start3A_217 = tpu.memref_slice %arg3[%squeeze3A_208, %dma_start3A_216] : memref<1000000x64xf32, #tpu.memory_space<hbm>> -> memref<1x64xf32, #tpu.memory_space<hbm>>
      %dma_start3A_218 = tpu.memref_squeeze %dma_start3A_217 : memref<1x64xf32, #tpu.memory_space<hbm>> -> memref<64xf32, #tpu.memory_space<hbm>>
      %dma_start3A_219 = arith.constant 0 : i32
      %dma_start3A_220 = tpu.memref_slice %arg6[%add3A_212, %dma_start3A_219] : memref<400x64xf32, #tpu.memory_space<vmem>> -> memref<1x64xf32, #tpu.memory_space<vmem>>
      %dma_start3A_221 = tpu.memref_squeeze %dma_start3A_220 : memref<1x64xf32, #tpu.memory_space<vmem>> -> memref<64xf32, #tpu.memory_space<vmem>>
      %dma_start3A_222 = arith.constant 0 : i32
      %dma_start3A_223 = tpu.memref_slice %arg3[%squeeze3A_208, %dma_start3A_222] : memref<1000000x64xf32, #tpu.memory_space<hbm>> -> memref<1x64xf32, #tpu.memory_space<hbm>>
      %dma_start3A_224 = tpu.memref_squeeze %dma_start3A_223 : memref<1x64xf32, #tpu.memory_space<hbm>> -> memref<64xf32, #tpu.memory_space<hbm>>
      tpu.enqueue_dma source(%dma_start3A_224 : memref<64xf32, #tpu.memory_space<hbm>>) target(%dma_start3A_221 : memref<64xf32, #tpu.memory_space<vmem>>) target_semaphore(%arg8 : memref<!tpu.dma_semaphore, #tpu.memory_space<semaphore_mem>>)
      %slice3A_225 = vector.extract_strided_slice %get3A_29 {offsets = [11], sizes = [1], strides = [1]} : vector<16xi32> to vector<1xi32>
      %squeeze3A_226 = vector.extract %slice3A_225[0] : i32 from vector<1xi32>
      %mul3A_227 = arith.constant 16 : i32
      %mul3A_228 = arith.muli %add3A_23, %mul3A_227 : i32
      %add3A_229 = arith.constant 11 : i32
      %add3A_230 = arith.addi %mul3A_228, %add3A_229 : i32
      %dma_start3A_231 = arith.constant 0 : i32
      %dma_start3A_232 = tpu.memref_slice %arg6[%add3A_230, %dma_start3A_231] : memref<400x64xf32, #tpu.memory_space<vmem>> -> memref<1x64xf32, #tpu.memory_space<vmem>>
      %dma_start3A_233 = tpu.memref_squeeze %dma_start3A_232 : memref<1x64xf32, #tpu.memory_space<vmem>> -> memref<64xf32, #tpu.memory_space<vmem>>
      %dma_start3A_234 = arith.constant 0 : i32
      %dma_start3A_235 = tpu.memref_slice %arg3[%squeeze3A_226, %dma_start3A_234] : memref<1000000x64xf32, #tpu.memory_space<hbm>> -> memref<1x64xf32, #tpu.memory_space<hbm>>
      %dma_start3A_236 = tpu.memref_squeeze %dma_start3A_235 : memref<1x64xf32, #tpu.memory_space<hbm>> -> memref<64xf32, #tpu.memory_space<hbm>>
      %dma_start3A_237 = arith.constant 0 : i32
      %dma_start3A_238 = tpu.memref_slice %arg6[%add3A_230, %dma_start3A_237] : memref<400x64xf32, #tpu.memory_space<vmem>> -> memref<1x64xf32, #tpu.memory_space<vmem>>
      %dma_start3A_239 = tpu.memref_squeeze %dma_start3A_238 : memref<1x64xf32, #tpu.memory_space<vmem>> -> memref<64xf32, #tpu.memory_space<vmem>>
      %dma_start3A_240 = arith.constant 0 : i32
      %dma_start3A_241 = tpu.memref_slice %arg3[%squeeze3A_226, %dma_start3A_240] : memref<1000000x64xf32, #tpu.memory_space<hbm>> -> memref<1x64xf32, #tpu.memory_space<hbm>>
      %dma_start3A_242 = tpu.memref_squeeze %dma_start3A_241 : memref<1x64xf32, #tpu.memory_space<hbm>> -> memref<64xf32, #tpu.memory_space<hbm>>
      tpu.enqueue_dma source(%dma_start3A_242 : memref<64xf32, #tpu.memory_space<hbm>>) target(%dma_start3A_239 : memref<64xf32, #tpu.memory_space<vmem>>) target_semaphore(%arg8 : memref<!tpu.dma_semaphore, #tpu.memory_space<semaphore_mem>>)
      %slice3A_243 = vector.extract_strided_slice %get3A_29 {offsets = [12], sizes = [1], strides = [1]} : vector<16xi32> to vector<1xi32>
      %squeeze3A_244 = vector.extract %slice3A_243[0] : i32 from vector<1xi32>
      %mul3A_245 = arith.constant 16 : i32
      %mul3A_246 = arith.muli %add3A_23, %mul3A_245 : i32
      %add3A_247 = arith.constant 12 : i32
      %add3A_248 = arith.addi %mul3A_246, %add3A_247 : i32
      %dma_start3A_249 = arith.constant 0 : i32
      %dma_start3A_250 = tpu.memref_slice %arg6[%add3A_248, %dma_start3A_249] : memref<400x64xf32, #tpu.memory_space<vmem>> -> memref<1x64xf32, #tpu.memory_space<vmem>>
      %dma_start3A_251 = tpu.memref_squeeze %dma_start3A_250 : memref<1x64xf32, #tpu.memory_space<vmem>> -> memref<64xf32, #tpu.memory_space<vmem>>
      %dma_start3A_252 = arith.constant 0 : i32
      %dma_start3A_253 = tpu.memref_slice %arg3[%squeeze3A_244, %dma_start3A_252] : memref<1000000x64xf32, #tpu.memory_space<hbm>> -> memref<1x64xf32, #tpu.memory_space<hbm>>
      %dma_start3A_254 = tpu.memref_squeeze %dma_start3A_253 : memref<1x64xf32, #tpu.memory_space<hbm>> -> memref<64xf32, #tpu.memory_space<hbm>>
      %dma_start3A_255 = arith.constant 0 : i32
      %dma_start3A_256 = tpu.memref_slice %arg6[%add3A_248, %dma_start3A_255] : memref<400x64xf32, #tpu.memory_space<vmem>> -> memref<1x64xf32, #tpu.memory_space<vmem>>
      %dma_start3A_257 = tpu.memref_squeeze %dma_start3A_256 : memref<1x64xf32, #tpu.memory_space<vmem>> -> memref<64xf32, #tpu.memory_space<vmem>>
      %dma_start3A_258 = arith.constant 0 : i32
      %dma_start3A_259 = tpu.memref_slice %arg3[%squeeze3A_244, %dma_start3A_258] : memref<1000000x64xf32, #tpu.memory_space<hbm>> -> memref<1x64xf32, #tpu.memory_space<hbm>>
      %dma_start3A_260 = tpu.memref_squeeze %dma_start3A_259 : memref<1x64xf32, #tpu.memory_space<hbm>> -> memref<64xf32, #tpu.memory_space<hbm>>
      tpu.enqueue_dma source(%dma_start3A_260 : memref<64xf32, #tpu.memory_space<hbm>>) target(%dma_start3A_257 : memref<64xf32, #tpu.memory_space<vmem>>) target_semaphore(%arg8 : memref<!tpu.dma_semaphore, #tpu.memory_space<semaphore_mem>>)
      %slice3A_261 = vector.extract_strided_slice %get3A_29 {offsets = [13], sizes = [1], strides = [1]} : vector<16xi32> to vector<1xi32>
      %squeeze3A_262 = vector.extract %slice3A_261[0] : i32 from vector<1xi32>
      %mul3A_263 = arith.constant 16 : i32
      %mul3A_264 = arith.muli %add3A_23, %mul3A_263 : i32
      %add3A_265 = arith.constant 13 : i32
      %add3A_266 = arith.addi %mul3A_264, %add3A_265 : i32
      %dma_start3A_267 = arith.constant 0 : i32
      %dma_start3A_268 = tpu.memref_slice %arg6[%add3A_266, %dma_start3A_267] : memref<400x64xf32, #tpu.memory_space<vmem>> -> memref<1x64xf32, #tpu.memory_space<vmem>>
      %dma_start3A_269 = tpu.memref_squeeze %dma_start3A_268 : memref<1x64xf32, #tpu.memory_space<vmem>> -> memref<64xf32, #tpu.memory_space<vmem>>
      %dma_start3A_270 = arith.constant 0 : i32
      %dma_start3A_271 = tpu.memref_slice %arg3[%squeeze3A_262, %dma_start3A_270] : memref<1000000x64xf32, #tpu.memory_space<hbm>> -> memref<1x64xf32, #tpu.memory_space<hbm>>
      %dma_start3A_272 = tpu.memref_squeeze %dma_start3A_271 : memref<1x64xf32, #tpu.memory_space<hbm>> -> memref<64xf32, #tpu.memory_space<hbm>>
      %dma_start3A_273 = arith.constant 0 : i32
      %dma_start3A_274 = tpu.memref_slice %arg6[%add3A_266, %dma_start3A_273] : memref<400x64xf32, #tpu.memory_space<vmem>> -> memref<1x64xf32, #tpu.memory_space<vmem>>
      %dma_start3A_275 = tpu.memref_squeeze %dma_start3A_274 : memref<1x64xf32, #tpu.memory_space<vmem>> -> memref<64xf32, #tpu.memory_space<vmem>>
      %dma_start3A_276 = arith.constant 0 : i32
      %dma_start3A_277 = tpu.memref_slice %arg3[%squeeze3A_262, %dma_start3A_276] : memref<1000000x64xf32, #tpu.memory_space<hbm>> -> memref<1x64xf32, #tpu.memory_space<hbm>>
      %dma_start3A_278 = tpu.memref_squeeze %dma_start3A_277 : memref<1x64xf32, #tpu.memory_space<hbm>> -> memref<64xf32, #tpu.memory_space<hbm>>
      tpu.enqueue_dma source(%dma_start3A_278 : memref<64xf32, #tpu.memory_space<hbm>>) target(%dma_start3A_275 : memref<64xf32, #tpu.memory_space<vmem>>) target_semaphore(%arg8 : memref<!tpu.dma_semaphore, #tpu.memory_space<semaphore_mem>>)
      %slice3A_279 = vector.extract_strided_slice %get3A_29 {offsets = [14], sizes = [1], strides = [1]} : vector<16xi32> to vector<1xi32>
      %squeeze3A_280 = vector.extract %slice3A_279[0] : i32 from vector<1xi32>
      %mul3A_281 = arith.constant 16 : i32
      %mul3A_282 = arith.muli %add3A_23, %mul3A_281 : i32
      %add3A_283 = arith.constant 14 : i32
      %add3A_284 = arith.addi %mul3A_282, %add3A_283 : i32
      %dma_start3A_285 = arith.constant 0 : i32
      %dma_start3A_286 = tpu.memref_slice %arg6[%add3A_284, %dma_start3A_285] : memref<400x64xf32, #tpu.memory_space<vmem>> -> memref<1x64xf32, #tpu.memory_space<vmem>>
      %dma_start3A_287 = tpu.memref_squeeze %dma_start3A_286 : memref<1x64xf32, #tpu.memory_space<vmem>> -> memref<64xf32, #tpu.memory_space<vmem>>
      %dma_start3A_288 = arith.constant 0 : i32
      %dma_start3A_289 = tpu.memref_slice %arg3[%squeeze3A_280, %dma_start3A_288] : memref<1000000x64xf32, #tpu.memory_space<hbm>> -> memref<1x64xf32, #tpu.memory_space<hbm>>
      %dma_start3A_290 = tpu.memref_squeeze %dma_start3A_289 : memref<1x64xf32, #tpu.memory_space<hbm>> -> memref<64xf32, #tpu.memory_space<hbm>>
      %dma_start3A_291 = arith.constant 0 : i32
      %dma_start3A_292 = tpu.memref_slice %arg6[%add3A_284, %dma_start3A_291] : memref<400x64xf32, #tpu.memory_space<vmem>> -> memref<1x64xf32, #tpu.memory_space<vmem>>
      %dma_start3A_293 = tpu.memref_squeeze %dma_start3A_292 : memref<1x64xf32, #tpu.memory_space<vmem>> -> memref<64xf32, #tpu.memory_space<vmem>>
      %dma_start3A_294 = arith.constant 0 : i32
      %dma_start3A_295 = tpu.memref_slice %arg3[%squeeze3A_280, %dma_start3A_294] : memref<1000000x64xf32, #tpu.memory_space<hbm>> -> memref<1x64xf32, #tpu.memory_space<hbm>>
      %dma_start3A_296 = tpu.memref_squeeze %dma_start3A_295 : memref<1x64xf32, #tpu.memory_space<hbm>> -> memref<64xf32, #tpu.memory_space<hbm>>
      tpu.enqueue_dma source(%dma_start3A_296 : memref<64xf32, #tpu.memory_space<hbm>>) target(%dma_start3A_293 : memref<64xf32, #tpu.memory_space<vmem>>) target_semaphore(%arg8 : memref<!tpu.dma_semaphore, #tpu.memory_space<semaphore_mem>>)
      %slice3A_297 = vector.extract_strided_slice %get3A_29 {offsets = [15], sizes = [1], strides = [1]} : vector<16xi32> to vector<1xi32>
      %squeeze3A_298 = vector.extract %slice3A_297[0] : i32 from vector<1xi32>
      %mul3A_299 = arith.constant 16 : i32
      %mul3A_300 = arith.muli %add3A_23, %mul3A_299 : i32
      %add3A_301 = arith.constant 15 : i32
      %add3A_302 = arith.addi %mul3A_300, %add3A_301 : i32
      %dma_start3A_303 = arith.constant 0 : i32
      %dma_start3A_304 = tpu.memref_slice %arg6[%add3A_302, %dma_start3A_303] : memref<400x64xf32, #tpu.memory_space<vmem>> -> memref<1x64xf32, #tpu.memory_space<vmem>>
      %dma_start3A_305 = tpu.memref_squeeze %dma_start3A_304 : memref<1x64xf32, #tpu.memory_space<vmem>> -> memref<64xf32, #tpu.memory_space<vmem>>
      %dma_start3A_306 = arith.constant 0 : i32
      %dma_start3A_307 = tpu.memref_slice %arg3[%squeeze3A_298, %dma_start3A_306] : memref<1000000x64xf32, #tpu.memory_space<hbm>> -> memref<1x64xf32, #tpu.memory_space<hbm>>
      %dma_start3A_308 = tpu.memref_squeeze %dma_start3A_307 : memref<1x64xf32, #tpu.memory_space<hbm>> -> memref<64xf32, #tpu.memory_space<hbm>>
      %dma_start3A_309 = arith.constant 0 : i32
      %dma_start3A_310 = tpu.memref_slice %arg6[%add3A_302, %dma_start3A_309] : memref<400x64xf32, #tpu.memory_space<vmem>> -> memref<1x64xf32, #tpu.memory_space<vmem>>
      %dma_start3A_311 = tpu.memref_squeeze %dma_start3A_310 : memref<1x64xf32, #tpu.memory_space<vmem>> -> memref<64xf32, #tpu.memory_space<vmem>>
      %dma_start3A_312 = arith.constant 0 : i32
      %dma_start3A_313 = tpu.memref_slice %arg3[%squeeze3A_298, %dma_start3A_312] : memref<1000000x64xf32, #tpu.memory_space<hbm>> -> memref<1x64xf32, #tpu.memory_space<hbm>>
      %dma_start3A_314 = tpu.memref_squeeze %dma_start3A_313 : memref<1x64xf32, #tpu.memory_space<hbm>> -> memref<64xf32, #tpu.memory_space<hbm>>
      tpu.enqueue_dma source(%dma_start3A_314 : memref<64xf32, #tpu.memory_space<hbm>>) target(%dma_start3A_311 : memref<64xf32, #tpu.memory_space<vmem>>) target_semaphore(%arg8 : memref<!tpu.dma_semaphore, #tpu.memory_space<semaphore_mem>>)
    }
    %scan3A_8 = arith.constant 25 : i32
    %scan3A_9 = arith.constant 0 : i32
    %scan3A_10 = arith.constant 8 : i32
    %scan3A_11 = arith.addi %scan3A_9, %scan3A_10 : i32
    %scan3A_12 = arith.constant 1 : i32
    scf.for %scan3A_19 = %scan3A_9 to %scan3A_11 step %scan3A_12  : i32 {
      %mul3A_20 = arith.constant 2 : i32
      %mul3A_21 = arith.muli %scan3A_19, %mul3A_20 : i32
      %add3A_22 = arith.constant 0 : i32
      %add3A_23 = arith.addi %add3A_22, %mul3A_21 : i32
      %gt3A = arith.constant 0 : i32
      %gt3A_24 = arith.cmpi sgt, %add3A_23, %gt3A : i32
      %convert_element_type3A = arith.extui %gt3A_24 : i1 to i32
      %cond3A = arith.constant 0 : i32
      %cond3A_25 = arith.cmpi ne, %convert_element_type3A, %cond3A : i32
      scf.if %cond3A_25 {
        %dma_wait3A_372 = arith.constant 0 : i32
        %dma_wait3A_373 = arith.constant 0 : i32
        %dma_wait3A_374 = tpu.memref_slice %arg3[%dma_wait3A_372, %dma_wait3A_373] : memref<1000000x64xf32, #tpu.memory_space<hbm>> -> memref<400x64xf32, #tpu.memory_space<hbm>>
        %dma_wait3A_375 = arith.constant 0 : i32
        %dma_wait3A_376 = arith.constant 0 : i32
        %dma_wait3A_377 = tpu.memref_slice %arg3[%dma_wait3A_375, %dma_wait3A_376] : memref<1000000x64xf32, #tpu.memory_space<hbm>> -> memref<400x64xf32, #tpu.memory_space<hbm>>
        tpu.wait_dma2 semaphore(%arg11 : memref<!tpu.dma_semaphore, #tpu.memory_space<semaphore_mem>>) src(%dma_wait3A_377 : memref<400x64xf32, #tpu.memory_space<hbm>>) dst(%arg7 : memref<400x64xf32, #tpu.memory_space<vmem>>)
      } else {
      }
      %add3A_26 = arith.constant 1 : i32
      %add3A_27 = arith.addi %add3A_23, %add3A_26 : i32
      %scan3A_28 = arith.constant 0 : i32
      %scan3A_29 = arith.constant 25 : i32
      %scan3A_30 = arith.addi %scan3A_28, %scan3A_29 : i32
      %scan3A_31 = arith.constant 1 : i32
      scf.for %scan3A_372 = %scan3A_28 to %scan3A_30 step %scan3A_31  : i32 {
        %mul3A_373 = arith.constant 1 : i32
        %mul3A_374 = arith.muli %scan3A_372, %mul3A_373 : i32
        %add3A_375 = arith.constant 0 : i32
        %add3A_376 = arith.addi %add3A_375, %mul3A_374 : i32
        %mul3A_377 = arith.constant 400 : i32
        %mul3A_378 = arith.muli %add3A_27, %mul3A_377 : i32
        %mul3A_379 = arith.constant 16 : i32
        %mul3A_380 = arith.muli %add3A_376, %mul3A_379 : i32
        %add3A_381 = arith.addi %mul3A_378, %mul3A_380 : i32
        %get3A = arith.index_cast %add3A_381 : i32 to index
        %get3A_382 = tpu.vector_load %arg5[%get3A] {strides = array<i32>} : memref<6400xi32, #tpu.memory_space<vmem>>, vector<16xi32>,
        %get3A_383 = vector.shape_cast %get3A_382 : vector<16xi32> to vector<16xi32>
        %slice3A = vector.extract_strided_slice %get3A_383 {offsets = [0], sizes = [1], strides = [1]} : vector<16xi32> to vector<1xi32>
        %squeeze3A = vector.extract %slice3A[0] : i32 from vector<1xi32>
        %mul3A_384 = arith.constant 16 : i32
        %mul3A_385 = arith.muli %add3A_376, %mul3A_384 : i32
        %add3A_386 = arith.constant 0 : i32
        %add3A_387 = arith.addi %mul3A_385, %add3A_386 : i32
        %dma_start3A_388 = arith.constant 0 : i32
        %dma_start3A_389 = tpu.memref_slice %arg7[%add3A_387, %dma_start3A_388] : memref<400x64xf32, #tpu.memory_space<vmem>> -> memref<1x64xf32, #tpu.memory_space<vmem>>
        %dma_start3A_390 = tpu.memref_squeeze %dma_start3A_389 : memref<1x64xf32, #tpu.memory_space<vmem>> -> memref<64xf32, #tpu.memory_space<vmem>>
        %dma_start3A_391 = arith.constant 0 : i32
        %dma_start3A_392 = tpu.memref_slice %arg3[%squeeze3A, %dma_start3A_391] : memref<1000000x64xf32, #tpu.memory_space<hbm>> -> memref<1x64xf32, #tpu.memory_space<hbm>>
        %dma_start3A_393 = tpu.memref_squeeze %dma_start3A_392 : memref<1x64xf32, #tpu.memory_space<hbm>> -> memref<64xf32, #tpu.memory_space<hbm>>
        %dma_start3A_394 = arith.constant 0 : i32
        %dma_start3A_395 = tpu.memref_slice %arg7[%add3A_387, %dma_start3A_394] : memref<400x64xf32, #tpu.memory_space<vmem>> -> memref<1x64xf32, #tpu.memory_space<vmem>>
        %dma_start3A_396 = tpu.memref_squeeze %dma_start3A_395 : memref<1x64xf32, #tpu.memory_space<vmem>> -> memref<64xf32, #tpu.memory_space<vmem>>
        %dma_start3A_397 = arith.constant 0 : i32
        %dma_start3A_398 = tpu.memref_slice %arg3[%squeeze3A, %dma_start3A_397] : memref<1000000x64xf32, #tpu.memory_space<hbm>> -> memref<1x64xf32, #tpu.memory_space<hbm>>
        %dma_start3A_399 = tpu.memref_squeeze %dma_start3A_398 : memref<1x64xf32, #tpu.memory_space<hbm>> -> memref<64xf32, #tpu.memory_space<hbm>>
        tpu.enqueue_dma source(%dma_start3A_399 : memref<64xf32, #tpu.memory_space<hbm>>) target(%dma_start3A_396 : memref<64xf32, #tpu.memory_space<vmem>>) target_semaphore(%arg9 : memref<!tpu.dma_semaphore, #tpu.memory_space<semaphore_mem>>)
        %slice3A_400 = vector.extract_strided_slice %get3A_383 {offsets = [1], sizes = [1], strides = [1]} : vector<16xi32> to vector<1xi32>
        %squeeze3A_401 = vector.extract %slice3A_400[0] : i32 from vector<1xi32>
        %mul3A_402 = arith.constant 16 : i32
        %mul3A_403 = arith.muli %add3A_376, %mul3A_402 : i32
        %add3A_404 = arith.constant 1 : i32
        %add3A_405 = arith.addi %mul3A_403, %add3A_404 : i32
        %dma_start3A_406 = arith.constant 0 : i32
        %dma_start3A_407 = tpu.memref_slice %arg7[%add3A_405, %dma_start3A_406] : memref<400x64xf32, #tpu.memory_space<vmem>> -> memref<1x64xf32, #tpu.memory_space<vmem>>
        %dma_start3A_408 = tpu.memref_squeeze %dma_start3A_407 : memref<1x64xf32, #tpu.memory_space<vmem>> -> memref<64xf32, #tpu.memory_space<vmem>>
        %dma_start3A_409 = arith.constant 0 : i32
        %dma_start3A_410 = tpu.memref_slice %arg3[%squeeze3A_401, %dma_start3A_409] : memref<1000000x64xf32, #tpu.memory_space<hbm>> -> memref<1x64xf32, #tpu.memory_space<hbm>>
        %dma_start3A_411 = tpu.memref_squeeze %dma_start3A_410 : memref<1x64xf32, #tpu.memory_space<hbm>> -> memref<64xf32, #tpu.memory_space<hbm>>
        %dma_start3A_412 = arith.constant 0 : i32
        %dma_start3A_413 = tpu.memref_slice %arg7[%add3A_405, %dma_start3A_412] : memref<400x64xf32, #tpu.memory_space<vmem>> -> memref<1x64xf32, #tpu.memory_space<vmem>>
        %dma_start3A_414 = tpu.memref_squeeze %dma_start3A_413 : memref<1x64xf32, #tpu.memory_space<vmem>> -> memref<64xf32, #tpu.memory_space<vmem>>
        %dma_start3A_415 = arith.constant 0 : i32
        %dma_start3A_416 = tpu.memref_slice %arg3[%squeeze3A_401, %dma_start3A_415] : memref<1000000x64xf32, #tpu.memory_space<hbm>> -> memref<1x64xf32, #tpu.memory_space<hbm>>
        %dma_start3A_417 = tpu.memref_squeeze %dma_start3A_416 : memref<1x64xf32, #tpu.memory_space<hbm>> -> memref<64xf32, #tpu.memory_space<hbm>>
        tpu.enqueue_dma source(%dma_start3A_417 : memref<64xf32, #tpu.memory_space<hbm>>) target(%dma_start3A_414 : memref<64xf32, #tpu.memory_space<vmem>>) target_semaphore(%arg9 : memref<!tpu.dma_semaphore, #tpu.memory_space<semaphore_mem>>)
        %slice3A_418 = vector.extract_strided_slice %get3A_383 {offsets = [2], sizes = [1], strides = [1]} : vector<16xi32> to vector<1xi32>
        %squeeze3A_419 = vector.extract %slice3A_418[0] : i32 from vector<1xi32>
        %mul3A_420 = arith.constant 16 : i32
        %mul3A_421 = arith.muli %add3A_376, %mul3A_420 : i32
        %add3A_422 = arith.constant 2 : i32
        %add3A_423 = arith.addi %mul3A_421, %add3A_422 : i32
        %dma_start3A_424 = arith.constant 0 : i32
        %dma_start3A_425 = tpu.memref_slice %arg7[%add3A_423, %dma_start3A_424] : memref<400x64xf32, #tpu.memory_space<vmem>> -> memref<1x64xf32, #tpu.memory_space<vmem>>
        %dma_start3A_426 = tpu.memref_squeeze %dma_start3A_425 : memref<1x64xf32, #tpu.memory_space<vmem>> -> memref<64xf32, #tpu.memory_space<vmem>>
        %dma_start3A_427 = arith.constant 0 : i32
        %dma_start3A_428 = tpu.memref_slice %arg3[%squeeze3A_419, %dma_start3A_427] : memref<1000000x64xf32, #tpu.memory_space<hbm>> -> memref<1x64xf32, #tpu.memory_space<hbm>>
        %dma_start3A_429 = tpu.memref_squeeze %dma_start3A_428 : memref<1x64xf32, #tpu.memory_space<hbm>> -> memref<64xf32, #tpu.memory_space<hbm>>
        %dma_start3A_430 = arith.constant 0 : i32
        %dma_start3A_431 = tpu.memref_slice %arg7[%add3A_423, %dma_start3A_430] : memref<400x64xf32, #tpu.memory_space<vmem>> -> memref<1x64xf32, #tpu.memory_space<vmem>>
        %dma_start3A_432 = tpu.memref_squeeze %dma_start3A_431 : memref<1x64xf32, #tpu.memory_space<vmem>> -> memref<64xf32, #tpu.memory_space<vmem>>
        %dma_start3A_433 = arith.constant 0 : i32
        %dma_start3A_434 = tpu.memref_slice %arg3[%squeeze3A_419, %dma_start3A_433] : memref<1000000x64xf32, #tpu.memory_space<hbm>> -> memref<1x64xf32, #tpu.memory_space<hbm>>
        %dma_start3A_435 = tpu.memref_squeeze %dma_start3A_434 : memref<1x64xf32, #tpu.memory_space<hbm>> -> memref<64xf32, #tpu.memory_space<hbm>>
        tpu.enqueue_dma source(%dma_start3A_435 : memref<64xf32, #tpu.memory_space<hbm>>) target(%dma_start3A_432 : memref<64xf32, #tpu.memory_space<vmem>>) target_semaphore(%arg9 : memref<!tpu.dma_semaphore, #tpu.memory_space<semaphore_mem>>)
        %slice3A_436 = vector.extract_strided_slice %get3A_383 {offsets = [3], sizes = [1], strides = [1]} : vector<16xi32> to vector<1xi32>
        %squeeze3A_437 = vector.extract %slice3A_436[0] : i32 from vector<1xi32>
        %mul3A_438 = arith.constant 16 : i32
        %mul3A_439 = arith.muli %add3A_376, %mul3A_438 : i32
        %add3A_440 = arith.constant 3 : i32
        %add3A_441 = arith.addi %mul3A_439, %add3A_440 : i32
        %dma_start3A_442 = arith.constant 0 : i32
        %dma_start3A_443 = tpu.memref_slice %arg7[%add3A_441, %dma_start3A_442] : memref<400x64xf32, #tpu.memory_space<vmem>> -> memref<1x64xf32, #tpu.memory_space<vmem>>
        %dma_start3A_444 = tpu.memref_squeeze %dma_start3A_443 : memref<1x64xf32, #tpu.memory_space<vmem>> -> memref<64xf32, #tpu.memory_space<vmem>>
        %dma_start3A_445 = arith.constant 0 : i32
        %dma_start3A_446 = tpu.memref_slice %arg3[%squeeze3A_437, %dma_start3A_445] : memref<1000000x64xf32, #tpu.memory_space<hbm>> -> memref<1x64xf32, #tpu.memory_space<hbm>>
        %dma_start3A_447 = tpu.memref_squeeze %dma_start3A_446 : memref<1x64xf32, #tpu.memory_space<hbm>> -> memref<64xf32, #tpu.memory_space<hbm>>
        %dma_start3A_448 = arith.constant 0 : i32
        %dma_start3A_449 = tpu.memref_slice %arg7[%add3A_441, %dma_start3A_448] : memref<400x64xf32, #tpu.memory_space<vmem>> -> memref<1x64xf32, #tpu.memory_space<vmem>>
        %dma_start3A_450 = tpu.memref_squeeze %dma_start3A_449 : memref<1x64xf32, #tpu.memory_space<vmem>> -> memref<64xf32, #tpu.memory_space<vmem>>
        %dma_start3A_451 = arith.constant 0 : i32
        %dma_start3A_452 = tpu.memref_slice %arg3[%squeeze3A_437, %dma_start3A_451] : memref<1000000x64xf32, #tpu.memory_space<hbm>> -> memref<1x64xf32, #tpu.memory_space<hbm>>
        %dma_start3A_453 = tpu.memref_squeeze %dma_start3A_452 : memref<1x64xf32, #tpu.memory_space<hbm>> -> memref<64xf32, #tpu.memory_space<hbm>>
        tpu.enqueue_dma source(%dma_start3A_453 : memref<64xf32, #tpu.memory_space<hbm>>) target(%dma_start3A_450 : memref<64xf32, #tpu.memory_space<vmem>>) target_semaphore(%arg9 : memref<!tpu.dma_semaphore, #tpu.memory_space<semaphore_mem>>)
        %slice3A_454 = vector.extract_strided_slice %get3A_383 {offsets = [4], sizes = [1], strides = [1]} : vector<16xi32> to vector<1xi32>
        %squeeze3A_455 = vector.extract %slice3A_454[0] : i32 from vector<1xi32>
        %mul3A_456 = arith.constant 16 : i32
        %mul3A_457 = arith.muli %add3A_376, %mul3A_456 : i32
        %add3A_458 = arith.constant 4 : i32
        %add3A_459 = arith.addi %mul3A_457, %add3A_458 : i32
        %dma_start3A_460 = arith.constant 0 : i32
        %dma_start3A_461 = tpu.memref_slice %arg7[%add3A_459, %dma_start3A_460] : memref<400x64xf32, #tpu.memory_space<vmem>> -> memref<1x64xf32, #tpu.memory_space<vmem>>
        %dma_start3A_462 = tpu.memref_squeeze %dma_start3A_461 : memref<1x64xf32, #tpu.memory_space<vmem>> -> memref<64xf32, #tpu.memory_space<vmem>>
        %dma_start3A_463 = arith.constant 0 : i32
        %dma_start3A_464 = tpu.memref_slice %arg3[%squeeze3A_455, %dma_start3A_463] : memref<1000000x64xf32, #tpu.memory_space<hbm>> -> memref<1x64xf32, #tpu.memory_space<hbm>>
        %dma_start3A_465 = tpu.memref_squeeze %dma_start3A_464 : memref<1x64xf32, #tpu.memory_space<hbm>> -> memref<64xf32, #tpu.memory_space<hbm>>
        %dma_start3A_466 = arith.constant 0 : i32
        %dma_start3A_467 = tpu.memref_slice %arg7[%add3A_459, %dma_start3A_466] : memref<400x64xf32, #tpu.memory_space<vmem>> -> memref<1x64xf32, #tpu.memory_space<vmem>>
        %dma_start3A_468 = tpu.memref_squeeze %dma_start3A_467 : memref<1x64xf32, #tpu.memory_space<vmem>> -> memref<64xf32, #tpu.memory_space<vmem>>
        %dma_start3A_469 = arith.constant 0 : i32
        %dma_start3A_470 = tpu.memref_slice %arg3[%squeeze3A_455, %dma_start3A_469] : memref<1000000x64xf32, #tpu.memory_space<hbm>> -> memref<1x64xf32, #tpu.memory_space<hbm>>
        %dma_start3A_471 = tpu.memref_squeeze %dma_start3A_470 : memref<1x64xf32, #tpu.memory_space<hbm>> -> memref<64xf32, #tpu.memory_space<hbm>>
        tpu.enqueue_dma source(%dma_start3A_471 : memref<64xf32, #tpu.memory_space<hbm>>) target(%dma_start3A_468 : memref<64xf32, #tpu.memory_space<vmem>>) target_semaphore(%arg9 : memref<!tpu.dma_semaphore, #tpu.memory_space<semaphore_mem>>)
        %slice3A_472 = vector.extract_strided_slice %get3A_383 {offsets = [5], sizes = [1], strides = [1]} : vector<16xi32> to vector<1xi32>
        %squeeze3A_473 = vector.extract %slice3A_472[0] : i32 from vector<1xi32>
        %mul3A_474 = arith.constant 16 : i32
        %mul3A_475 = arith.muli %add3A_376, %mul3A_474 : i32
        %add3A_476 = arith.constant 5 : i32
        %add3A_477 = arith.addi %mul3A_475, %add3A_476 : i32
        %dma_start3A_478 = arith.constant 0 : i32
        %dma_start3A_479 = tpu.memref_slice %arg7[%add3A_477, %dma_start3A_478] : memref<400x64xf32, #tpu.memory_space<vmem>> -> memref<1x64xf32, #tpu.memory_space<vmem>>
        %dma_start3A_480 = tpu.memref_squeeze %dma_start3A_479 : memref<1x64xf32, #tpu.memory_space<vmem>> -> memref<64xf32, #tpu.memory_space<vmem>>
        %dma_start3A_481 = arith.constant 0 : i32
        %dma_start3A_482 = tpu.memref_slice %arg3[%squeeze3A_473, %dma_start3A_481] : memref<1000000x64xf32, #tpu.memory_space<hbm>> -> memref<1x64xf32, #tpu.memory_space<hbm>>
        %dma_start3A_483 = tpu.memref_squeeze %dma_start3A_482 : memref<1x64xf32, #tpu.memory_space<hbm>> -> memref<64xf32, #tpu.memory_space<hbm>>
        %dma_start3A_484 = arith.constant 0 : i32
        %dma_start3A_485 = tpu.memref_slice %arg7[%add3A_477, %dma_start3A_484] : memref<400x64xf32, #tpu.memory_space<vmem>> -> memref<1x64xf32, #tpu.memory_space<vmem>>
        %dma_start3A_486 = tpu.memref_squeeze %dma_start3A_485 : memref<1x64xf32, #tpu.memory_space<vmem>> -> memref<64xf32, #tpu.memory_space<vmem>>
        %dma_start3A_487 = arith.constant 0 : i32
        %dma_start3A_488 = tpu.memref_slice %arg3[%squeeze3A_473, %dma_start3A_487] : memref<1000000x64xf32, #tpu.memory_space<hbm>> -> memref<1x64xf32, #tpu.memory_space<hbm>>
        %dma_start3A_489 = tpu.memref_squeeze %dma_start3A_488 : memref<1x64xf32, #tpu.memory_space<hbm>> -> memref<64xf32, #tpu.memory_space<hbm>>
        tpu.enqueue_dma source(%dma_start3A_489 : memref<64xf32, #tpu.memory_space<hbm>>) target(%dma_start3A_486 : memref<64xf32, #tpu.memory_space<vmem>>) target_semaphore(%arg9 : memref<!tpu.dma_semaphore, #tpu.memory_space<semaphore_mem>>)
        %slice3A_490 = vector.extract_strided_slice %get3A_383 {offsets = [6], sizes = [1], strides = [1]} : vector<16xi32> to vector<1xi32>
        %squeeze3A_491 = vector.extract %slice3A_490[0] : i32 from vector<1xi32>
        %mul3A_492 = arith.constant 16 : i32
        %mul3A_493 = arith.muli %add3A_376, %mul3A_492 : i32
        %add3A_494 = arith.constant 6 : i32
        %add3A_495 = arith.addi %mul3A_493, %add3A_494 : i32
        %dma_start3A_496 = arith.constant 0 : i32
        %dma_start3A_497 = tpu.memref_slice %arg7[%add3A_495, %dma_start3A_496] : memref<400x64xf32, #tpu.memory_space<vmem>> -> memref<1x64xf32, #tpu.memory_space<vmem>>
        %dma_start3A_498 = tpu.memref_squeeze %dma_start3A_497 : memref<1x64xf32, #tpu.memory_space<vmem>> -> memref<64xf32, #tpu.memory_space<vmem>>
        %dma_start3A_499 = arith.constant 0 : i32
        %dma_start3A_500 = tpu.memref_slice %arg3[%squeeze3A_491, %dma_start3A_499] : memref<1000000x64xf32, #tpu.memory_space<hbm>> -> memref<1x64xf32, #tpu.memory_space<hbm>>
        %dma_start3A_501 = tpu.memref_squeeze %dma_start3A_500 : memref<1x64xf32, #tpu.memory_space<hbm>> -> memref<64xf32, #tpu.memory_space<hbm>>
        %dma_start3A_502 = arith.constant 0 : i32
        %dma_start3A_503 = tpu.memref_slice %arg7[%add3A_495, %dma_start3A_502] : memref<400x64xf32, #tpu.memory_space<vmem>> -> memref<1x64xf32, #tpu.memory_space<vmem>>
        %dma_start3A_504 = tpu.memref_squeeze %dma_start3A_503 : memref<1x64xf32, #tpu.memory_space<vmem>> -> memref<64xf32, #tpu.memory_space<vmem>>
        %dma_start3A_505 = arith.constant 0 : i32
        %dma_start3A_506 = tpu.memref_slice %arg3[%squeeze3A_491, %dma_start3A_505] : memref<1000000x64xf32, #tpu.memory_space<hbm>> -> memref<1x64xf32, #tpu.memory_space<hbm>>
        %dma_start3A_507 = tpu.memref_squeeze %dma_start3A_506 : memref<1x64xf32, #tpu.memory_space<hbm>> -> memref<64xf32, #tpu.memory_space<hbm>>
        tpu.enqueue_dma source(%dma_start3A_507 : memref<64xf32, #tpu.memory_space<hbm>>) target(%dma_start3A_504 : memref<64xf32, #tpu.memory_space<vmem>>) target_semaphore(%arg9 : memref<!tpu.dma_semaphore, #tpu.memory_space<semaphore_mem>>)
        %slice3A_508 = vector.extract_strided_slice %get3A_383 {offsets = [7], sizes = [1], strides = [1]} : vector<16xi32> to vector<1xi32>
        %squeeze3A_509 = vector.extract %slice3A_508[0] : i32 from vector<1xi32>
        %mul3A_510 = arith.constant 16 : i32
        %mul3A_511 = arith.muli %add3A_376, %mul3A_510 : i32
        %add3A_512 = arith.constant 7 : i32
        %add3A_513 = arith.addi %mul3A_511, %add3A_512 : i32
        %dma_start3A_514 = arith.constant 0 : i32
        %dma_start3A_515 = tpu.memref_slice %arg7[%add3A_513, %dma_start3A_514] : memref<400x64xf32, #tpu.memory_space<vmem>> -> memref<1x64xf32, #tpu.memory_space<vmem>>
        %dma_start3A_516 = tpu.memref_squeeze %dma_start3A_515 : memref<1x64xf32, #tpu.memory_space<vmem>> -> memref<64xf32, #tpu.memory_space<vmem>>
        %dma_start3A_517 = arith.constant 0 : i32
        %dma_start3A_518 = tpu.memref_slice %arg3[%squeeze3A_509, %dma_start3A_517] : memref<1000000x64xf32, #tpu.memory_space<hbm>> -> memref<1x64xf32, #tpu.memory_space<hbm>>
        %dma_start3A_519 = tpu.memref_squeeze %dma_start3A_518 : memref<1x64xf32, #tpu.memory_space<hbm>> -> memref<64xf32, #tpu.memory_space<hbm>>
        %dma_start3A_520 = arith.constant 0 : i32
        %dma_start3A_521 = tpu.memref_slice %arg7[%add3A_513, %dma_start3A_520] : memref<400x64xf32, #tpu.memory_space<vmem>> -> memref<1x64xf32, #tpu.memory_space<vmem>>
        %dma_start3A_522 = tpu.memref_squeeze %dma_start3A_521 : memref<1x64xf32, #tpu.memory_space<vmem>> -> memref<64xf32, #tpu.memory_space<vmem>>
        %dma_start3A_523 = arith.constant 0 : i32
        %dma_start3A_524 = tpu.memref_slice %arg3[%squeeze3A_509, %dma_start3A_523] : memref<1000000x64xf32, #tpu.memory_space<hbm>> -> memref<1x64xf32, #tpu.memory_space<hbm>>
        %dma_start3A_525 = tpu.memref_squeeze %dma_start3A_524 : memref<1x64xf32, #tpu.memory_space<hbm>> -> memref<64xf32, #tpu.memory_space<hbm>>
        tpu.enqueue_dma source(%dma_start3A_525 : memref<64xf32, #tpu.memory_space<hbm>>) target(%dma_start3A_522 : memref<64xf32, #tpu.memory_space<vmem>>) target_semaphore(%arg9 : memref<!tpu.dma_semaphore, #tpu.memory_space<semaphore_mem>>)
        %slice3A_526 = vector.extract_strided_slice %get3A_383 {offsets = [8], sizes = [1], strides = [1]} : vector<16xi32> to vector<1xi32>
        %squeeze3A_527 = vector.extract %slice3A_526[0] : i32 from vector<1xi32>
        %mul3A_528 = arith.constant 16 : i32
        %mul3A_529 = arith.muli %add3A_376, %mul3A_528 : i32
        %add3A_530 = arith.constant 8 : i32
        %add3A_531 = arith.addi %mul3A_529, %add3A_530 : i32
        %dma_start3A_532 = arith.constant 0 : i32
        %dma_start3A_533 = tpu.memref_slice %arg7[%add3A_531, %dma_start3A_532] : memref<400x64xf32, #tpu.memory_space<vmem>> -> memref<1x64xf32, #tpu.memory_space<vmem>>
        %dma_start3A_534 = tpu.memref_squeeze %dma_start3A_533 : memref<1x64xf32, #tpu.memory_space<vmem>> -> memref<64xf32, #tpu.memory_space<vmem>>
        %dma_start3A_535 = arith.constant 0 : i32
        %dma_start3A_536 = tpu.memref_slice %arg3[%squeeze3A_527, %dma_start3A_535] : memref<1000000x64xf32, #tpu.memory_space<hbm>> -> memref<1x64xf32, #tpu.memory_space<hbm>>
        %dma_start3A_537 = tpu.memref_squeeze %dma_start3A_536 : memref<1x64xf32, #tpu.memory_space<hbm>> -> memref<64xf32, #tpu.memory_space<hbm>>
        %dma_start3A_538 = arith.constant 0 : i32
        %dma_start3A_539 = tpu.memref_slice %arg7[%add3A_531, %dma_start3A_538] : memref<400x64xf32, #tpu.memory_space<vmem>> -> memref<1x64xf32, #tpu.memory_space<vmem>>
        %dma_start3A_540 = tpu.memref_squeeze %dma_start3A_539 : memref<1x64xf32, #tpu.memory_space<vmem>> -> memref<64xf32, #tpu.memory_space<vmem>>
        %dma_start3A_541 = arith.constant 0 : i32
        %dma_start3A_542 = tpu.memref_slice %arg3[%squeeze3A_527, %dma_start3A_541] : memref<1000000x64xf32, #tpu.memory_space<hbm>> -> memref<1x64xf32, #tpu.memory_space<hbm>>
        %dma_start3A_543 = tpu.memref_squeeze %dma_start3A_542 : memref<1x64xf32, #tpu.memory_space<hbm>> -> memref<64xf32, #tpu.memory_space<hbm>>
        tpu.enqueue_dma source(%dma_start3A_543 : memref<64xf32, #tpu.memory_space<hbm>>) target(%dma_start3A_540 : memref<64xf32, #tpu.memory_space<vmem>>) target_semaphore(%arg9 : memref<!tpu.dma_semaphore, #tpu.memory_space<semaphore_mem>>)
        %slice3A_544 = vector.extract_strided_slice %get3A_383 {offsets = [9], sizes = [1], strides = [1]} : vector<16xi32> to vector<1xi32>
        %squeeze3A_545 = vector.extract %slice3A_544[0] : i32 from vector<1xi32>
        %mul3A_546 = arith.constant 16 : i32
        %mul3A_547 = arith.muli %add3A_376, %mul3A_546 : i32
        %add3A_548 = arith.constant 9 : i32
        %add3A_549 = arith.addi %mul3A_547, %add3A_548 : i32
        %dma_start3A_550 = arith.constant 0 : i32
        %dma_start3A_551 = tpu.memref_slice %arg7[%add3A_549, %dma_start3A_550] : memref<400x64xf32, #tpu.memory_space<vmem>> -> memref<1x64xf32, #tpu.memory_space<vmem>>
        %dma_start3A_552 = tpu.memref_squeeze %dma_start3A_551 : memref<1x64xf32, #tpu.memory_space<vmem>> -> memref<64xf32, #tpu.memory_space<vmem>>
        %dma_start3A_553 = arith.constant 0 : i32
        %dma_start3A_554 = tpu.memref_slice %arg3[%squeeze3A_545, %dma_start3A_553] : memref<1000000x64xf32, #tpu.memory_space<hbm>> -> memref<1x64xf32, #tpu.memory_space<hbm>>
        %dma_start3A_555 = tpu.memref_squeeze %dma_start3A_554 : memref<1x64xf32, #tpu.memory_space<hbm>> -> memref<64xf32, #tpu.memory_space<hbm>>
        %dma_start3A_556 = arith.constant 0 : i32
        %dma_start3A_557 = tpu.memref_slice %arg7[%add3A_549, %dma_start3A_556] : memref<400x64xf32, #tpu.memory_space<vmem>> -> memref<1x64xf32, #tpu.memory_space<vmem>>
        %dma_start3A_558 = tpu.memref_squeeze %dma_start3A_557 : memref<1x64xf32, #tpu.memory_space<vmem>> -> memref<64xf32, #tpu.memory_space<vmem>>
        %dma_start3A_559 = arith.constant 0 : i32
        %dma_start3A_560 = tpu.memref_slice %arg3[%squeeze3A_545, %dma_start3A_559] : memref<1000000x64xf32, #tpu.memory_space<hbm>> -> memref<1x64xf32, #tpu.memory_space<hbm>>
        %dma_start3A_561 = tpu.memref_squeeze %dma_start3A_560 : memref<1x64xf32, #tpu.memory_space<hbm>> -> memref<64xf32, #tpu.memory_space<hbm>>
        tpu.enqueue_dma source(%dma_start3A_561 : memref<64xf32, #tpu.memory_space<hbm>>) target(%dma_start3A_558 : memref<64xf32, #tpu.memory_space<vmem>>) target_semaphore(%arg9 : memref<!tpu.dma_semaphore, #tpu.memory_space<semaphore_mem>>)
        %slice3A_562 = vector.extract_strided_slice %get3A_383 {offsets = [10], sizes = [1], strides = [1]} : vector<16xi32> to vector<1xi32>
        %squeeze3A_563 = vector.extract %slice3A_562[0] : i32 from vector<1xi32>
        %mul3A_564 = arith.constant 16 : i32
        %mul3A_565 = arith.muli %add3A_376, %mul3A_564 : i32
        %add3A_566 = arith.constant 10 : i32
        %add3A_567 = arith.addi %mul3A_565, %add3A_566 : i32
        %dma_start3A_568 = arith.constant 0 : i32
        %dma_start3A_569 = tpu.memref_slice %arg7[%add3A_567, %dma_start3A_568] : memref<400x64xf32, #tpu.memory_space<vmem>> -> memref<1x64xf32, #tpu.memory_space<vmem>>
        %dma_start3A_570 = tpu.memref_squeeze %dma_start3A_569 : memref<1x64xf32, #tpu.memory_space<vmem>> -> memref<64xf32, #tpu.memory_space<vmem>>
        %dma_start3A_571 = arith.constant 0 : i32
        %dma_start3A_572 = tpu.memref_slice %arg3[%squeeze3A_563, %dma_start3A_571] : memref<1000000x64xf32, #tpu.memory_space<hbm>> -> memref<1x64xf32, #tpu.memory_space<hbm>>
        %dma_start3A_573 = tpu.memref_squeeze %dma_start3A_572 : memref<1x64xf32, #tpu.memory_space<hbm>> -> memref<64xf32, #tpu.memory_space<hbm>>
        %dma_start3A_574 = arith.constant 0 : i32
        %dma_start3A_575 = tpu.memref_slice %arg7[%add3A_567, %dma_start3A_574] : memref<400x64xf32, #tpu.memory_space<vmem>> -> memref<1x64xf32, #tpu.memory_space<vmem>>
        %dma_start3A_576 = tpu.memref_squeeze %dma_start3A_575 : memref<1x64xf32, #tpu.memory_space<vmem>> -> memref<64xf32, #tpu.memory_space<vmem>>
        %dma_start3A_577 = arith.constant 0 : i32
        %dma_start3A_578 = tpu.memref_slice %arg3[%squeeze3A_563, %dma_start3A_577] : memref<1000000x64xf32, #tpu.memory_space<hbm>> -> memref<1x64xf32, #tpu.memory_space<hbm>>
        %dma_start3A_579 = tpu.memref_squeeze %dma_start3A_578 : memref<1x64xf32, #tpu.memory_space<hbm>> -> memref<64xf32, #tpu.memory_space<hbm>>
        tpu.enqueue_dma source(%dma_start3A_579 : memref<64xf32, #tpu.memory_space<hbm>>) target(%dma_start3A_576 : memref<64xf32, #tpu.memory_space<vmem>>) target_semaphore(%arg9 : memref<!tpu.dma_semaphore, #tpu.memory_space<semaphore_mem>>)
        %slice3A_580 = vector.extract_strided_slice %get3A_383 {offsets = [11], sizes = [1], strides = [1]} : vector<16xi32> to vector<1xi32>
        %squeeze3A_581 = vector.extract %slice3A_580[0] : i32 from vector<1xi32>
        %mul3A_582 = arith.constant 16 : i32
        %mul3A_583 = arith.muli %add3A_376, %mul3A_582 : i32
        %add3A_584 = arith.constant 11 : i32
        %add3A_585 = arith.addi %mul3A_583, %add3A_584 : i32
        %dma_start3A_586 = arith.constant 0 : i32
        %dma_start3A_587 = tpu.memref_slice %arg7[%add3A_585, %dma_start3A_586] : memref<400x64xf32, #tpu.memory_space<vmem>> -> memref<1x64xf32, #tpu.memory_space<vmem>>
        %dma_start3A_588 = tpu.memref_squeeze %dma_start3A_587 : memref<1x64xf32, #tpu.memory_space<vmem>> -> memref<64xf32, #tpu.memory_space<vmem>>
        %dma_start3A_589 = arith.constant 0 : i32
        %dma_start3A_590 = tpu.memref_slice %arg3[%squeeze3A_581, %dma_start3A_589] : memref<1000000x64xf32, #tpu.memory_space<hbm>> -> memref<1x64xf32, #tpu.memory_space<hbm>>
        %dma_start3A_591 = tpu.memref_squeeze %dma_start3A_590 : memref<1x64xf32, #tpu.memory_space<hbm>> -> memref<64xf32, #tpu.memory_space<hbm>>
        %dma_start3A_592 = arith.constant 0 : i32
        %dma_start3A_593 = tpu.memref_slice %arg7[%add3A_585, %dma_start3A_592] : memref<400x64xf32, #tpu.memory_space<vmem>> -> memref<1x64xf32, #tpu.memory_space<vmem>>
        %dma_start3A_594 = tpu.memref_squeeze %dma_start3A_593 : memref<1x64xf32, #tpu.memory_space<vmem>> -> memref<64xf32, #tpu.memory_space<vmem>>
        %dma_start3A_595 = arith.constant 0 : i32
        %dma_start3A_596 = tpu.memref_slice %arg3[%squeeze3A_581, %dma_start3A_595] : memref<1000000x64xf32, #tpu.memory_space<hbm>> -> memref<1x64xf32, #tpu.memory_space<hbm>>
        %dma_start3A_597 = tpu.memref_squeeze %dma_start3A_596 : memref<1x64xf32, #tpu.memory_space<hbm>> -> memref<64xf32, #tpu.memory_space<hbm>>
        tpu.enqueue_dma source(%dma_start3A_597 : memref<64xf32, #tpu.memory_space<hbm>>) target(%dma_start3A_594 : memref<64xf32, #tpu.memory_space<vmem>>) target_semaphore(%arg9 : memref<!tpu.dma_semaphore, #tpu.memory_space<semaphore_mem>>)
        %slice3A_598 = vector.extract_strided_slice %get3A_383 {offsets = [12], sizes = [1], strides = [1]} : vector<16xi32> to vector<1xi32>
        %squeeze3A_599 = vector.extract %slice3A_598[0] : i32 from vector<1xi32>
        %mul3A_600 = arith.constant 16 : i32
        %mul3A_601 = arith.muli %add3A_376, %mul3A_600 : i32
        %add3A_602 = arith.constant 12 : i32
        %add3A_603 = arith.addi %mul3A_601, %add3A_602 : i32
        %dma_start3A_604 = arith.constant 0 : i32
        %dma_start3A_605 = tpu.memref_slice %arg7[%add3A_603, %dma_start3A_604] : memref<400x64xf32, #tpu.memory_space<vmem>> -> memref<1x64xf32, #tpu.memory_space<vmem>>
        %dma_start3A_606 = tpu.memref_squeeze %dma_start3A_605 : memref<1x64xf32, #tpu.memory_space<vmem>> -> memref<64xf32, #tpu.memory_space<vmem>>
        %dma_start3A_607 = arith.constant 0 : i32
        %dma_start3A_608 = tpu.memref_slice %arg3[%squeeze3A_599, %dma_start3A_607] : memref<1000000x64xf32, #tpu.memory_space<hbm>> -> memref<1x64xf32, #tpu.memory_space<hbm>>
        %dma_start3A_609 = tpu.memref_squeeze %dma_start3A_608 : memref<1x64xf32, #tpu.memory_space<hbm>> -> memref<64xf32, #tpu.memory_space<hbm>>
        %dma_start3A_610 = arith.constant 0 : i32
        %dma_start3A_611 = tpu.memref_slice %arg7[%add3A_603, %dma_start3A_610] : memref<400x64xf32, #tpu.memory_space<vmem>> -> memref<1x64xf32, #tpu.memory_space<vmem>>
        %dma_start3A_612 = tpu.memref_squeeze %dma_start3A_611 : memref<1x64xf32, #tpu.memory_space<vmem>> -> memref<64xf32, #tpu.memory_space<vmem>>
        %dma_start3A_613 = arith.constant 0 : i32
        %dma_start3A_614 = tpu.memref_slice %arg3[%squeeze3A_599, %dma_start3A_613] : memref<1000000x64xf32, #tpu.memory_space<hbm>> -> memref<1x64xf32, #tpu.memory_space<hbm>>
        %dma_start3A_615 = tpu.memref_squeeze %dma_start3A_614 : memref<1x64xf32, #tpu.memory_space<hbm>> -> memref<64xf32, #tpu.memory_space<hbm>>
        tpu.enqueue_dma source(%dma_start3A_615 : memref<64xf32, #tpu.memory_space<hbm>>) target(%dma_start3A_612 : memref<64xf32, #tpu.memory_space<vmem>>) target_semaphore(%arg9 : memref<!tpu.dma_semaphore, #tpu.memory_space<semaphore_mem>>)
        %slice3A_616 = vector.extract_strided_slice %get3A_383 {offsets = [13], sizes = [1], strides = [1]} : vector<16xi32> to vector<1xi32>
        %squeeze3A_617 = vector.extract %slice3A_616[0] : i32 from vector<1xi32>
        %mul3A_618 = arith.constant 16 : i32
        %mul3A_619 = arith.muli %add3A_376, %mul3A_618 : i32
        %add3A_620 = arith.constant 13 : i32
        %add3A_621 = arith.addi %mul3A_619, %add3A_620 : i32
        %dma_start3A_622 = arith.constant 0 : i32
        %dma_start3A_623 = tpu.memref_slice %arg7[%add3A_621, %dma_start3A_622] : memref<400x64xf32, #tpu.memory_space<vmem>> -> memref<1x64xf32, #tpu.memory_space<vmem>>
        %dma_start3A_624 = tpu.memref_squeeze %dma_start3A_623 : memref<1x64xf32, #tpu.memory_space<vmem>> -> memref<64xf32, #tpu.memory_space<vmem>>
        %dma_start3A_625 = arith.constant 0 : i32
        %dma_start3A_626 = tpu.memref_slice %arg3[%squeeze3A_617, %dma_start3A_625] : memref<1000000x64xf32, #tpu.memory_space<hbm>> -> memref<1x64xf32, #tpu.memory_space<hbm>>
        %dma_start3A_627 = tpu.memref_squeeze %dma_start3A_626 : memref<1x64xf32, #tpu.memory_space<hbm>> -> memref<64xf32, #tpu.memory_space<hbm>>
        %dma_start3A_628 = arith.constant 0 : i32
        %dma_start3A_629 = tpu.memref_slice %arg7[%add3A_621, %dma_start3A_628] : memref<400x64xf32, #tpu.memory_space<vmem>> -> memref<1x64xf32, #tpu.memory_space<vmem>>
        %dma_start3A_630 = tpu.memref_squeeze %dma_start3A_629 : memref<1x64xf32, #tpu.memory_space<vmem>> -> memref<64xf32, #tpu.memory_space<vmem>>
        %dma_start3A_631 = arith.constant 0 : i32
        %dma_start3A_632 = tpu.memref_slice %arg3[%squeeze3A_617, %dma_start3A_631] : memref<1000000x64xf32, #tpu.memory_space<hbm>> -> memref<1x64xf32, #tpu.memory_space<hbm>>
        %dma_start3A_633 = tpu.memref_squeeze %dma_start3A_632 : memref<1x64xf32, #tpu.memory_space<hbm>> -> memref<64xf32, #tpu.memory_space<hbm>>
        tpu.enqueue_dma source(%dma_start3A_633 : memref<64xf32, #tpu.memory_space<hbm>>) target(%dma_start3A_630 : memref<64xf32, #tpu.memory_space<vmem>>) target_semaphore(%arg9 : memref<!tpu.dma_semaphore, #tpu.memory_space<semaphore_mem>>)
        %slice3A_634 = vector.extract_strided_slice %get3A_383 {offsets = [14], sizes = [1], strides = [1]} : vector<16xi32> to vector<1xi32>
        %squeeze3A_635 = vector.extract %slice3A_634[0] : i32 from vector<1xi32>
        %mul3A_636 = arith.constant 16 : i32
        %mul3A_637 = arith.muli %add3A_376, %mul3A_636 : i32
        %add3A_638 = arith.constant 14 : i32
        %add3A_639 = arith.addi %mul3A_637, %add3A_638 : i32
        %dma_start3A_640 = arith.constant 0 : i32
        %dma_start3A_641 = tpu.memref_slice %arg7[%add3A_639, %dma_start3A_640] : memref<400x64xf32, #tpu.memory_space<vmem>> -> memref<1x64xf32, #tpu.memory_space<vmem>>
        %dma_start3A_642 = tpu.memref_squeeze %dma_start3A_641 : memref<1x64xf32, #tpu.memory_space<vmem>> -> memref<64xf32, #tpu.memory_space<vmem>>
        %dma_start3A_643 = arith.constant 0 : i32
        %dma_start3A_644 = tpu.memref_slice %arg3[%squeeze3A_635, %dma_start3A_643] : memref<1000000x64xf32, #tpu.memory_space<hbm>> -> memref<1x64xf32, #tpu.memory_space<hbm>>
        %dma_start3A_645 = tpu.memref_squeeze %dma_start3A_644 : memref<1x64xf32, #tpu.memory_space<hbm>> -> memref<64xf32, #tpu.memory_space<hbm>>
        %dma_start3A_646 = arith.constant 0 : i32
        %dma_start3A_647 = tpu.memref_slice %arg7[%add3A_639, %dma_start3A_646] : memref<400x64xf32, #tpu.memory_space<vmem>> -> memref<1x64xf32, #tpu.memory_space<vmem>>
        %dma_start3A_648 = tpu.memref_squeeze %dma_start3A_647 : memref<1x64xf32, #tpu.memory_space<vmem>> -> memref<64xf32, #tpu.memory_space<vmem>>
        %dma_start3A_649 = arith.constant 0 : i32
        %dma_start3A_650 = tpu.memref_slice %arg3[%squeeze3A_635, %dma_start3A_649] : memref<1000000x64xf32, #tpu.memory_space<hbm>> -> memref<1x64xf32, #tpu.memory_space<hbm>>
        %dma_start3A_651 = tpu.memref_squeeze %dma_start3A_650 : memref<1x64xf32, #tpu.memory_space<hbm>> -> memref<64xf32, #tpu.memory_space<hbm>>
        tpu.enqueue_dma source(%dma_start3A_651 : memref<64xf32, #tpu.memory_space<hbm>>) target(%dma_start3A_648 : memref<64xf32, #tpu.memory_space<vmem>>) target_semaphore(%arg9 : memref<!tpu.dma_semaphore, #tpu.memory_space<semaphore_mem>>)
        %slice3A_652 = vector.extract_strided_slice %get3A_383 {offsets = [15], sizes = [1], strides = [1]} : vector<16xi32> to vector<1xi32>
        %squeeze3A_653 = vector.extract %slice3A_652[0] : i32 from vector<1xi32>
        %mul3A_654 = arith.constant 16 : i32
        %mul3A_655 = arith.muli %add3A_376, %mul3A_654 : i32
        %add3A_656 = arith.constant 15 : i32
        %add3A_657 = arith.addi %mul3A_655, %add3A_656 : i32
        %dma_start3A_658 = arith.constant 0 : i32
        %dma_start3A_659 = tpu.memref_slice %arg7[%add3A_657, %dma_start3A_658] : memref<400x64xf32, #tpu.memory_space<vmem>> -> memref<1x64xf32, #tpu.memory_space<vmem>>
        %dma_start3A_660 = tpu.memref_squeeze %dma_start3A_659 : memref<1x64xf32, #tpu.memory_space<vmem>> -> memref<64xf32, #tpu.memory_space<vmem>>
        %dma_start3A_661 = arith.constant 0 : i32
        %dma_start3A_662 = tpu.memref_slice %arg3[%squeeze3A_653, %dma_start3A_661] : memref<1000000x64xf32, #tpu.memory_space<hbm>> -> memref<1x64xf32, #tpu.memory_space<hbm>>
        %dma_start3A_663 = tpu.memref_squeeze %dma_start3A_662 : memref<1x64xf32, #tpu.memory_space<hbm>> -> memref<64xf32, #tpu.memory_space<hbm>>
        %dma_start3A_664 = arith.constant 0 : i32
        %dma_start3A_665 = tpu.memref_slice %arg7[%add3A_657, %dma_start3A_664] : memref<400x64xf32, #tpu.memory_space<vmem>> -> memref<1x64xf32, #tpu.memory_space<vmem>>
        %dma_start3A_666 = tpu.memref_squeeze %dma_start3A_665 : memref<1x64xf32, #tpu.memory_space<vmem>> -> memref<64xf32, #tpu.memory_space<vmem>>
        %dma_start3A_667 = arith.constant 0 : i32
        %dma_start3A_668 = tpu.memref_slice %arg3[%squeeze3A_653, %dma_start3A_667] : memref<1000000x64xf32, #tpu.memory_space<hbm>> -> memref<1x64xf32, #tpu.memory_space<hbm>>
        %dma_start3A_669 = tpu.memref_squeeze %dma_start3A_668 : memref<1x64xf32, #tpu.memory_space<hbm>> -> memref<64xf32, #tpu.memory_space<hbm>>
        tpu.enqueue_dma source(%dma_start3A_669 : memref<64xf32, #tpu.memory_space<hbm>>) target(%dma_start3A_666 : memref<64xf32, #tpu.memory_space<vmem>>) target_semaphore(%arg9 : memref<!tpu.dma_semaphore, #tpu.memory_space<semaphore_mem>>)
      }
      %scan3A_32 = arith.constant 25 : i32
      %dma_wait3A_33 = arith.constant 0 : i32
      %dma_wait3A_34 = arith.constant 0 : i32
      %dma_wait3A_35 = tpu.memref_slice %arg3[%dma_wait3A_33, %dma_wait3A_34] : memref<1000000x64xf32, #tpu.memory_space<hbm>> -> memref<400x64xf32, #tpu.memory_space<hbm>>
      %dma_wait3A_36 = arith.constant 0 : i32
      %dma_wait3A_37 = arith.constant 0 : i32
      %dma_wait3A_38 = tpu.memref_slice %arg3[%dma_wait3A_36, %dma_wait3A_37] : memref<1000000x64xf32, #tpu.memory_space<hbm>> -> memref<400x64xf32, #tpu.memory_space<hbm>>
      tpu.wait_dma2 semaphore(%arg8 : memref<!tpu.dma_semaphore, #tpu.memory_space<semaphore_mem>>) src(%dma_wait3A_38 : memref<400x64xf32, #tpu.memory_space<hbm>>) dst(%arg6 : memref<400x64xf32, #tpu.memory_space<vmem>>)
      %scan3A_39 = arith.constant 0 : i32
      %scan3A_40 = arith.constant 400 : i32
      %scan3A_41 = arith.addi %scan3A_39, %scan3A_40 : i32
      %scan3A_42 = arith.constant 8 : i32
      scf.for %scan3A_372 = %scan3A_39 to %scan3A_41 step %scan3A_42  : i32 {
        %mul3A_373 = arith.constant 1 : i32
        %mul3A_374 = arith.muli %scan3A_372, %mul3A_373 : i32
        %add3A_375 = arith.constant 0 : i32
        %add3A_376 = arith.addi %add3A_375, %mul3A_374 : i32
        %get3A = arith.index_cast %add3A_376 : i32 to index
        %get3A_377 = arith.constant 0 : index
        %get3A_378 = tpu.vector_load %arg6[%get3A, %get3A_377] {strides = array<i32>} : memref<400x64xf32, #tpu.memory_space<vmem>>, vector<1x16xf32>,
        %get3A_379 = vector.shape_cast %get3A_378 : vector<1x16xf32> to vector<16xf32>
        %mul3A_380 = arith.constant 8.000000e+00 : f32
        %mul3A_381 = vector.broadcast %mul3A_380 : f32 to vector<16xf32>
        %mul3A_382 = arith.mulf %get3A_379, %mul3A_381 : vector<16xf32>
        %swap3A = arith.index_cast %add3A_376 : i32 to index
        %swap3A_383 = arith.constant 0 : index
        %swap3A_384 = tpu.vector_load %arg6[%swap3A, %swap3A_383] {strides = array<i32>} : memref<400x64xf32, #tpu.memory_space<vmem>>, vector<1x16xf32>,
        %swap3A_385 = vector.shape_cast %swap3A_384 : vector<1x16xf32> to vector<16xf32>
        %swap3A_386 = vector.shape_cast %mul3A_382 : vector<16xf32> to vector<1x16xf32>
        tpu.vector_store %arg6[%swap3A, %swap3A_383], %swap3A_386 {strides = array<i32>} : memref<400x64xf32, #tpu.memory_space<vmem>>, vector<1x16xf32>,
        %get3A_387 = arith.index_cast %add3A_376 : i32 to index
        %get3A_388 = arith.constant 16 : index
        %get3A_389 = tpu.vector_load %arg6[%get3A_387, %get3A_388] {strides = array<i32>} : memref<400x64xf32, #tpu.memory_space<vmem>>, vector<1x16xf32>,
        %get3A_390 = vector.shape_cast %get3A_389 : vector<1x16xf32> to vector<16xf32>
        %mul3A_391 = arith.constant 8.000000e+00 : f32
        %mul3A_392 = vector.broadcast %mul3A_391 : f32 to vector<16xf32>
        %mul3A_393 = arith.mulf %get3A_390, %mul3A_392 : vector<16xf32>
        %swap3A_394 = arith.index_cast %add3A_376 : i32 to index
        %swap3A_395 = arith.constant 16 : index
        %swap3A_396 = tpu.vector_load %arg6[%swap3A_394, %swap3A_395] {strides = array<i32>} : memref<400x64xf32, #tpu.memory_space<vmem>>, vector<1x16xf32>,
        %swap3A_397 = vector.shape_cast %swap3A_396 : vector<1x16xf32> to vector<16xf32>
        %swap3A_398 = vector.shape_cast %mul3A_393 : vector<16xf32> to vector<1x16xf32>
        tpu.vector_store %arg6[%swap3A_394, %swap3A_395], %swap3A_398 {strides = array<i32>} : memref<400x64xf32, #tpu.memory_space<vmem>>, vector<1x16xf32>,
        %get3A_399 = arith.index_cast %add3A_376 : i32 to index
        %get3A_400 = arith.constant 32 : index
        %get3A_401 = tpu.vector_load %arg6[%get3A_399, %get3A_400] {strides = array<i32>} : memref<400x64xf32, #tpu.memory_space<vmem>>, vector<1x16xf32>,
        %get3A_402 = vector.shape_cast %get3A_401 : vector<1x16xf32> to vector<16xf32>
        %mul3A_403 = arith.constant 8.000000e+00 : f32
        %mul3A_404 = vector.broadcast %mul3A_403 : f32 to vector<16xf32>
        %mul3A_405 = arith.mulf %get3A_402, %mul3A_404 : vector<16xf32>
        %swap3A_406 = arith.index_cast %add3A_376 : i32 to index
        %swap3A_407 = arith.constant 32 : index
        %swap3A_408 = tpu.vector_load %arg6[%swap3A_406, %swap3A_407] {strides = array<i32>} : memref<400x64xf32, #tpu.memory_space<vmem>>, vector<1x16xf32>,
        %swap3A_409 = vector.shape_cast %swap3A_408 : vector<1x16xf32> to vector<16xf32>
        %swap3A_410 = vector.shape_cast %mul3A_405 : vector<16xf32> to vector<1x16xf32>
        tpu.vector_store %arg6[%swap3A_406, %swap3A_407], %swap3A_410 {strides = array<i32>} : memref<400x64xf32, #tpu.memory_space<vmem>>, vector<1x16xf32>,
        %get3A_411 = arith.index_cast %add3A_376 : i32 to index
        %get3A_412 = arith.constant 48 : index
        %get3A_413 = tpu.vector_load %arg6[%get3A_411, %get3A_412] {strides = array<i32>} : memref<400x64xf32, #tpu.memory_space<vmem>>, vector<1x16xf32>,
        %get3A_414 = vector.shape_cast %get3A_413 : vector<1x16xf32> to vector<16xf32>
        %mul3A_415 = arith.constant 8.000000e+00 : f32
        %mul3A_416 = vector.broadcast %mul3A_415 : f32 to vector<16xf32>
        %mul3A_417 = arith.mulf %get3A_414, %mul3A_416 : vector<16xf32>
        %swap3A_418 = arith.index_cast %add3A_376 : i32 to index
        %swap3A_419 = arith.constant 48 : index
        %swap3A_420 = tpu.vector_load %arg6[%swap3A_418, %swap3A_419] {strides = array<i32>} : memref<400x64xf32, #tpu.memory_space<vmem>>, vector<1x16xf32>,
        %swap3A_421 = vector.shape_cast %swap3A_420 : vector<1x16xf32> to vector<16xf32>
        %swap3A_422 = vector.shape_cast %mul3A_417 : vector<16xf32> to vector<1x16xf32>
        tpu.vector_store %arg6[%swap3A_418, %swap3A_419], %swap3A_422 {strides = array<i32>} : memref<400x64xf32, #tpu.memory_space<vmem>>, vector<1x16xf32>,
        %scan3A_423 = arith.constant 1 : i32
        %scan3A_424 = arith.addi %scan3A_372, %scan3A_423 : i32
        %mul3A_425 = arith.constant 1 : i32
        %mul3A_426 = arith.muli %scan3A_424, %mul3A_425 : i32
        %add3A_427 = arith.constant 0 : i32
        %add3A_428 = arith.addi %add3A_427, %mul3A_426 : i32
        %get3A_429 = arith.index_cast %add3A_428 : i32 to index
        %get3A_430 = arith.constant 0 : index
        %get3A_431 = tpu.vector_load %arg6[%get3A_429, %get3A_430] {strides = array<i32>} : memref<400x64xf32, #tpu.memory_space<vmem>>, vector<1x16xf32>,
        %get3A_432 = vector.shape_cast %get3A_431 : vector<1x16xf32> to vector<16xf32>
        %mul3A_433 = arith.constant 8.000000e+00 : f32
        %mul3A_434 = vector.broadcast %mul3A_433 : f32 to vector<16xf32>
        %mul3A_435 = arith.mulf %get3A_432, %mul3A_434 : vector<16xf32>
        %swap3A_436 = arith.index_cast %add3A_428 : i32 to index
        %swap3A_437 = arith.constant 0 : index
        %swap3A_438 = tpu.vector_load %arg6[%swap3A_436, %swap3A_437] {strides = array<i32>} : memref<400x64xf32, #tpu.memory_space<vmem>>, vector<1x16xf32>,
        %swap3A_439 = vector.shape_cast %swap3A_438 : vector<1x16xf32> to vector<16xf32>
        %swap3A_440 = vector.shape_cast %mul3A_435 : vector<16xf32> to vector<1x16xf32>
        tpu.vector_store %arg6[%swap3A_436, %swap3A_437], %swap3A_440 {strides = array<i32>} : memref<400x64xf32, #tpu.memory_space<vmem>>, vector<1x16xf32>,
        %get3A_441 = arith.index_cast %add3A_428 : i32 to index
        %get3A_442 = arith.constant 16 : index
        %get3A_443 = tpu.vector_load %arg6[%get3A_441, %get3A_442] {strides = array<i32>} : memref<400x64xf32, #tpu.memory_space<vmem>>, vector<1x16xf32>,
        %get3A_444 = vector.shape_cast %get3A_443 : vector<1x16xf32> to vector<16xf32>
        %mul3A_445 = arith.constant 8.000000e+00 : f32
        %mul3A_446 = vector.broadcast %mul3A_445 : f32 to vector<16xf32>
        %mul3A_447 = arith.mulf %get3A_444, %mul3A_446 : vector<16xf32>
        %swap3A_448 = arith.index_cast %add3A_428 : i32 to index
        %swap3A_449 = arith.constant 16 : index
        %swap3A_450 = tpu.vector_load %arg6[%swap3A_448, %swap3A_449] {strides = array<i32>} : memref<400x64xf32, #tpu.memory_space<vmem>>, vector<1x16xf32>,
        %swap3A_451 = vector.shape_cast %swap3A_450 : vector<1x16xf32> to vector<16xf32>
        %swap3A_452 = vector.shape_cast %mul3A_447 : vector<16xf32> to vector<1x16xf32>
        tpu.vector_store %arg6[%swap3A_448, %swap3A_449], %swap3A_452 {strides = array<i32>} : memref<400x64xf32, #tpu.memory_space<vmem>>, vector<1x16xf32>,
        %get3A_453 = arith.index_cast %add3A_428 : i32 to index
        %get3A_454 = arith.constant 32 : index
        %get3A_455 = tpu.vector_load %arg6[%get3A_453, %get3A_454] {strides = array<i32>} : memref<400x64xf32, #tpu.memory_space<vmem>>, vector<1x16xf32>,
        %get3A_456 = vector.shape_cast %get3A_455 : vector<1x16xf32> to vector<16xf32>
        %mul3A_457 = arith.constant 8.000000e+00 : f32
        %mul3A_458 = vector.broadcast %mul3A_457 : f32 to vector<16xf32>
        %mul3A_459 = arith.mulf %get3A_456, %mul3A_458 : vector<16xf32>
        %swap3A_460 = arith.index_cast %add3A_428 : i32 to index
        %swap3A_461 = arith.constant 32 : index
        %swap3A_462 = tpu.vector_load %arg6[%swap3A_460, %swap3A_461] {strides = array<i32>} : memref<400x64xf32, #tpu.memory_space<vmem>>, vector<1x16xf32>,
        %swap3A_463 = vector.shape_cast %swap3A_462 : vector<1x16xf32> to vector<16xf32>
        %swap3A_464 = vector.shape_cast %mul3A_459 : vector<16xf32> to vector<1x16xf32>
        tpu.vector_store %arg6[%swap3A_460, %swap3A_461], %swap3A_464 {strides = array<i32>} : memref<400x64xf32, #tpu.memory_space<vmem>>, vector<1x16xf32>,
        %get3A_465 = arith.index_cast %add3A_428 : i32 to index
        %get3A_466 = arith.constant 48 : index
        %get3A_467 = tpu.vector_load %arg6[%get3A_465, %get3A_466] {strides = array<i32>} : memref<400x64xf32, #tpu.memory_space<vmem>>, vector<1x16xf32>,
        %get3A_468 = vector.shape_cast %get3A_467 : vector<1x16xf32> to vector<16xf32>
        %mul3A_469 = arith.constant 8.000000e+00 : f32
        %mul3A_470 = vector.broadcast %mul3A_469 : f32 to vector<16xf32>
        %mul3A_471 = arith.mulf %get3A_468, %mul3A_470 : vector<16xf32>
        %swap3A_472 = arith.index_cast %add3A_428 : i32 to index
        %swap3A_473 = arith.constant 48 : index
        %swap3A_474 = tpu.vector_load %arg6[%swap3A_472, %swap3A_473] {strides = array<i32>} : memref<400x64xf32, #tpu.memory_space<vmem>>, vector<1x16xf32>,
        %swap3A_475 = vector.shape_cast %swap3A_474 : vector<1x16xf32> to vector<16xf32>
        %swap3A_476 = vector.shape_cast %mul3A_471 : vector<16xf32> to vector<1x16xf32>
        tpu.vector_store %arg6[%swap3A_472, %swap3A_473], %swap3A_476 {strides = array<i32>} : memref<400x64xf32, #tpu.memory_space<vmem>>, vector<1x16xf32>,
        %scan3A_477 = arith.constant 2 : i32
        %scan3A_478 = arith.addi %scan3A_372, %scan3A_477 : i32
        %mul3A_479 = arith.constant 1 : i32
        %mul3A_480 = arith.muli %scan3A_478, %mul3A_479 : i32
        %add3A_481 = arith.constant 0 : i32
        %add3A_482 = arith.addi %add3A_481, %mul3A_480 : i32
        %get3A_483 = arith.index_cast %add3A_482 : i32 to index
        %get3A_484 = arith.constant 0 : index
        %get3A_485 = tpu.vector_load %arg6[%get3A_483, %get3A_484] {strides = array<i32>} : memref<400x64xf32, #tpu.memory_space<vmem>>, vector<1x16xf32>,
        %get3A_486 = vector.shape_cast %get3A_485 : vector<1x16xf32> to vector<16xf32>
        %mul3A_487 = arith.constant 8.000000e+00 : f32
        %mul3A_488 = vector.broadcast %mul3A_487 : f32 to vector<16xf32>
        %mul3A_489 = arith.mulf %get3A_486, %mul3A_488 : vector<16xf32>
        %swap3A_490 = arith.index_cast %add3A_482 : i32 to index
        %swap3A_491 = arith.constant 0 : index
        %swap3A_492 = tpu.vector_load %arg6[%swap3A_490, %swap3A_491] {strides = array<i32>} : memref<400x64xf32, #tpu.memory_space<vmem>>, vector<1x16xf32>,
        %swap3A_493 = vector.shape_cast %swap3A_492 : vector<1x16xf32> to vector<16xf32>
        %swap3A_494 = vector.shape_cast %mul3A_489 : vector<16xf32> to vector<1x16xf32>
        tpu.vector_store %arg6[%swap3A_490, %swap3A_491], %swap3A_494 {strides = array<i32>} : memref<400x64xf32, #tpu.memory_space<vmem>>, vector<1x16xf32>,
        %get3A_495 = arith.index_cast %add3A_482 : i32 to index
        %get3A_496 = arith.constant 16 : index
        %get3A_497 = tpu.vector_load %arg6[%get3A_495, %get3A_496] {strides = array<i32>} : memref<400x64xf32, #tpu.memory_space<vmem>>, vector<1x16xf32>,
        %get3A_498 = vector.shape_cast %get3A_497 : vector<1x16xf32> to vector<16xf32>
        %mul3A_499 = arith.constant 8.000000e+00 : f32
        %mul3A_500 = vector.broadcast %mul3A_499 : f32 to vector<16xf32>
        %mul3A_501 = arith.mulf %get3A_498, %mul3A_500 : vector<16xf32>
        %swap3A_502 = arith.index_cast %add3A_482 : i32 to index
        %swap3A_503 = arith.constant 16 : index
        %swap3A_504 = tpu.vector_load %arg6[%swap3A_502, %swap3A_503] {strides = array<i32>} : memref<400x64xf32, #tpu.memory_space<vmem>>, vector<1x16xf32>,
        %swap3A_505 = vector.shape_cast %swap3A_504 : vector<1x16xf32> to vector<16xf32>
        %swap3A_506 = vector.shape_cast %mul3A_501 : vector<16xf32> to vector<1x16xf32>
        tpu.vector_store %arg6[%swap3A_502, %swap3A_503], %swap3A_506 {strides = array<i32>} : memref<400x64xf32, #tpu.memory_space<vmem>>, vector<1x16xf32>,
        %get3A_507 = arith.index_cast %add3A_482 : i32 to index
        %get3A_508 = arith.constant 32 : index
        %get3A_509 = tpu.vector_load %arg6[%get3A_507, %get3A_508] {strides = array<i32>} : memref<400x64xf32, #tpu.memory_space<vmem>>, vector<1x16xf32>,
        %get3A_510 = vector.shape_cast %get3A_509 : vector<1x16xf32> to vector<16xf32>
        %mul3A_511 = arith.constant 8.000000e+00 : f32
        %mul3A_512 = vector.broadcast %mul3A_511 : f32 to vector<16xf32>
        %mul3A_513 = arith.mulf %get3A_510, %mul3A_512 : vector<16xf32>
        %swap3A_514 = arith.index_cast %add3A_482 : i32 to index
        %swap3A_515 = arith.constant 32 : index
        %swap3A_516 = tpu.vector_load %arg6[%swap3A_514, %swap3A_515] {strides = array<i32>} : memref<400x64xf32, #tpu.memory_space<vmem>>, vector<1x16xf32>,
        %swap3A_517 = vector.shape_cast %swap3A_516 : vector<1x16xf32> to vector<16xf32>
        %swap3A_518 = vector.shape_cast %mul3A_513 : vector<16xf32> to vector<1x16xf32>
        tpu.vector_store %arg6[%swap3A_514, %swap3A_515], %swap3A_518 {strides = array<i32>} : memref<400x64xf32, #tpu.memory_space<vmem>>, vector<1x16xf32>,
        %get3A_519 = arith.index_cast %add3A_482 : i32 to index
        %get3A_520 = arith.constant 48 : index
        %get3A_521 = tpu.vector_load %arg6[%get3A_519, %get3A_520] {strides = array<i32>} : memref<400x64xf32, #tpu.memory_space<vmem>>, vector<1x16xf32>,
        %get3A_522 = vector.shape_cast %get3A_521 : vector<1x16xf32> to vector<16xf32>
        %mul3A_523 = arith.constant 8.000000e+00 : f32
        %mul3A_524 = vector.broadcast %mul3A_523 : f32 to vector<16xf32>
        %mul3A_525 = arith.mulf %get3A_522, %mul3A_524 : vector<16xf32>
        %swap3A_526 = arith.index_cast %add3A_482 : i32 to index
        %swap3A_527 = arith.constant 48 : index
        %swap3A_528 = tpu.vector_load %arg6[%swap3A_526, %swap3A_527] {strides = array<i32>} : memref<400x64xf32, #tpu.memory_space<vmem>>, vector<1x16xf32>,
        %swap3A_529 = vector.shape_cast %swap3A_528 : vector<1x16xf32> to vector<16xf32>
        %swap3A_530 = vector.shape_cast %mul3A_525 : vector<16xf32> to vector<1x16xf32>
        tpu.vector_store %arg6[%swap3A_526, %swap3A_527], %swap3A_530 {strides = array<i32>} : memref<400x64xf32, #tpu.memory_space<vmem>>, vector<1x16xf32>,
        %scan3A_531 = arith.constant 3 : i32
        %scan3A_532 = arith.addi %scan3A_372, %scan3A_531 : i32
        %mul3A_533 = arith.constant 1 : i32
        %mul3A_534 = arith.muli %scan3A_532, %mul3A_533 : i32
        %add3A_535 = arith.constant 0 : i32
        %add3A_536 = arith.addi %add3A_535, %mul3A_534 : i32
        %get3A_537 = arith.index_cast %add3A_536 : i32 to index
        %get3A_538 = arith.constant 0 : index
        %get3A_539 = tpu.vector_load %arg6[%get3A_537, %get3A_538] {strides = array<i32>} : memref<400x64xf32, #tpu.memory_space<vmem>>, vector<1x16xf32>,
        %get3A_540 = vector.shape_cast %get3A_539 : vector<1x16xf32> to vector<16xf32>
        %mul3A_541 = arith.constant 8.000000e+00 : f32
        %mul3A_542 = vector.broadcast %mul3A_541 : f32 to vector<16xf32>
        %mul3A_543 = arith.mulf %get3A_540, %mul3A_542 : vector<16xf32>
        %swap3A_544 = arith.index_cast %add3A_536 : i32 to index
        %swap3A_545 = arith.constant 0 : index
        %swap3A_546 = tpu.vector_load %arg6[%swap3A_544, %swap3A_545] {strides = array<i32>} : memref<400x64xf32, #tpu.memory_space<vmem>>, vector<1x16xf32>,
        %swap3A_547 = vector.shape_cast %swap3A_546 : vector<1x16xf32> to vector<16xf32>
        %swap3A_548 = vector.shape_cast %mul3A_543 : vector<16xf32> to vector<1x16xf32>
        tpu.vector_store %arg6[%swap3A_544, %swap3A_545], %swap3A_548 {strides = array<i32>} : memref<400x64xf32, #tpu.memory_space<vmem>>, vector<1x16xf32>,
        %get3A_549 = arith.index_cast %add3A_536 : i32 to index
        %get3A_550 = arith.constant 16 : index
        %get3A_551 = tpu.vector_load %arg6[%get3A_549, %get3A_550] {strides = array<i32>} : memref<400x64xf32, #tpu.memory_space<vmem>>, vector<1x16xf32>,
        %get3A_552 = vector.shape_cast %get3A_551 : vector<1x16xf32> to vector<16xf32>
        %mul3A_553 = arith.constant 8.000000e+00 : f32
        %mul3A_554 = vector.broadcast %mul3A_553 : f32 to vector<16xf32>
        %mul3A_555 = arith.mulf %get3A_552, %mul3A_554 : vector<16xf32>
        %swap3A_556 = arith.index_cast %add3A_536 : i32 to index
        %swap3A_557 = arith.constant 16 : index
        %swap3A_558 = tpu.vector_load %arg6[%swap3A_556, %swap3A_557] {strides = array<i32>} : memref<400x64xf32, #tpu.memory_space<vmem>>, vector<1x16xf32>,
        %swap3A_559 = vector.shape_cast %swap3A_558 : vector<1x16xf32> to vector<16xf32>
        %swap3A_560 = vector.shape_cast %mul3A_555 : vector<16xf32> to vector<1x16xf32>
        tpu.vector_store %arg6[%swap3A_556, %swap3A_557], %swap3A_560 {strides = array<i32>} : memref<400x64xf32, #tpu.memory_space<vmem>>, vector<1x16xf32>,
        %get3A_561 = arith.index_cast %add3A_536 : i32 to index
        %get3A_562 = arith.constant 32 : index
        %get3A_563 = tpu.vector_load %arg6[%get3A_561, %get3A_562] {strides = array<i32>} : memref<400x64xf32, #tpu.memory_space<vmem>>, vector<1x16xf32>,
        %get3A_564 = vector.shape_cast %get3A_563 : vector<1x16xf32> to vector<16xf32>
        %mul3A_565 = arith.constant 8.000000e+00 : f32
        %mul3A_566 = vector.broadcast %mul3A_565 : f32 to vector<16xf32>
        %mul3A_567 = arith.mulf %get3A_564, %mul3A_566 : vector<16xf32>
        %swap3A_568 = arith.index_cast %add3A_536 : i32 to index
        %swap3A_569 = arith.constant 32 : index
        %swap3A_570 = tpu.vector_load %arg6[%swap3A_568, %swap3A_569] {strides = array<i32>} : memref<400x64xf32, #tpu.memory_space<vmem>>, vector<1x16xf32>,
        %swap3A_571 = vector.shape_cast %swap3A_570 : vector<1x16xf32> to vector<16xf32>
        %swap3A_572 = vector.shape_cast %mul3A_567 : vector<16xf32> to vector<1x16xf32>
        tpu.vector_store %arg6[%swap3A_568, %swap3A_569], %swap3A_572 {strides = array<i32>} : memref<400x64xf32, #tpu.memory_space<vmem>>, vector<1x16xf32>,
        %get3A_573 = arith.index_cast %add3A_536 : i32 to index
        %get3A_574 = arith.constant 48 : index
        %get3A_575 = tpu.vector_load %arg6[%get3A_573, %get3A_574] {strides = array<i32>} : memref<400x64xf32, #tpu.memory_space<vmem>>, vector<1x16xf32>,
        %get3A_576 = vector.shape_cast %get3A_575 : vector<1x16xf32> to vector<16xf32>
        %mul3A_577 = arith.constant 8.000000e+00 : f32
        %mul3A_578 = vector.broadcast %mul3A_577 : f32 to vector<16xf32>
        %mul3A_579 = arith.mulf %get3A_576, %mul3A_578 : vector<16xf32>
        %swap3A_580 = arith.index_cast %add3A_536 : i32 to index
        %swap3A_581 = arith.constant 48 : index
        %swap3A_582 = tpu.vector_load %arg6[%swap3A_580, %swap3A_581] {strides = array<i32>} : memref<400x64xf32, #tpu.memory_space<vmem>>, vector<1x16xf32>,
        %swap3A_583 = vector.shape_cast %swap3A_582 : vector<1x16xf32> to vector<16xf32>
        %swap3A_584 = vector.shape_cast %mul3A_579 : vector<16xf32> to vector<1x16xf32>
        tpu.vector_store %arg6[%swap3A_580, %swap3A_581], %swap3A_584 {strides = array<i32>} : memref<400x64xf32, #tpu.memory_space<vmem>>, vector<1x16xf32>,
        %scan3A_585 = arith.constant 4 : i32
        %scan3A_586 = arith.addi %scan3A_372, %scan3A_585 : i32
        %mul3A_587 = arith.constant 1 : i32
        %mul3A_588 = arith.muli %scan3A_586, %mul3A_587 : i32
        %add3A_589 = arith.constant 0 : i32
        %add3A_590 = arith.addi %add3A_589, %mul3A_588 : i32
        %get3A_591 = arith.index_cast %add3A_590 : i32 to index
        %get3A_592 = arith.constant 0 : index
        %get3A_593 = tpu.vector_load %arg6[%get3A_591, %get3A_592] {strides = array<i32>} : memref<400x64xf32, #tpu.memory_space<vmem>>, vector<1x16xf32>,
        %get3A_594 = vector.shape_cast %get3A_593 : vector<1x16xf32> to vector<16xf32>
        %mul3A_595 = arith.constant 8.000000e+00 : f32
        %mul3A_596 = vector.broadcast %mul3A_595 : f32 to vector<16xf32>
        %mul3A_597 = arith.mulf %get3A_594, %mul3A_596 : vector<16xf32>
        %swap3A_598 = arith.index_cast %add3A_590 : i32 to index
        %swap3A_599 = arith.constant 0 : index
        %swap3A_600 = tpu.vector_load %arg6[%swap3A_598, %swap3A_599] {strides = array<i32>} : memref<400x64xf32, #tpu.memory_space<vmem>>, vector<1x16xf32>,
        %swap3A_601 = vector.shape_cast %swap3A_600 : vector<1x16xf32> to vector<16xf32>
        %swap3A_602 = vector.shape_cast %mul3A_597 : vector<16xf32> to vector<1x16xf32>
        tpu.vector_store %arg6[%swap3A_598, %swap3A_599], %swap3A_602 {strides = array<i32>} : memref<400x64xf32, #tpu.memory_space<vmem>>, vector<1x16xf32>,
        %get3A_603 = arith.index_cast %add3A_590 : i32 to index
        %get3A_604 = arith.constant 16 : index
        %get3A_605 = tpu.vector_load %arg6[%get3A_603, %get3A_604] {strides = array<i32>} : memref<400x64xf32, #tpu.memory_space<vmem>>, vector<1x16xf32>,
        %get3A_606 = vector.shape_cast %get3A_605 : vector<1x16xf32> to vector<16xf32>
        %mul3A_607 = arith.constant 8.000000e+00 : f32
        %mul3A_608 = vector.broadcast %mul3A_607 : f32 to vector<16xf32>
        %mul3A_609 = arith.mulf %get3A_606, %mul3A_608 : vector<16xf32>
        %swap3A_610 = arith.index_cast %add3A_590 : i32 to index
        %swap3A_611 = arith.constant 16 : index
        %swap3A_612 = tpu.vector_load %arg6[%swap3A_610, %swap3A_611] {strides = array<i32>} : memref<400x64xf32, #tpu.memory_space<vmem>>, vector<1x16xf32>,
        %swap3A_613 = vector.shape_cast %swap3A_612 : vector<1x16xf32> to vector<16xf32>
        %swap3A_614 = vector.shape_cast %mul3A_609 : vector<16xf32> to vector<1x16xf32>
        tpu.vector_store %arg6[%swap3A_610, %swap3A_611], %swap3A_614 {strides = array<i32>} : memref<400x64xf32, #tpu.memory_space<vmem>>, vector<1x16xf32>,
        %get3A_615 = arith.index_cast %add3A_590 : i32 to index
        %get3A_616 = arith.constant 32 : index
        %get3A_617 = tpu.vector_load %arg6[%get3A_615, %get3A_616] {strides = array<i32>} : memref<400x64xf32, #tpu.memory_space<vmem>>, vector<1x16xf32>,
        %get3A_618 = vector.shape_cast %get3A_617 : vector<1x16xf32> to vector<16xf32>
        %mul3A_619 = arith.constant 8.000000e+00 : f32
        %mul3A_620 = vector.broadcast %mul3A_619 : f32 to vector<16xf32>
        %mul3A_621 = arith.mulf %get3A_618, %mul3A_620 : vector<16xf32>
        %swap3A_622 = arith.index_cast %add3A_590 : i32 to index
        %swap3A_623 = arith.constant 32 : index
        %swap3A_624 = tpu.vector_load %arg6[%swap3A_622, %swap3A_623] {strides = array<i32>} : memref<400x64xf32, #tpu.memory_space<vmem>>, vector<1x16xf32>,
        %swap3A_625 = vector.shape_cast %swap3A_624 : vector<1x16xf32> to vector<16xf32>
        %swap3A_626 = vector.shape_cast %mul3A_621 : vector<16xf32> to vector<1x16xf32>
        tpu.vector_store %arg6[%swap3A_622, %swap3A_623], %swap3A_626 {strides = array<i32>} : memref<400x64xf32, #tpu.memory_space<vmem>>, vector<1x16xf32>,
        %get3A_627 = arith.index_cast %add3A_590 : i32 to index
        %get3A_628 = arith.constant 48 : index
        %get3A_629 = tpu.vector_load %arg6[%get3A_627, %get3A_628] {strides = array<i32>} : memref<400x64xf32, #tpu.memory_space<vmem>>, vector<1x16xf32>,
        %get3A_630 = vector.shape_cast %get3A_629 : vector<1x16xf32> to vector<16xf32>
        %mul3A_631 = arith.constant 8.000000e+00 : f32
        %mul3A_632 = vector.broadcast %mul3A_631 : f32 to vector<16xf32>
        %mul3A_633 = arith.mulf %get3A_630, %mul3A_632 : vector<16xf32>
        %swap3A_634 = arith.index_cast %add3A_590 : i32 to index
        %swap3A_635 = arith.constant 48 : index
        %swap3A_636 = tpu.vector_load %arg6[%swap3A_634, %swap3A_635] {strides = array<i32>} : memref<400x64xf32, #tpu.memory_space<vmem>>, vector<1x16xf32>,
        %swap3A_637 = vector.shape_cast %swap3A_636 : vector<1x16xf32> to vector<16xf32>
        %swap3A_638 = vector.shape_cast %mul3A_633 : vector<16xf32> to vector<1x16xf32>
        tpu.vector_store %arg6[%swap3A_634, %swap3A_635], %swap3A_638 {strides = array<i32>} : memref<400x64xf32, #tpu.memory_space<vmem>>, vector<1x16xf32>,
        %scan3A_639 = arith.constant 5 : i32
        %scan3A_640 = arith.addi %scan3A_372, %scan3A_639 : i32
        %mul3A_641 = arith.constant 1 : i32
        %mul3A_642 = arith.muli %scan3A_640, %mul3A_641 : i32
        %add3A_643 = arith.constant 0 : i32
        %add3A_644 = arith.addi %add3A_643, %mul3A_642 : i32
        %get3A_645 = arith.index_cast %add3A_644 : i32 to index
        %get3A_646 = arith.constant 0 : index
        %get3A_647 = tpu.vector_load %arg6[%get3A_645, %get3A_646] {strides = array<i32>} : memref<400x64xf32, #tpu.memory_space<vmem>>, vector<1x16xf32>,
        %get3A_648 = vector.shape_cast %get3A_647 : vector<1x16xf32> to vector<16xf32>
        %mul3A_649 = arith.constant 8.000000e+00 : f32
        %mul3A_650 = vector.broadcast %mul3A_649 : f32 to vector<16xf32>
        %mul3A_651 = arith.mulf %get3A_648, %mul3A_650 : vector<16xf32>
        %swap3A_652 = arith.index_cast %add3A_644 : i32 to index
        %swap3A_653 = arith.constant 0 : index
        %swap3A_654 = tpu.vector_load %arg6[%swap3A_652, %swap3A_653] {strides = array<i32>} : memref<400x64xf32, #tpu.memory_space<vmem>>, vector<1x16xf32>,
        %swap3A_655 = vector.shape_cast %swap3A_654 : vector<1x16xf32> to vector<16xf32>
        %swap3A_656 = vector.shape_cast %mul3A_651 : vector<16xf32> to vector<1x16xf32>
        tpu.vector_store %arg6[%swap3A_652, %swap3A_653], %swap3A_656 {strides = array<i32>} : memref<400x64xf32, #tpu.memory_space<vmem>>, vector<1x16xf32>,
        %get3A_657 = arith.index_cast %add3A_644 : i32 to index
        %get3A_658 = arith.constant 16 : index
        %get3A_659 = tpu.vector_load %arg6[%get3A_657, %get3A_658] {strides = array<i32>} : memref<400x64xf32, #tpu.memory_space<vmem>>, vector<1x16xf32>,
        %get3A_660 = vector.shape_cast %get3A_659 : vector<1x16xf32> to vector<16xf32>
        %mul3A_661 = arith.constant 8.000000e+00 : f32
        %mul3A_662 = vector.broadcast %mul3A_661 : f32 to vector<16xf32>
        %mul3A_663 = arith.mulf %get3A_660, %mul3A_662 : vector<16xf32>
        %swap3A_664 = arith.index_cast %add3A_644 : i32 to index
        %swap3A_665 = arith.constant 16 : index
        %swap3A_666 = tpu.vector_load %arg6[%swap3A_664, %swap3A_665] {strides = array<i32>} : memref<400x64xf32, #tpu.memory_space<vmem>>, vector<1x16xf32>,
        %swap3A_667 = vector.shape_cast %swap3A_666 : vector<1x16xf32> to vector<16xf32>
        %swap3A_668 = vector.shape_cast %mul3A_663 : vector<16xf32> to vector<1x16xf32>
        tpu.vector_store %arg6[%swap3A_664, %swap3A_665], %swap3A_668 {strides = array<i32>} : memref<400x64xf32, #tpu.memory_space<vmem>>, vector<1x16xf32>,
        %get3A_669 = arith.index_cast %add3A_644 : i32 to index
        %get3A_670 = arith.constant 32 : index
        %get3A_671 = tpu.vector_load %arg6[%get3A_669, %get3A_670] {strides = array<i32>} : memref<400x64xf32, #tpu.memory_space<vmem>>, vector<1x16xf32>,
        %get3A_672 = vector.shape_cast %get3A_671 : vector<1x16xf32> to vector<16xf32>
        %mul3A_673 = arith.constant 8.000000e+00 : f32
        %mul3A_674 = vector.broadcast %mul3A_673 : f32 to vector<16xf32>
        %mul3A_675 = arith.mulf %get3A_672, %mul3A_674 : vector<16xf32>
        %swap3A_676 = arith.index_cast %add3A_644 : i32 to index
        %swap3A_677 = arith.constant 32 : index
        %swap3A_678 = tpu.vector_load %arg6[%swap3A_676, %swap3A_677] {strides = array<i32>} : memref<400x64xf32, #tpu.memory_space<vmem>>, vector<1x16xf32>,
        %swap3A_679 = vector.shape_cast %swap3A_678 : vector<1x16xf32> to vector<16xf32>
        %swap3A_680 = vector.shape_cast %mul3A_675 : vector<16xf32> to vector<1x16xf32>
        tpu.vector_store %arg6[%swap3A_676, %swap3A_677], %swap3A_680 {strides = array<i32>} : memref<400x64xf32, #tpu.memory_space<vmem>>, vector<1x16xf32>,
        %get3A_681 = arith.index_cast %add3A_644 : i32 to index
        %get3A_682 = arith.constant 48 : index
        %get3A_683 = tpu.vector_load %arg6[%get3A_681, %get3A_682] {strides = array<i32>} : memref<400x64xf32, #tpu.memory_space<vmem>>, vector<1x16xf32>,
        %get3A_684 = vector.shape_cast %get3A_683 : vector<1x16xf32> to vector<16xf32>
        %mul3A_685 = arith.constant 8.000000e+00 : f32
        %mul3A_686 = vector.broadcast %mul3A_685 : f32 to vector<16xf32>
        %mul3A_687 = arith.mulf %get3A_684, %mul3A_686 : vector<16xf32>
        %swap3A_688 = arith.index_cast %add3A_644 : i32 to index
        %swap3A_689 = arith.constant 48 : index
        %swap3A_690 = tpu.vector_load %arg6[%swap3A_688, %swap3A_689] {strides = array<i32>} : memref<400x64xf32, #tpu.memory_space<vmem>>, vector<1x16xf32>,
        %swap3A_691 = vector.shape_cast %swap3A_690 : vector<1x16xf32> to vector<16xf32>
        %swap3A_692 = vector.shape_cast %mul3A_687 : vector<16xf32> to vector<1x16xf32>
        tpu.vector_store %arg6[%swap3A_688, %swap3A_689], %swap3A_692 {strides = array<i32>} : memref<400x64xf32, #tpu.memory_space<vmem>>, vector<1x16xf32>,
        %scan3A_693 = arith.constant 6 : i32
        %scan3A_694 = arith.addi %scan3A_372, %scan3A_693 : i32
        %mul3A_695 = arith.constant 1 : i32
        %mul3A_696 = arith.muli %scan3A_694, %mul3A_695 : i32
        %add3A_697 = arith.constant 0 : i32
        %add3A_698 = arith.addi %add3A_697, %mul3A_696 : i32
        %get3A_699 = arith.index_cast %add3A_698 : i32 to index
        %get3A_700 = arith.constant 0 : index
        %get3A_701 = tpu.vector_load %arg6[%get3A_699, %get3A_700] {strides = array<i32>} : memref<400x64xf32, #tpu.memory_space<vmem>>, vector<1x16xf32>,
        %get3A_702 = vector.shape_cast %get3A_701 : vector<1x16xf32> to vector<16xf32>
        %mul3A_703 = arith.constant 8.000000e+00 : f32
        %mul3A_704 = vector.broadcast %mul3A_703 : f32 to vector<16xf32>
        %mul3A_705 = arith.mulf %get3A_702, %mul3A_704 : vector<16xf32>
        %swap3A_706 = arith.index_cast %add3A_698 : i32 to index
        %swap3A_707 = arith.constant 0 : index
        %swap3A_708 = tpu.vector_load %arg6[%swap3A_706, %swap3A_707] {strides = array<i32>} : memref<400x64xf32, #tpu.memory_space<vmem>>, vector<1x16xf32>,
        %swap3A_709 = vector.shape_cast %swap3A_708 : vector<1x16xf32> to vector<16xf32>
        %swap3A_710 = vector.shape_cast %mul3A_705 : vector<16xf32> to vector<1x16xf32>
        tpu.vector_store %arg6[%swap3A_706, %swap3A_707], %swap3A_710 {strides = array<i32>} : memref<400x64xf32, #tpu.memory_space<vmem>>, vector<1x16xf32>,
        %get3A_711 = arith.index_cast %add3A_698 : i32 to index
        %get3A_712 = arith.constant 16 : index
        %get3A_713 = tpu.vector_load %arg6[%get3A_711, %get3A_712] {strides = array<i32>} : memref<400x64xf32, #tpu.memory_space<vmem>>, vector<1x16xf32>,
        %get3A_714 = vector.shape_cast %get3A_713 : vector<1x16xf32> to vector<16xf32>
        %mul3A_715 = arith.constant 8.000000e+00 : f32
        %mul3A_716 = vector.broadcast %mul3A_715 : f32 to vector<16xf32>
        %mul3A_717 = arith.mulf %get3A_714, %mul3A_716 : vector<16xf32>
        %swap3A_718 = arith.index_cast %add3A_698 : i32 to index
        %swap3A_719 = arith.constant 16 : index
        %swap3A_720 = tpu.vector_load %arg6[%swap3A_718, %swap3A_719] {strides = array<i32>} : memref<400x64xf32, #tpu.memory_space<vmem>>, vector<1x16xf32>,
        %swap3A_721 = vector.shape_cast %swap3A_720 : vector<1x16xf32> to vector<16xf32>
        %swap3A_722 = vector.shape_cast %mul3A_717 : vector<16xf32> to vector<1x16xf32>
        tpu.vector_store %arg6[%swap3A_718, %swap3A_719], %swap3A_722 {strides = array<i32>} : memref<400x64xf32, #tpu.memory_space<vmem>>, vector<1x16xf32>,
        %get3A_723 = arith.index_cast %add3A_698 : i32 to index
        %get3A_724 = arith.constant 32 : index
        %get3A_725 = tpu.vector_load %arg6[%get3A_723, %get3A_724] {strides = array<i32>} : memref<400x64xf32, #tpu.memory_space<vmem>>, vector<1x16xf32>,
        %get3A_726 = vector.shape_cast %get3A_725 : vector<1x16xf32> to vector<16xf32>
        %mul3A_727 = arith.constant 8.000000e+00 : f32
        %mul3A_728 = vector.broadcast %mul3A_727 : f32 to vector<16xf32>
        %mul3A_729 = arith.mulf %get3A_726, %mul3A_728 : vector<16xf32>
        %swap3A_730 = arith.index_cast %add3A_698 : i32 to index
        %swap3A_731 = arith.constant 32 : index
        %swap3A_732 = tpu.vector_load %arg6[%swap3A_730, %swap3A_731] {strides = array<i32>} : memref<400x64xf32, #tpu.memory_space<vmem>>, vector<1x16xf32>,
        %swap3A_733 = vector.shape_cast %swap3A_732 : vector<1x16xf32> to vector<16xf32>
        %swap3A_734 = vector.shape_cast %mul3A_729 : vector<16xf32> to vector<1x16xf32>
        tpu.vector_store %arg6[%swap3A_730, %swap3A_731], %swap3A_734 {strides = array<i32>} : memref<400x64xf32, #tpu.memory_space<vmem>>, vector<1x16xf32>,
        %get3A_735 = arith.index_cast %add3A_698 : i32 to index
        %get3A_736 = arith.constant 48 : index
        %get3A_737 = tpu.vector_load %arg6[%get3A_735, %get3A_736] {strides = array<i32>} : memref<400x64xf32, #tpu.memory_space<vmem>>, vector<1x16xf32>,
        %get3A_738 = vector.shape_cast %get3A_737 : vector<1x16xf32> to vector<16xf32>
        %mul3A_739 = arith.constant 8.000000e+00 : f32
        %mul3A_740 = vector.broadcast %mul3A_739 : f32 to vector<16xf32>
        %mul3A_741 = arith.mulf %get3A_738, %mul3A_740 : vector<16xf32>
        %swap3A_742 = arith.index_cast %add3A_698 : i32 to index
        %swap3A_743 = arith.constant 48 : index
        %swap3A_744 = tpu.vector_load %arg6[%swap3A_742, %swap3A_743] {strides = array<i32>} : memref<400x64xf32, #tpu.memory_space<vmem>>, vector<1x16xf32>,
        %swap3A_745 = vector.shape_cast %swap3A_744 : vector<1x16xf32> to vector<16xf32>
        %swap3A_746 = vector.shape_cast %mul3A_741 : vector<16xf32> to vector<1x16xf32>
        tpu.vector_store %arg6[%swap3A_742, %swap3A_743], %swap3A_746 {strides = array<i32>} : memref<400x64xf32, #tpu.memory_space<vmem>>, vector<1x16xf32>,
        %scan3A_747 = arith.constant 7 : i32
        %scan3A_748 = arith.addi %scan3A_372, %scan3A_747 : i32
        %mul3A_749 = arith.constant 1 : i32
        %mul3A_750 = arith.muli %scan3A_748, %mul3A_749 : i32
        %add3A_751 = arith.constant 0 : i32
        %add3A_752 = arith.addi %add3A_751, %mul3A_750 : i32
        %get3A_753 = arith.index_cast %add3A_752 : i32 to index
        %get3A_754 = arith.constant 0 : index
        %get3A_755 = tpu.vector_load %arg6[%get3A_753, %get3A_754] {strides = array<i32>} : memref<400x64xf32, #tpu.memory_space<vmem>>, vector<1x16xf32>,
        %get3A_756 = vector.shape_cast %get3A_755 : vector<1x16xf32> to vector<16xf32>
        %mul3A_757 = arith.constant 8.000000e+00 : f32
        %mul3A_758 = vector.broadcast %mul3A_757 : f32 to vector<16xf32>
        %mul3A_759 = arith.mulf %get3A_756, %mul3A_758 : vector<16xf32>
        %swap3A_760 = arith.index_cast %add3A_752 : i32 to index
        %swap3A_761 = arith.constant 0 : index
        %swap3A_762 = tpu.vector_load %arg6[%swap3A_760, %swap3A_761] {strides = array<i32>} : memref<400x64xf32, #tpu.memory_space<vmem>>, vector<1x16xf32>,
        %swap3A_763 = vector.shape_cast %swap3A_762 : vector<1x16xf32> to vector<16xf32>
        %swap3A_764 = vector.shape_cast %mul3A_759 : vector<16xf32> to vector<1x16xf32>
        tpu.vector_store %arg6[%swap3A_760, %swap3A_761], %swap3A_764 {strides = array<i32>} : memref<400x64xf32, #tpu.memory_space<vmem>>, vector<1x16xf32>,
        %get3A_765 = arith.index_cast %add3A_752 : i32 to index
        %get3A_766 = arith.constant 16 : index
        %get3A_767 = tpu.vector_load %arg6[%get3A_765, %get3A_766] {strides = array<i32>} : memref<400x64xf32, #tpu.memory_space<vmem>>, vector<1x16xf32>,
        %get3A_768 = vector.shape_cast %get3A_767 : vector<1x16xf32> to vector<16xf32>
        %mul3A_769 = arith.constant 8.000000e+00 : f32
        %mul3A_770 = vector.broadcast %mul3A_769 : f32 to vector<16xf32>
        %mul3A_771 = arith.mulf %get3A_768, %mul3A_770 : vector<16xf32>
        %swap3A_772 = arith.index_cast %add3A_752 : i32 to index
        %swap3A_773 = arith.constant 16 : index
        %swap3A_774 = tpu.vector_load %arg6[%swap3A_772, %swap3A_773] {strides = array<i32>} : memref<400x64xf32, #tpu.memory_space<vmem>>, vector<1x16xf32>,
        %swap3A_775 = vector.shape_cast %swap3A_774 : vector<1x16xf32> to vector<16xf32>
        %swap3A_776 = vector.shape_cast %mul3A_771 : vector<16xf32> to vector<1x16xf32>
        tpu.vector_store %arg6[%swap3A_772, %swap3A_773], %swap3A_776 {strides = array<i32>} : memref<400x64xf32, #tpu.memory_space<vmem>>, vector<1x16xf32>,
        %get3A_777 = arith.index_cast %add3A_752 : i32 to index
        %get3A_778 = arith.constant 32 : index
        %get3A_779 = tpu.vector_load %arg6[%get3A_777, %get3A_778] {strides = array<i32>} : memref<400x64xf32, #tpu.memory_space<vmem>>, vector<1x16xf32>,
        %get3A_780 = vector.shape_cast %get3A_779 : vector<1x16xf32> to vector<16xf32>
        %mul3A_781 = arith.constant 8.000000e+00 : f32
        %mul3A_782 = vector.broadcast %mul3A_781 : f32 to vector<16xf32>
        %mul3A_783 = arith.mulf %get3A_780, %mul3A_782 : vector<16xf32>
        %swap3A_784 = arith.index_cast %add3A_752 : i32 to index
        %swap3A_785 = arith.constant 32 : index
        %swap3A_786 = tpu.vector_load %arg6[%swap3A_784, %swap3A_785] {strides = array<i32>} : memref<400x64xf32, #tpu.memory_space<vmem>>, vector<1x16xf32>,
        %swap3A_787 = vector.shape_cast %swap3A_786 : vector<1x16xf32> to vector<16xf32>
        %swap3A_788 = vector.shape_cast %mul3A_783 : vector<16xf32> to vector<1x16xf32>
        tpu.vector_store %arg6[%swap3A_784, %swap3A_785], %swap3A_788 {strides = array<i32>} : memref<400x64xf32, #tpu.memory_space<vmem>>, vector<1x16xf32>,
        %get3A_789 = arith.index_cast %add3A_752 : i32 to index
        %get3A_790 = arith.constant 48 : index
        %get3A_791 = tpu.vector_load %arg6[%get3A_789, %get3A_790] {strides = array<i32>} : memref<400x64xf32, #tpu.memory_space<vmem>>, vector<1x16xf32>,
        %get3A_792 = vector.shape_cast %get3A_791 : vector<1x16xf32> to vector<16xf32>
        %mul3A_793 = arith.constant 8.000000e+00 : f32
        %mul3A_794 = vector.broadcast %mul3A_793 : f32 to vector<16xf32>
        %mul3A_795 = arith.mulf %get3A_792, %mul3A_794 : vector<16xf32>
        %swap3A_796 = arith.index_cast %add3A_752 : i32 to index
        %swap3A_797 = arith.constant 48 : index
        %swap3A_798 = tpu.vector_load %arg6[%swap3A_796, %swap3A_797] {strides = array<i32>} : memref<400x64xf32, #tpu.memory_space<vmem>>, vector<1x16xf32>,
        %swap3A_799 = vector.shape_cast %swap3A_798 : vector<1x16xf32> to vector<16xf32>
        %swap3A_800 = vector.shape_cast %mul3A_795 : vector<16xf32> to vector<1x16xf32>
        tpu.vector_store %arg6[%swap3A_796, %swap3A_797], %swap3A_800 {strides = array<i32>} : memref<400x64xf32, #tpu.memory_space<vmem>>, vector<1x16xf32>,
      }
      %scan3A_43 = arith.constant 400 : i32
      %mul3A_44 = arith.constant 8 : i32
      %mul3A_45 = arith.muli %add3A_23, %mul3A_44 : i32
      %add3A_46 = arith.addi %mul3A_4, %mul3A_45 : i32
      %add3A_47 = arith.constant 0 : i32
      %add3A_48 = arith.addi %add3A_46, %add3A_47 : i32
      %dma_start3A = arith.constant 0 : i32
      %dma_start3A_49 = arith.constant 0 : i32
      %dma_start3A_50 = tpu.memref_slice %arg6[%dma_start3A, %dma_start3A_49] : memref<400x64xf32, #tpu.memory_space<vmem>> -> memref<50x64xf32, #tpu.memory_space<vmem>>
      %dma_start3A_51 = arith.constant 0 : i32
      %dma_start3A_52 = arith.constant 0 : i32
      %dma_start3A_53 = tpu.memref_slice %arg4[%add3A_48, %dma_start3A_51, %dma_start3A_52] : memref<4096x50x64xf32, #tpu.memory_space<hbm>> -> memref<1x50x64xf32, #tpu.memory_space<hbm>>
      %dma_start3A_54 = tpu.memref_squeeze %dma_start3A_53 : memref<1x50x64xf32, #tpu.memory_space<hbm>> -> memref<50x64xf32, #tpu.memory_space<hbm>>
      %dma_start3A_55 = arith.constant 0 : i32
      %dma_start3A_56 = arith.constant 0 : i32
      %dma_start3A_57 = tpu.memref_slice %arg4[%add3A_48, %dma_start3A_55, %dma_start3A_56] : memref<4096x50x64xf32, #tpu.memory_space<hbm>> -> memref<1x50x64xf32, #tpu.memory_space<hbm>>
      %dma_start3A_58 = tpu.memref_squeeze %dma_start3A_57 : memref<1x50x64xf32, #tpu.memory_space<hbm>> -> memref<50x64xf32, #tpu.memory_space<hbm>>
      %dma_start3A_59 = arith.constant 0 : i32
      %dma_start3A_60 = arith.constant 0 : i32
      %dma_start3A_61 = tpu.memref_slice %arg6[%dma_start3A_59, %dma_start3A_60] : memref<400x64xf32, #tpu.memory_space<vmem>> -> memref<50x64xf32, #tpu.memory_space<vmem>>
      tpu.enqueue_dma source(%dma_start3A_61 : memref<50x64xf32, #tpu.memory_space<vmem>>) target(%dma_start3A_58 : memref<50x64xf32, #tpu.memory_space<hbm>>) target_semaphore(%arg10 : memref<!tpu.dma_semaphore, #tpu.memory_space<semaphore_mem>>)
      %mul3A_62 = arith.constant 8 : i32
      %mul3A_63 = arith.muli %add3A_23, %mul3A_62 : i32
      %add3A_64 = arith.addi %mul3A_4, %mul3A_63 : i32
      %add3A_65 = arith.constant 1 : i32
      %add3A_66 = arith.addi %add3A_64, %add3A_65 : i32
      %dma_start3A_67 = arith.constant 50 : i32
      %dma_start3A_68 = arith.constant 0 : i32
      %dma_start3A_69 = tpu.memref_slice %arg6[%dma_start3A_67, %dma_start3A_68] : memref<400x64xf32, #tpu.memory_space<vmem>> -> memref<50x64xf32, #tpu.memory_space<vmem>>
      %dma_start3A_70 = arith.constant 0 : i32
      %dma_start3A_71 = arith.constant 0 : i32
      %dma_start3A_72 = tpu.memref_slice %arg4[%add3A_66, %dma_start3A_70, %dma_start3A_71] : memref<4096x50x64xf32, #tpu.memory_space<hbm>> -> memref<1x50x64xf32, #tpu.memory_space<hbm>>
      %dma_start3A_73 = tpu.memref_squeeze %dma_start3A_72 : memref<1x50x64xf32, #tpu.memory_space<hbm>> -> memref<50x64xf32, #tpu.memory_space<hbm>>
      %dma_start3A_74 = arith.constant 0 : i32
      %dma_start3A_75 = arith.constant 0 : i32
      %dma_start3A_76 = tpu.memref_slice %arg4[%add3A_66, %dma_start3A_74, %dma_start3A_75] : memref<4096x50x64xf32, #tpu.memory_space<hbm>> -> memref<1x50x64xf32, #tpu.memory_space<hbm>>
      %dma_start3A_77 = tpu.memref_squeeze %dma_start3A_76 : memref<1x50x64xf32, #tpu.memory_space<hbm>> -> memref<50x64xf32, #tpu.memory_space<hbm>>
      %dma_start3A_78 = arith.constant 50 : i32
      %dma_start3A_79 = arith.constant 0 : i32
      %dma_start3A_80 = tpu.memref_slice %arg6[%dma_start3A_78, %dma_start3A_79] : memref<400x64xf32, #tpu.memory_space<vmem>> -> memref<50x64xf32, #tpu.memory_space<vmem>>
      tpu.enqueue_dma source(%dma_start3A_80 : memref<50x64xf32, #tpu.memory_space<vmem>>) target(%dma_start3A_77 : memref<50x64xf32, #tpu.memory_space<hbm>>) target_semaphore(%arg10 : memref<!tpu.dma_semaphore, #tpu.memory_space<semaphore_mem>>)
      %mul3A_81 = arith.constant 8 : i32
      %mul3A_82 = arith.muli %add3A_23, %mul3A_81 : i32
      %add3A_83 = arith.addi %mul3A_4, %mul3A_82 : i32
      %add3A_84 = arith.constant 2 : i32
      %add3A_85 = arith.addi %add3A_83, %add3A_84 : i32
      %dma_start3A_86 = arith.constant 100 : i32
      %dma_start3A_87 = arith.constant 0 : i32
      %dma_start3A_88 = tpu.memref_slice %arg6[%dma_start3A_86, %dma_start3A_87] : memref<400x64xf32, #tpu.memory_space<vmem>> -> memref<50x64xf32, #tpu.memory_space<vmem>>
      %dma_start3A_89 = arith.constant 0 : i32
      %dma_start3A_90 = arith.constant 0 : i32
      %dma_start3A_91 = tpu.memref_slice %arg4[%add3A_85, %dma_start3A_89, %dma_start3A_90] : memref<4096x50x64xf32, #tpu.memory_space<hbm>> -> memref<1x50x64xf32, #tpu.memory_space<hbm>>
      %dma_start3A_92 = tpu.memref_squeeze %dma_start3A_91 : memref<1x50x64xf32, #tpu.memory_space<hbm>> -> memref<50x64xf32, #tpu.memory_space<hbm>>
      %dma_start3A_93 = arith.constant 0 : i32
      %dma_start3A_94 = arith.constant 0 : i32
      %dma_start3A_95 = tpu.memref_slice %arg4[%add3A_85, %dma_start3A_93, %dma_start3A_94] : memref<4096x50x64xf32, #tpu.memory_space<hbm>> -> memref<1x50x64xf32, #tpu.memory_space<hbm>>
      %dma_start3A_96 = tpu.memref_squeeze %dma_start3A_95 : memref<1x50x64xf32, #tpu.memory_space<hbm>> -> memref<50x64xf32, #tpu.memory_space<hbm>>
      %dma_start3A_97 = arith.constant 100 : i32
      %dma_start3A_98 = arith.constant 0 : i32
      %dma_start3A_99 = tpu.memref_slice %arg6[%dma_start3A_97, %dma_start3A_98] : memref<400x64xf32, #tpu.memory_space<vmem>> -> memref<50x64xf32, #tpu.memory_space<vmem>>
      tpu.enqueue_dma source(%dma_start3A_99 : memref<50x64xf32, #tpu.memory_space<vmem>>) target(%dma_start3A_96 : memref<50x64xf32, #tpu.memory_space<hbm>>) target_semaphore(%arg10 : memref<!tpu.dma_semaphore, #tpu.memory_space<semaphore_mem>>)
      %mul3A_100 = arith.constant 8 : i32
      %mul3A_101 = arith.muli %add3A_23, %mul3A_100 : i32
      %add3A_102 = arith.addi %mul3A_4, %mul3A_101 : i32
      %add3A_103 = arith.constant 3 : i32
      %add3A_104 = arith.addi %add3A_102, %add3A_103 : i32
      %dma_start3A_105 = arith.constant 150 : i32
      %dma_start3A_106 = arith.constant 0 : i32
      %dma_start3A_107 = tpu.memref_slice %arg6[%dma_start3A_105, %dma_start3A_106] : memref<400x64xf32, #tpu.memory_space<vmem>> -> memref<50x64xf32, #tpu.memory_space<vmem>>
      %dma_start3A_108 = arith.constant 0 : i32
      %dma_start3A_109 = arith.constant 0 : i32
      %dma_start3A_110 = tpu.memref_slice %arg4[%add3A_104, %dma_start3A_108, %dma_start3A_109] : memref<4096x50x64xf32, #tpu.memory_space<hbm>> -> memref<1x50x64xf32, #tpu.memory_space<hbm>>
      %dma_start3A_111 = tpu.memref_squeeze %dma_start3A_110 : memref<1x50x64xf32, #tpu.memory_space<hbm>> -> memref<50x64xf32, #tpu.memory_space<hbm>>
      %dma_start3A_112 = arith.constant 0 : i32
      %dma_start3A_113 = arith.constant 0 : i32
      %dma_start3A_114 = tpu.memref_slice %arg4[%add3A_104, %dma_start3A_112, %dma_start3A_113] : memref<4096x50x64xf32, #tpu.memory_space<hbm>> -> memref<1x50x64xf32, #tpu.memory_space<hbm>>
      %dma_start3A_115 = tpu.memref_squeeze %dma_start3A_114 : memref<1x50x64xf32, #tpu.memory_space<hbm>> -> memref<50x64xf32, #tpu.memory_space<hbm>>
      %dma_start3A_116 = arith.constant 150 : i32
      %dma_start3A_117 = arith.constant 0 : i32
      %dma_start3A_118 = tpu.memref_slice %arg6[%dma_start3A_116, %dma_start3A_117] : memref<400x64xf32, #tpu.memory_space<vmem>> -> memref<50x64xf32, #tpu.memory_space<vmem>>
      tpu.enqueue_dma source(%dma_start3A_118 : memref<50x64xf32, #tpu.memory_space<vmem>>) target(%dma_start3A_115 : memref<50x64xf32, #tpu.memory_space<hbm>>) target_semaphore(%arg10 : memref<!tpu.dma_semaphore, #tpu.memory_space<semaphore_mem>>)
      %mul3A_119 = arith.constant 8 : i32
      %mul3A_120 = arith.muli %add3A_23, %mul3A_119 : i32
      %add3A_121 = arith.addi %mul3A_4, %mul3A_120 : i32
      %add3A_122 = arith.constant 4 : i32
      %add3A_123 = arith.addi %add3A_121, %add3A_122 : i32
      %dma_start3A_124 = arith.constant 200 : i32
      %dma_start3A_125 = arith.constant 0 : i32
      %dma_start3A_126 = tpu.memref_slice %arg6[%dma_start3A_124, %dma_start3A_125] : memref<400x64xf32, #tpu.memory_space<vmem>> -> memref<50x64xf32, #tpu.memory_space<vmem>>
      %dma_start3A_127 = arith.constant 0 : i32
      %dma_start3A_128 = arith.constant 0 : i32
      %dma_start3A_129 = tpu.memref_slice %arg4[%add3A_123, %dma_start3A_127, %dma_start3A_128] : memref<4096x50x64xf32, #tpu.memory_space<hbm>> -> memref<1x50x64xf32, #tpu.memory_space<hbm>>
      %dma_start3A_130 = tpu.memref_squeeze %dma_start3A_129 : memref<1x50x64xf32, #tpu.memory_space<hbm>> -> memref<50x64xf32, #tpu.memory_space<hbm>>
      %dma_start3A_131 = arith.constant 0 : i32
      %dma_start3A_132 = arith.constant 0 : i32
      %dma_start3A_133 = tpu.memref_slice %arg4[%add3A_123, %dma_start3A_131, %dma_start3A_132] : memref<4096x50x64xf32, #tpu.memory_space<hbm>> -> memref<1x50x64xf32, #tpu.memory_space<hbm>>
      %dma_start3A_134 = tpu.memref_squeeze %dma_start3A_133 : memref<1x50x64xf32, #tpu.memory_space<hbm>> -> memref<50x64xf32, #tpu.memory_space<hbm>>
      %dma_start3A_135 = arith.constant 200 : i32
      %dma_start3A_136 = arith.constant 0 : i32
      %dma_start3A_137 = tpu.memref_slice %arg6[%dma_start3A_135, %dma_start3A_136] : memref<400x64xf32, #tpu.memory_space<vmem>> -> memref<50x64xf32, #tpu.memory_space<vmem>>
      tpu.enqueue_dma source(%dma_start3A_137 : memref<50x64xf32, #tpu.memory_space<vmem>>) target(%dma_start3A_134 : memref<50x64xf32, #tpu.memory_space<hbm>>) target_semaphore(%arg10 : memref<!tpu.dma_semaphore, #tpu.memory_space<semaphore_mem>>)
      %mul3A_138 = arith.constant 8 : i32
      %mul3A_139 = arith.muli %add3A_23, %mul3A_138 : i32
      %add3A_140 = arith.addi %mul3A_4, %mul3A_139 : i32
      %add3A_141 = arith.constant 5 : i32
      %add3A_142 = arith.addi %add3A_140, %add3A_141 : i32
      %dma_start3A_143 = arith.constant 250 : i32
      %dma_start3A_144 = arith.constant 0 : i32
      %dma_start3A_145 = tpu.memref_slice %arg6[%dma_start3A_143, %dma_start3A_144] : memref<400x64xf32, #tpu.memory_space<vmem>> -> memref<50x64xf32, #tpu.memory_space<vmem>>
      %dma_start3A_146 = arith.constant 0 : i32
      %dma_start3A_147 = arith.constant 0 : i32
      %dma_start3A_148 = tpu.memref_slice %arg4[%add3A_142, %dma_start3A_146, %dma_start3A_147] : memref<4096x50x64xf32, #tpu.memory_space<hbm>> -> memref<1x50x64xf32, #tpu.memory_space<hbm>>
      %dma_start3A_149 = tpu.memref_squeeze %dma_start3A_148 : memref<1x50x64xf32, #tpu.memory_space<hbm>> -> memref<50x64xf32, #tpu.memory_space<hbm>>
      %dma_start3A_150 = arith.constant 0 : i32
      %dma_start3A_151 = arith.constant 0 : i32
      %dma_start3A_152 = tpu.memref_slice %arg4[%add3A_142, %dma_start3A_150, %dma_start3A_151] : memref<4096x50x64xf32, #tpu.memory_space<hbm>> -> memref<1x50x64xf32, #tpu.memory_space<hbm>>
      %dma_start3A_153 = tpu.memref_squeeze %dma_start3A_152 : memref<1x50x64xf32, #tpu.memory_space<hbm>> -> memref<50x64xf32, #tpu.memory_space<hbm>>
      %dma_start3A_154 = arith.constant 250 : i32
      %dma_start3A_155 = arith.constant 0 : i32
      %dma_start3A_156 = tpu.memref_slice %arg6[%dma_start3A_154, %dma_start3A_155] : memref<400x64xf32, #tpu.memory_space<vmem>> -> memref<50x64xf32, #tpu.memory_space<vmem>>
      tpu.enqueue_dma source(%dma_start3A_156 : memref<50x64xf32, #tpu.memory_space<vmem>>) target(%dma_start3A_153 : memref<50x64xf32, #tpu.memory_space<hbm>>) target_semaphore(%arg10 : memref<!tpu.dma_semaphore, #tpu.memory_space<semaphore_mem>>)
      %mul3A_157 = arith.constant 8 : i32
      %mul3A_158 = arith.muli %add3A_23, %mul3A_157 : i32
      %add3A_159 = arith.addi %mul3A_4, %mul3A_158 : i32
      %add3A_160 = arith.constant 6 : i32
      %add3A_161 = arith.addi %add3A_159, %add3A_160 : i32
      %dma_start3A_162 = arith.constant 300 : i32
      %dma_start3A_163 = arith.constant 0 : i32
      %dma_start3A_164 = tpu.memref_slice %arg6[%dma_start3A_162, %dma_start3A_163] : memref<400x64xf32, #tpu.memory_space<vmem>> -> memref<50x64xf32, #tpu.memory_space<vmem>>
      %dma_start3A_165 = arith.constant 0 : i32
      %dma_start3A_166 = arith.constant 0 : i32
      %dma_start3A_167 = tpu.memref_slice %arg4[%add3A_161, %dma_start3A_165, %dma_start3A_166] : memref<4096x50x64xf32, #tpu.memory_space<hbm>> -> memref<1x50x64xf32, #tpu.memory_space<hbm>>
      %dma_start3A_168 = tpu.memref_squeeze %dma_start3A_167 : memref<1x50x64xf32, #tpu.memory_space<hbm>> -> memref<50x64xf32, #tpu.memory_space<hbm>>
      %dma_start3A_169 = arith.constant 0 : i32
      %dma_start3A_170 = arith.constant 0 : i32
      %dma_start3A_171 = tpu.memref_slice %arg4[%add3A_161, %dma_start3A_169, %dma_start3A_170] : memref<4096x50x64xf32, #tpu.memory_space<hbm>> -> memref<1x50x64xf32, #tpu.memory_space<hbm>>
      %dma_start3A_172 = tpu.memref_squeeze %dma_start3A_171 : memref<1x50x64xf32, #tpu.memory_space<hbm>> -> memref<50x64xf32, #tpu.memory_space<hbm>>
      %dma_start3A_173 = arith.constant 300 : i32
      %dma_start3A_174 = arith.constant 0 : i32
      %dma_start3A_175 = tpu.memref_slice %arg6[%dma_start3A_173, %dma_start3A_174] : memref<400x64xf32, #tpu.memory_space<vmem>> -> memref<50x64xf32, #tpu.memory_space<vmem>>
      tpu.enqueue_dma source(%dma_start3A_175 : memref<50x64xf32, #tpu.memory_space<vmem>>) target(%dma_start3A_172 : memref<50x64xf32, #tpu.memory_space<hbm>>) target_semaphore(%arg10 : memref<!tpu.dma_semaphore, #tpu.memory_space<semaphore_mem>>)
      %mul3A_176 = arith.constant 8 : i32
      %mul3A_177 = arith.muli %add3A_23, %mul3A_176 : i32
      %add3A_178 = arith.addi %mul3A_4, %mul3A_177 : i32
      %add3A_179 = arith.constant 7 : i32
      %add3A_180 = arith.addi %add3A_178, %add3A_179 : i32
      %dma_start3A_181 = arith.constant 350 : i32
      %dma_start3A_182 = arith.constant 0 : i32
      %dma_start3A_183 = tpu.memref_slice %arg6[%dma_start3A_181, %dma_start3A_182] : memref<400x64xf32, #tpu.memory_space<vmem>> -> memref<50x64xf32, #tpu.memory_space<vmem>>
      %dma_start3A_184 = arith.constant 0 : i32
      %dma_start3A_185 = arith.constant 0 : i32
      %dma_start3A_186 = tpu.memref_slice %arg4[%add3A_180, %dma_start3A_184, %dma_start3A_185] : memref<4096x50x64xf32, #tpu.memory_space<hbm>> -> memref<1x50x64xf32, #tpu.memory_space<hbm>>
      %dma_start3A_187 = tpu.memref_squeeze %dma_start3A_186 : memref<1x50x64xf32, #tpu.memory_space<hbm>> -> memref<50x64xf32, #tpu.memory_space<hbm>>
      %dma_start3A_188 = arith.constant 0 : i32
      %dma_start3A_189 = arith.constant 0 : i32
      %dma_start3A_190 = tpu.memref_slice %arg4[%add3A_180, %dma_start3A_188, %dma_start3A_189] : memref<4096x50x64xf32, #tpu.memory_space<hbm>> -> memref<1x50x64xf32, #tpu.memory_space<hbm>>
      %dma_start3A_191 = tpu.memref_squeeze %dma_start3A_190 : memref<1x50x64xf32, #tpu.memory_space<hbm>> -> memref<50x64xf32, #tpu.memory_space<hbm>>
      %dma_start3A_192 = arith.constant 350 : i32
      %dma_start3A_193 = arith.constant 0 : i32
      %dma_start3A_194 = tpu.memref_slice %arg6[%dma_start3A_192, %dma_start3A_193] : memref<400x64xf32, #tpu.memory_space<vmem>> -> memref<50x64xf32, #tpu.memory_space<vmem>>
      tpu.enqueue_dma source(%dma_start3A_194 : memref<50x64xf32, #tpu.memory_space<vmem>>) target(%dma_start3A_191 : memref<50x64xf32, #tpu.memory_space<hbm>>) target_semaphore(%arg10 : memref<!tpu.dma_semaphore, #tpu.memory_space<semaphore_mem>>)
      %dma_wait3A_195 = arith.constant 0 : i32
      %dma_wait3A_196 = arith.constant 0 : i32
      %dma_wait3A_197 = tpu.memref_slice %arg3[%dma_wait3A_195, %dma_wait3A_196] : memref<1000000x64xf32, #tpu.memory_space<hbm>> -> memref<400x64xf32, #tpu.memory_space<hbm>>
      %dma_wait3A_198 = arith.constant 0 : i32
      %dma_wait3A_199 = arith.constant 0 : i32
      %dma_wait3A_200 = tpu.memref_slice %arg3[%dma_wait3A_198, %dma_wait3A_199] : memref<1000000x64xf32, #tpu.memory_space<hbm>> -> memref<400x64xf32, #tpu.memory_space<hbm>>
      tpu.wait_dma2 semaphore(%arg10 : memref<!tpu.dma_semaphore, #tpu.memory_space<semaphore_mem>>) src(%dma_wait3A_200 : memref<400x64xf32, #tpu.memory_space<hbm>>) dst(%arg6 : memref<400x64xf32, #tpu.memory_space<vmem>>)
      %add3A_201 = arith.constant 2 : i32
      %add3A_202 = arith.addi %add3A_23, %add3A_201 : i32
      %lt3A = arith.constant 16 : i32
      %lt3A_203 = arith.cmpi slt, %add3A_202, %lt3A : i32
      %convert_element_type3A_204 = arith.extui %lt3A_203 : i1 to i32
      %cond3A_205 = arith.constant 0 : i32
      %cond3A_206 = arith.cmpi ne, %convert_element_type3A_204, %cond3A_205 : i32
      scf.if %cond3A_206 {
        %add3A_372 = arith.constant 2 : i32
        %add3A_373 = arith.addi %add3A_23, %add3A_372 : i32
        %scan3A_374 = arith.constant 0 : i32
        %scan3A_375 = arith.constant 25 : i32
        %scan3A_376 = arith.addi %scan3A_374, %scan3A_375 : i32
        %scan3A_377 = arith.constant 1 : i32
        scf.for %scan3A_379 = %scan3A_374 to %scan3A_376 step %scan3A_377  : i32 {
          %mul3A_380 = arith.constant 1 : i32
          %mul3A_381 = arith.muli %scan3A_379, %mul3A_380 : i32
          %add3A_382 = arith.constant 0 : i32
          %add3A_383 = arith.addi %add3A_382, %mul3A_381 : i32
          %mul3A_384 = arith.constant 400 : i32
          %mul3A_385 = arith.muli %add3A_373, %mul3A_384 : i32
          %mul3A_386 = arith.constant 16 : i32
          %mul3A_387 = arith.muli %add3A_383, %mul3A_386 : i32
          %add3A_388 = arith.addi %mul3A_385, %mul3A_387 : i32
          %get3A = arith.index_cast %add3A_388 : i32 to index
          %get3A_389 = tpu.vector_load %arg5[%get3A] {strides = array<i32>} : memref<6400xi32, #tpu.memory_space<vmem>>, vector<16xi32>,
          %get3A_390 = vector.shape_cast %get3A_389 : vector<16xi32> to vector<16xi32>
          %slice3A = vector.extract_strided_slice %get3A_390 {offsets = [0], sizes = [1], strides = [1]} : vector<16xi32> to vector<1xi32>
          %squeeze3A = vector.extract %slice3A[0] : i32 from vector<1xi32>
          %mul3A_391 = arith.constant 16 : i32
          %mul3A_392 = arith.muli %add3A_383, %mul3A_391 : i32
          %add3A_393 = arith.constant 0 : i32
          %add3A_394 = arith.addi %mul3A_392, %add3A_393 : i32
          %dma_start3A_395 = arith.constant 0 : i32
          %dma_start3A_396 = tpu.memref_slice %arg6[%add3A_394, %dma_start3A_395] : memref<400x64xf32, #tpu.memory_space<vmem>> -> memref<1x64xf32, #tpu.memory_space<vmem>>
          %dma_start3A_397 = tpu.memref_squeeze %dma_start3A_396 : memref<1x64xf32, #tpu.memory_space<vmem>> -> memref<64xf32, #tpu.memory_space<vmem>>
          %dma_start3A_398 = arith.constant 0 : i32
          %dma_start3A_399 = tpu.memref_slice %arg3[%squeeze3A, %dma_start3A_398] : memref<1000000x64xf32, #tpu.memory_space<hbm>> -> memref<1x64xf32, #tpu.memory_space<hbm>>
          %dma_start3A_400 = tpu.memref_squeeze %dma_start3A_399 : memref<1x64xf32, #tpu.memory_space<hbm>> -> memref<64xf32, #tpu.memory_space<hbm>>
          %dma_start3A_401 = arith.constant 0 : i32
          %dma_start3A_402 = tpu.memref_slice %arg6[%add3A_394, %dma_start3A_401] : memref<400x64xf32, #tpu.memory_space<vmem>> -> memref<1x64xf32, #tpu.memory_space<vmem>>
          %dma_start3A_403 = tpu.memref_squeeze %dma_start3A_402 : memref<1x64xf32, #tpu.memory_space<vmem>> -> memref<64xf32, #tpu.memory_space<vmem>>
          %dma_start3A_404 = arith.constant 0 : i32
          %dma_start3A_405 = tpu.memref_slice %arg3[%squeeze3A, %dma_start3A_404] : memref<1000000x64xf32, #tpu.memory_space<hbm>> -> memref<1x64xf32, #tpu.memory_space<hbm>>
          %dma_start3A_406 = tpu.memref_squeeze %dma_start3A_405 : memref<1x64xf32, #tpu.memory_space<hbm>> -> memref<64xf32, #tpu.memory_space<hbm>>
          tpu.enqueue_dma source(%dma_start3A_406 : memref<64xf32, #tpu.memory_space<hbm>>) target(%dma_start3A_403 : memref<64xf32, #tpu.memory_space<vmem>>) target_semaphore(%arg8 : memref<!tpu.dma_semaphore, #tpu.memory_space<semaphore_mem>>)
          %slice3A_407 = vector.extract_strided_slice %get3A_390 {offsets = [1], sizes = [1], strides = [1]} : vector<16xi32> to vector<1xi32>
          %squeeze3A_408 = vector.extract %slice3A_407[0] : i32 from vector<1xi32>
          %mul3A_409 = arith.constant 16 : i32
          %mul3A_410 = arith.muli %add3A_383, %mul3A_409 : i32
          %add3A_411 = arith.constant 1 : i32
          %add3A_412 = arith.addi %mul3A_410, %add3A_411 : i32
          %dma_start3A_413 = arith.constant 0 : i32
          %dma_start3A_414 = tpu.memref_slice %arg6[%add3A_412, %dma_start3A_413] : memref<400x64xf32, #tpu.memory_space<vmem>> -> memref<1x64xf32, #tpu.memory_space<vmem>>
          %dma_start3A_415 = tpu.memref_squeeze %dma_start3A_414 : memref<1x64xf32, #tpu.memory_space<vmem>> -> memref<64xf32, #tpu.memory_space<vmem>>
          %dma_start3A_416 = arith.constant 0 : i32
          %dma_start3A_417 = tpu.memref_slice %arg3[%squeeze3A_408, %dma_start3A_416] : memref<1000000x64xf32, #tpu.memory_space<hbm>> -> memref<1x64xf32, #tpu.memory_space<hbm>>
          %dma_start3A_418 = tpu.memref_squeeze %dma_start3A_417 : memref<1x64xf32, #tpu.memory_space<hbm>> -> memref<64xf32, #tpu.memory_space<hbm>>
          %dma_start3A_419 = arith.constant 0 : i32
          %dma_start3A_420 = tpu.memref_slice %arg6[%add3A_412, %dma_start3A_419] : memref<400x64xf32, #tpu.memory_space<vmem>> -> memref<1x64xf32, #tpu.memory_space<vmem>>
          %dma_start3A_421 = tpu.memref_squeeze %dma_start3A_420 : memref<1x64xf32, #tpu.memory_space<vmem>> -> memref<64xf32, #tpu.memory_space<vmem>>
          %dma_start3A_422 = arith.constant 0 : i32
          %dma_start3A_423 = tpu.memref_slice %arg3[%squeeze3A_408, %dma_start3A_422] : memref<1000000x64xf32, #tpu.memory_space<hbm>> -> memref<1x64xf32, #tpu.memory_space<hbm>>
          %dma_start3A_424 = tpu.memref_squeeze %dma_start3A_423 : memref<1x64xf32, #tpu.memory_space<hbm>> -> memref<64xf32, #tpu.memory_space<hbm>>
          tpu.enqueue_dma source(%dma_start3A_424 : memref<64xf32, #tpu.memory_space<hbm>>) target(%dma_start3A_421 : memref<64xf32, #tpu.memory_space<vmem>>) target_semaphore(%arg8 : memref<!tpu.dma_semaphore, #tpu.memory_space<semaphore_mem>>)
          %slice3A_425 = vector.extract_strided_slice %get3A_390 {offsets = [2], sizes = [1], strides = [1]} : vector<16xi32> to vector<1xi32>
          %squeeze3A_426 = vector.extract %slice3A_425[0] : i32 from vector<1xi32>
          %mul3A_427 = arith.constant 16 : i32
          %mul3A_428 = arith.muli %add3A_383, %mul3A_427 : i32
          %add3A_429 = arith.constant 2 : i32
          %add3A_430 = arith.addi %mul3A_428, %add3A_429 : i32
          %dma_start3A_431 = arith.constant 0 : i32
          %dma_start3A_432 = tpu.memref_slice %arg6[%add3A_430, %dma_start3A_431] : memref<400x64xf32, #tpu.memory_space<vmem>> -> memref<1x64xf32, #tpu.memory_space<vmem>>
          %dma_start3A_433 = tpu.memref_squeeze %dma_start3A_432 : memref<1x64xf32, #tpu.memory_space<vmem>> -> memref<64xf32, #tpu.memory_space<vmem>>
          %dma_start3A_434 = arith.constant 0 : i32
          %dma_start3A_435 = tpu.memref_slice %arg3[%squeeze3A_426, %dma_start3A_434] : memref<1000000x64xf32, #tpu.memory_space<hbm>> -> memref<1x64xf32, #tpu.memory_space<hbm>>
          %dma_start3A_436 = tpu.memref_squeeze %dma_start3A_435 : memref<1x64xf32, #tpu.memory_space<hbm>> -> memref<64xf32, #tpu.memory_space<hbm>>
          %dma_start3A_437 = arith.constant 0 : i32
          %dma_start3A_438 = tpu.memref_slice %arg6[%add3A_430, %dma_start3A_437] : memref<400x64xf32, #tpu.memory_space<vmem>> -> memref<1x64xf32, #tpu.memory_space<vmem>>
          %dma_start3A_439 = tpu.memref_squeeze %dma_start3A_438 : memref<1x64xf32, #tpu.memory_space<vmem>> -> memref<64xf32, #tpu.memory_space<vmem>>
          %dma_start3A_440 = arith.constant 0 : i32
          %dma_start3A_441 = tpu.memref_slice %arg3[%squeeze3A_426, %dma_start3A_440] : memref<1000000x64xf32, #tpu.memory_space<hbm>> -> memref<1x64xf32, #tpu.memory_space<hbm>>
          %dma_start3A_442 = tpu.memref_squeeze %dma_start3A_441 : memref<1x64xf32, #tpu.memory_space<hbm>> -> memref<64xf32, #tpu.memory_space<hbm>>
          tpu.enqueue_dma source(%dma_start3A_442 : memref<64xf32, #tpu.memory_space<hbm>>) target(%dma_start3A_439 : memref<64xf32, #tpu.memory_space<vmem>>) target_semaphore(%arg8 : memref<!tpu.dma_semaphore, #tpu.memory_space<semaphore_mem>>)
          %slice3A_443 = vector.extract_strided_slice %get3A_390 {offsets = [3], sizes = [1], strides = [1]} : vector<16xi32> to vector<1xi32>
          %squeeze3A_444 = vector.extract %slice3A_443[0] : i32 from vector<1xi32>
          %mul3A_445 = arith.constant 16 : i32
          %mul3A_446 = arith.muli %add3A_383, %mul3A_445 : i32
          %add3A_447 = arith.constant 3 : i32
          %add3A_448 = arith.addi %mul3A_446, %add3A_447 : i32
          %dma_start3A_449 = arith.constant 0 : i32
          %dma_start3A_450 = tpu.memref_slice %arg6[%add3A_448, %dma_start3A_449] : memref<400x64xf32, #tpu.memory_space<vmem>> -> memref<1x64xf32, #tpu.memory_space<vmem>>
          %dma_start3A_451 = tpu.memref_squeeze %dma_start3A_450 : memref<1x64xf32, #tpu.memory_space<vmem>> -> memref<64xf32, #tpu.memory_space<vmem>>
          %dma_start3A_452 = arith.constant 0 : i32
          %dma_start3A_453 = tpu.memref_slice %arg3[%squeeze3A_444, %dma_start3A_452] : memref<1000000x64xf32, #tpu.memory_space<hbm>> -> memref<1x64xf32, #tpu.memory_space<hbm>>
          %dma_start3A_454 = tpu.memref_squeeze %dma_start3A_453 : memref<1x64xf32, #tpu.memory_space<hbm>> -> memref<64xf32, #tpu.memory_space<hbm>>
          %dma_start3A_455 = arith.constant 0 : i32
          %dma_start3A_456 = tpu.memref_slice %arg6[%add3A_448, %dma_start3A_455] : memref<400x64xf32, #tpu.memory_space<vmem>> -> memref<1x64xf32, #tpu.memory_space<vmem>>
          %dma_start3A_457 = tpu.memref_squeeze %dma_start3A_456 : memref<1x64xf32, #tpu.memory_space<vmem>> -> memref<64xf32, #tpu.memory_space<vmem>>
          %dma_start3A_458 = arith.constant 0 : i32
          %dma_start3A_459 = tpu.memref_slice %arg3[%squeeze3A_444, %dma_start3A_458] : memref<1000000x64xf32, #tpu.memory_space<hbm>> -> memref<1x64xf32, #tpu.memory_space<hbm>>
          %dma_start3A_460 = tpu.memref_squeeze %dma_start3A_459 : memref<1x64xf32, #tpu.memory_space<hbm>> -> memref<64xf32, #tpu.memory_space<hbm>>
          tpu.enqueue_dma source(%dma_start3A_460 : memref<64xf32, #tpu.memory_space<hbm>>) target(%dma_start3A_457 : memref<64xf32, #tpu.memory_space<vmem>>) target_semaphore(%arg8 : memref<!tpu.dma_semaphore, #tpu.memory_space<semaphore_mem>>)
          %slice3A_461 = vector.extract_strided_slice %get3A_390 {offsets = [4], sizes = [1], strides = [1]} : vector<16xi32> to vector<1xi32>
          %squeeze3A_462 = vector.extract %slice3A_461[0] : i32 from vector<1xi32>
          %mul3A_463 = arith.constant 16 : i32
          %mul3A_464 = arith.muli %add3A_383, %mul3A_463 : i32
          %add3A_465 = arith.constant 4 : i32
          %add3A_466 = arith.addi %mul3A_464, %add3A_465 : i32
          %dma_start3A_467 = arith.constant 0 : i32
          %dma_start3A_468 = tpu.memref_slice %arg6[%add3A_466, %dma_start3A_467] : memref<400x64xf32, #tpu.memory_space<vmem>> -> memref<1x64xf32, #tpu.memory_space<vmem>>
          %dma_start3A_469 = tpu.memref_squeeze %dma_start3A_468 : memref<1x64xf32, #tpu.memory_space<vmem>> -> memref<64xf32, #tpu.memory_space<vmem>>
          %dma_start3A_470 = arith.constant 0 : i32
          %dma_start3A_471 = tpu.memref_slice %arg3[%squeeze3A_462, %dma_start3A_470] : memref<1000000x64xf32, #tpu.memory_space<hbm>> -> memref<1x64xf32, #tpu.memory_space<hbm>>
          %dma_start3A_472 = tpu.memref_squeeze %dma_start3A_471 : memref<1x64xf32, #tpu.memory_space<hbm>> -> memref<64xf32, #tpu.memory_space<hbm>>
          %dma_start3A_473 = arith.constant 0 : i32
          %dma_start3A_474 = tpu.memref_slice %arg6[%add3A_466, %dma_start3A_473] : memref<400x64xf32, #tpu.memory_space<vmem>> -> memref<1x64xf32, #tpu.memory_space<vmem>>
          %dma_start3A_475 = tpu.memref_squeeze %dma_start3A_474 : memref<1x64xf32, #tpu.memory_space<vmem>> -> memref<64xf32, #tpu.memory_space<vmem>>
          %dma_start3A_476 = arith.constant 0 : i32
          %dma_start3A_477 = tpu.memref_slice %arg3[%squeeze3A_462, %dma_start3A_476] : memref<1000000x64xf32, #tpu.memory_space<hbm>> -> memref<1x64xf32, #tpu.memory_space<hbm>>
          %dma_start3A_478 = tpu.memref_squeeze %dma_start3A_477 : memref<1x64xf32, #tpu.memory_space<hbm>> -> memref<64xf32, #tpu.memory_space<hbm>>
          tpu.enqueue_dma source(%dma_start3A_478 : memref<64xf32, #tpu.memory_space<hbm>>) target(%dma_start3A_475 : memref<64xf32, #tpu.memory_space<vmem>>) target_semaphore(%arg8 : memref<!tpu.dma_semaphore, #tpu.memory_space<semaphore_mem>>)
          %slice3A_479 = vector.extract_strided_slice %get3A_390 {offsets = [5], sizes = [1], strides = [1]} : vector<16xi32> to vector<1xi32>
          %squeeze3A_480 = vector.extract %slice3A_479[0] : i32 from vector<1xi32>
          %mul3A_481 = arith.constant 16 : i32
          %mul3A_482 = arith.muli %add3A_383, %mul3A_481 : i32
          %add3A_483 = arith.constant 5 : i32
          %add3A_484 = arith.addi %mul3A_482, %add3A_483 : i32
          %dma_start3A_485 = arith.constant 0 : i32
          %dma_start3A_486 = tpu.memref_slice %arg6[%add3A_484, %dma_start3A_485] : memref<400x64xf32, #tpu.memory_space<vmem>> -> memref<1x64xf32, #tpu.memory_space<vmem>>
          %dma_start3A_487 = tpu.memref_squeeze %dma_start3A_486 : memref<1x64xf32, #tpu.memory_space<vmem>> -> memref<64xf32, #tpu.memory_space<vmem>>
          %dma_start3A_488 = arith.constant 0 : i32
          %dma_start3A_489 = tpu.memref_slice %arg3[%squeeze3A_480, %dma_start3A_488] : memref<1000000x64xf32, #tpu.memory_space<hbm>> -> memref<1x64xf32, #tpu.memory_space<hbm>>
          %dma_start3A_490 = tpu.memref_squeeze %dma_start3A_489 : memref<1x64xf32, #tpu.memory_space<hbm>> -> memref<64xf32, #tpu.memory_space<hbm>>
          %dma_start3A_491 = arith.constant 0 : i32
          %dma_start3A_492 = tpu.memref_slice %arg6[%add3A_484, %dma_start3A_491] : memref<400x64xf32, #tpu.memory_space<vmem>> -> memref<1x64xf32, #tpu.memory_space<vmem>>
          %dma_start3A_493 = tpu.memref_squeeze %dma_start3A_492 : memref<1x64xf32, #tpu.memory_space<vmem>> -> memref<64xf32, #tpu.memory_space<vmem>>
          %dma_start3A_494 = arith.constant 0 : i32
          %dma_start3A_495 = tpu.memref_slice %arg3[%squeeze3A_480, %dma_start3A_494] : memref<1000000x64xf32, #tpu.memory_space<hbm>> -> memref<1x64xf32, #tpu.memory_space<hbm>>
          %dma_start3A_496 = tpu.memref_squeeze %dma_start3A_495 : memref<1x64xf32, #tpu.memory_space<hbm>> -> memref<64xf32, #tpu.memory_space<hbm>>
          tpu.enqueue_dma source(%dma_start3A_496 : memref<64xf32, #tpu.memory_space<hbm>>) target(%dma_start3A_493 : memref<64xf32, #tpu.memory_space<vmem>>) target_semaphore(%arg8 : memref<!tpu.dma_semaphore, #tpu.memory_space<semaphore_mem>>)
          %slice3A_497 = vector.extract_strided_slice %get3A_390 {offsets = [6], sizes = [1], strides = [1]} : vector<16xi32> to vector<1xi32>
          %squeeze3A_498 = vector.extract %slice3A_497[0] : i32 from vector<1xi32>
          %mul3A_499 = arith.constant 16 : i32
          %mul3A_500 = arith.muli %add3A_383, %mul3A_499 : i32
          %add3A_501 = arith.constant 6 : i32
          %add3A_502 = arith.addi %mul3A_500, %add3A_501 : i32
          %dma_start3A_503 = arith.constant 0 : i32
          %dma_start3A_504 = tpu.memref_slice %arg6[%add3A_502, %dma_start3A_503] : memref<400x64xf32, #tpu.memory_space<vmem>> -> memref<1x64xf32, #tpu.memory_space<vmem>>
          %dma_start3A_505 = tpu.memref_squeeze %dma_start3A_504 : memref<1x64xf32, #tpu.memory_space<vmem>> -> memref<64xf32, #tpu.memory_space<vmem>>
          %dma_start3A_506 = arith.constant 0 : i32
          %dma_start3A_507 = tpu.memref_slice %arg3[%squeeze3A_498, %dma_start3A_506] : memref<1000000x64xf32, #tpu.memory_space<hbm>> -> memref<1x64xf32, #tpu.memory_space<hbm>>
          %dma_start3A_508 = tpu.memref_squeeze %dma_start3A_507 : memref<1x64xf32, #tpu.memory_space<hbm>> -> memref<64xf32, #tpu.memory_space<hbm>>
          %dma_start3A_509 = arith.constant 0 : i32
          %dma_start3A_510 = tpu.memref_slice %arg6[%add3A_502, %dma_start3A_509] : memref<400x64xf32, #tpu.memory_space<vmem>> -> memref<1x64xf32, #tpu.memory_space<vmem>>
          %dma_start3A_511 = tpu.memref_squeeze %dma_start3A_510 : memref<1x64xf32, #tpu.memory_space<vmem>> -> memref<64xf32, #tpu.memory_space<vmem>>
          %dma_start3A_512 = arith.constant 0 : i32
          %dma_start3A_513 = tpu.memref_slice %arg3[%squeeze3A_498, %dma_start3A_512] : memref<1000000x64xf32, #tpu.memory_space<hbm>> -> memref<1x64xf32, #tpu.memory_space<hbm>>
          %dma_start3A_514 = tpu.memref_squeeze %dma_start3A_513 : memref<1x64xf32, #tpu.memory_space<hbm>> -> memref<64xf32, #tpu.memory_space<hbm>>
          tpu.enqueue_dma source(%dma_start3A_514 : memref<64xf32, #tpu.memory_space<hbm>>) target(%dma_start3A_511 : memref<64xf32, #tpu.memory_space<vmem>>) target_semaphore(%arg8 : memref<!tpu.dma_semaphore, #tpu.memory_space<semaphore_mem>>)
          %slice3A_515 = vector.extract_strided_slice %get3A_390 {offsets = [7], sizes = [1], strides = [1]} : vector<16xi32> to vector<1xi32>
          %squeeze3A_516 = vector.extract %slice3A_515[0] : i32 from vector<1xi32>
          %mul3A_517 = arith.constant 16 : i32
          %mul3A_518 = arith.muli %add3A_383, %mul3A_517 : i32
          %add3A_519 = arith.constant 7 : i32
          %add3A_520 = arith.addi %mul3A_518, %add3A_519 : i32
          %dma_start3A_521 = arith.constant 0 : i32
          %dma_start3A_522 = tpu.memref_slice %arg6[%add3A_520, %dma_start3A_521] : memref<400x64xf32, #tpu.memory_space<vmem>> -> memref<1x64xf32, #tpu.memory_space<vmem>>
          %dma_start3A_523 = tpu.memref_squeeze %dma_start3A_522 : memref<1x64xf32, #tpu.memory_space<vmem>> -> memref<64xf32, #tpu.memory_space<vmem>>
          %dma_start3A_524 = arith.constant 0 : i32
          %dma_start3A_525 = tpu.memref_slice %arg3[%squeeze3A_516, %dma_start3A_524] : memref<1000000x64xf32, #tpu.memory_space<hbm>> -> memref<1x64xf32, #tpu.memory_space<hbm>>
          %dma_start3A_526 = tpu.memref_squeeze %dma_start3A_525 : memref<1x64xf32, #tpu.memory_space<hbm>> -> memref<64xf32, #tpu.memory_space<hbm>>
          %dma_start3A_527 = arith.constant 0 : i32
          %dma_start3A_528 = tpu.memref_slice %arg6[%add3A_520, %dma_start3A_527] : memref<400x64xf32, #tpu.memory_space<vmem>> -> memref<1x64xf32, #tpu.memory_space<vmem>>
          %dma_start3A_529 = tpu.memref_squeeze %dma_start3A_528 : memref<1x64xf32, #tpu.memory_space<vmem>> -> memref<64xf32, #tpu.memory_space<vmem>>
          %dma_start3A_530 = arith.constant 0 : i32
          %dma_start3A_531 = tpu.memref_slice %arg3[%squeeze3A_516, %dma_start3A_530] : memref<1000000x64xf32, #tpu.memory_space<hbm>> -> memref<1x64xf32, #tpu.memory_space<hbm>>
          %dma_start3A_532 = tpu.memref_squeeze %dma_start3A_531 : memref<1x64xf32, #tpu.memory_space<hbm>> -> memref<64xf32, #tpu.memory_space<hbm>>
          tpu.enqueue_dma source(%dma_start3A_532 : memref<64xf32, #tpu.memory_space<hbm>>) target(%dma_start3A_529 : memref<64xf32, #tpu.memory_space<vmem>>) target_semaphore(%arg8 : memref<!tpu.dma_semaphore, #tpu.memory_space<semaphore_mem>>)
          %slice3A_533 = vector.extract_strided_slice %get3A_390 {offsets = [8], sizes = [1], strides = [1]} : vector<16xi32> to vector<1xi32>
          %squeeze3A_534 = vector.extract %slice3A_533[0] : i32 from vector<1xi32>
          %mul3A_535 = arith.constant 16 : i32
          %mul3A_536 = arith.muli %add3A_383, %mul3A_535 : i32
          %add3A_537 = arith.constant 8 : i32
          %add3A_538 = arith.addi %mul3A_536, %add3A_537 : i32
          %dma_start3A_539 = arith.constant 0 : i32
          %dma_start3A_540 = tpu.memref_slice %arg6[%add3A_538, %dma_start3A_539] : memref<400x64xf32, #tpu.memory_space<vmem>> -> memref<1x64xf32, #tpu.memory_space<vmem>>
          %dma_start3A_541 = tpu.memref_squeeze %dma_start3A_540 : memref<1x64xf32, #tpu.memory_space<vmem>> -> memref<64xf32, #tpu.memory_space<vmem>>
          %dma_start3A_542 = arith.constant 0 : i32
          %dma_start3A_543 = tpu.memref_slice %arg3[%squeeze3A_534, %dma_start3A_542] : memref<1000000x64xf32, #tpu.memory_space<hbm>> -> memref<1x64xf32, #tpu.memory_space<hbm>>
          %dma_start3A_544 = tpu.memref_squeeze %dma_start3A_543 : memref<1x64xf32, #tpu.memory_space<hbm>> -> memref<64xf32, #tpu.memory_space<hbm>>
          %dma_start3A_545 = arith.constant 0 : i32
          %dma_start3A_546 = tpu.memref_slice %arg6[%add3A_538, %dma_start3A_545] : memref<400x64xf32, #tpu.memory_space<vmem>> -> memref<1x64xf32, #tpu.memory_space<vmem>>
          %dma_start3A_547 = tpu.memref_squeeze %dma_start3A_546 : memref<1x64xf32, #tpu.memory_space<vmem>> -> memref<64xf32, #tpu.memory_space<vmem>>
          %dma_start3A_548 = arith.constant 0 : i32
          %dma_start3A_549 = tpu.memref_slice %arg3[%squeeze3A_534, %dma_start3A_548] : memref<1000000x64xf32, #tpu.memory_space<hbm>> -> memref<1x64xf32, #tpu.memory_space<hbm>>
          %dma_start3A_550 = tpu.memref_squeeze %dma_start3A_549 : memref<1x64xf32, #tpu.memory_space<hbm>> -> memref<64xf32, #tpu.memory_space<hbm>>
          tpu.enqueue_dma source(%dma_start3A_550 : memref<64xf32, #tpu.memory_space<hbm>>) target(%dma_start3A_547 : memref<64xf32, #tpu.memory_space<vmem>>) target_semaphore(%arg8 : memref<!tpu.dma_semaphore, #tpu.memory_space<semaphore_mem>>)
          %slice3A_551 = vector.extract_strided_slice %get3A_390 {offsets = [9], sizes = [1], strides = [1]} : vector<16xi32> to vector<1xi32>
          %squeeze3A_552 = vector.extract %slice3A_551[0] : i32 from vector<1xi32>
          %mul3A_553 = arith.constant 16 : i32
          %mul3A_554 = arith.muli %add3A_383, %mul3A_553 : i32
          %add3A_555 = arith.constant 9 : i32
          %add3A_556 = arith.addi %mul3A_554, %add3A_555 : i32
          %dma_start3A_557 = arith.constant 0 : i32
          %dma_start3A_558 = tpu.memref_slice %arg6[%add3A_556, %dma_start3A_557] : memref<400x64xf32, #tpu.memory_space<vmem>> -> memref<1x64xf32, #tpu.memory_space<vmem>>
          %dma_start3A_559 = tpu.memref_squeeze %dma_start3A_558 : memref<1x64xf32, #tpu.memory_space<vmem>> -> memref<64xf32, #tpu.memory_space<vmem>>
          %dma_start3A_560 = arith.constant 0 : i32
          %dma_start3A_561 = tpu.memref_slice %arg3[%squeeze3A_552, %dma_start3A_560] : memref<1000000x64xf32, #tpu.memory_space<hbm>> -> memref<1x64xf32, #tpu.memory_space<hbm>>
          %dma_start3A_562 = tpu.memref_squeeze %dma_start3A_561 : memref<1x64xf32, #tpu.memory_space<hbm>> -> memref<64xf32, #tpu.memory_space<hbm>>
          %dma_start3A_563 = arith.constant 0 : i32
          %dma_start3A_564 = tpu.memref_slice %arg6[%add3A_556, %dma_start3A_563] : memref<400x64xf32, #tpu.memory_space<vmem>> -> memref<1x64xf32, #tpu.memory_space<vmem>>
          %dma_start3A_565 = tpu.memref_squeeze %dma_start3A_564 : memref<1x64xf32, #tpu.memory_space<vmem>> -> memref<64xf32, #tpu.memory_space<vmem>>
          %dma_start3A_566 = arith.constant 0 : i32
          %dma_start3A_567 = tpu.memref_slice %arg3[%squeeze3A_552, %dma_start3A_566] : memref<1000000x64xf32, #tpu.memory_space<hbm>> -> memref<1x64xf32, #tpu.memory_space<hbm>>
          %dma_start3A_568 = tpu.memref_squeeze %dma_start3A_567 : memref<1x64xf32, #tpu.memory_space<hbm>> -> memref<64xf32, #tpu.memory_space<hbm>>
          tpu.enqueue_dma source(%dma_start3A_568 : memref<64xf32, #tpu.memory_space<hbm>>) target(%dma_start3A_565 : memref<64xf32, #tpu.memory_space<vmem>>) target_semaphore(%arg8 : memref<!tpu.dma_semaphore, #tpu.memory_space<semaphore_mem>>)
          %slice3A_569 = vector.extract_strided_slice %get3A_390 {offsets = [10], sizes = [1], strides = [1]} : vector<16xi32> to vector<1xi32>
          %squeeze3A_570 = vector.extract %slice3A_569[0] : i32 from vector<1xi32>
          %mul3A_571 = arith.constant 16 : i32
          %mul3A_572 = arith.muli %add3A_383, %mul3A_571 : i32
          %add3A_573 = arith.constant 10 : i32
          %add3A_574 = arith.addi %mul3A_572, %add3A_573 : i32
          %dma_start3A_575 = arith.constant 0 : i32
          %dma_start3A_576 = tpu.memref_slice %arg6[%add3A_574, %dma_start3A_575] : memref<400x64xf32, #tpu.memory_space<vmem>> -> memref<1x64xf32, #tpu.memory_space<vmem>>
          %dma_start3A_577 = tpu.memref_squeeze %dma_start3A_576 : memref<1x64xf32, #tpu.memory_space<vmem>> -> memref<64xf32, #tpu.memory_space<vmem>>
          %dma_start3A_578 = arith.constant 0 : i32
          %dma_start3A_579 = tpu.memref_slice %arg3[%squeeze3A_570, %dma_start3A_578] : memref<1000000x64xf32, #tpu.memory_space<hbm>> -> memref<1x64xf32, #tpu.memory_space<hbm>>
          %dma_start3A_580 = tpu.memref_squeeze %dma_start3A_579 : memref<1x64xf32, #tpu.memory_space<hbm>> -> memref<64xf32, #tpu.memory_space<hbm>>
          %dma_start3A_581 = arith.constant 0 : i32
          %dma_start3A_582 = tpu.memref_slice %arg6[%add3A_574, %dma_start3A_581] : memref<400x64xf32, #tpu.memory_space<vmem>> -> memref<1x64xf32, #tpu.memory_space<vmem>>
          %dma_start3A_583 = tpu.memref_squeeze %dma_start3A_582 : memref<1x64xf32, #tpu.memory_space<vmem>> -> memref<64xf32, #tpu.memory_space<vmem>>
          %dma_start3A_584 = arith.constant 0 : i32
          %dma_start3A_585 = tpu.memref_slice %arg3[%squeeze3A_570, %dma_start3A_584] : memref<1000000x64xf32, #tpu.memory_space<hbm>> -> memref<1x64xf32, #tpu.memory_space<hbm>>
          %dma_start3A_586 = tpu.memref_squeeze %dma_start3A_585 : memref<1x64xf32, #tpu.memory_space<hbm>> -> memref<64xf32, #tpu.memory_space<hbm>>
          tpu.enqueue_dma source(%dma_start3A_586 : memref<64xf32, #tpu.memory_space<hbm>>) target(%dma_start3A_583 : memref<64xf32, #tpu.memory_space<vmem>>) target_semaphore(%arg8 : memref<!tpu.dma_semaphore, #tpu.memory_space<semaphore_mem>>)
          %slice3A_587 = vector.extract_strided_slice %get3A_390 {offsets = [11], sizes = [1], strides = [1]} : vector<16xi32> to vector<1xi32>
          %squeeze3A_588 = vector.extract %slice3A_587[0] : i32 from vector<1xi32>
          %mul3A_589 = arith.constant 16 : i32
          %mul3A_590 = arith.muli %add3A_383, %mul3A_589 : i32
          %add3A_591 = arith.constant 11 : i32
          %add3A_592 = arith.addi %mul3A_590, %add3A_591 : i32
          %dma_start3A_593 = arith.constant 0 : i32
          %dma_start3A_594 = tpu.memref_slice %arg6[%add3A_592, %dma_start3A_593] : memref<400x64xf32, #tpu.memory_space<vmem>> -> memref<1x64xf32, #tpu.memory_space<vmem>>
          %dma_start3A_595 = tpu.memref_squeeze %dma_start3A_594 : memref<1x64xf32, #tpu.memory_space<vmem>> -> memref<64xf32, #tpu.memory_space<vmem>>
          %dma_start3A_596 = arith.constant 0 : i32
          %dma_start3A_597 = tpu.memref_slice %arg3[%squeeze3A_588, %dma_start3A_596] : memref<1000000x64xf32, #tpu.memory_space<hbm>> -> memref<1x64xf32, #tpu.memory_space<hbm>>
          %dma_start3A_598 = tpu.memref_squeeze %dma_start3A_597 : memref<1x64xf32, #tpu.memory_space<hbm>> -> memref<64xf32, #tpu.memory_space<hbm>>
          %dma_start3A_599 = arith.constant 0 : i32
          %dma_start3A_600 = tpu.memref_slice %arg6[%add3A_592, %dma_start3A_599] : memref<400x64xf32, #tpu.memory_space<vmem>> -> memref<1x64xf32, #tpu.memory_space<vmem>>
          %dma_start3A_601 = tpu.memref_squeeze %dma_start3A_600 : memref<1x64xf32, #tpu.memory_space<vmem>> -> memref<64xf32, #tpu.memory_space<vmem>>
          %dma_start3A_602 = arith.constant 0 : i32
          %dma_start3A_603 = tpu.memref_slice %arg3[%squeeze3A_588, %dma_start3A_602] : memref<1000000x64xf32, #tpu.memory_space<hbm>> -> memref<1x64xf32, #tpu.memory_space<hbm>>
          %dma_start3A_604 = tpu.memref_squeeze %dma_start3A_603 : memref<1x64xf32, #tpu.memory_space<hbm>> -> memref<64xf32, #tpu.memory_space<hbm>>
          tpu.enqueue_dma source(%dma_start3A_604 : memref<64xf32, #tpu.memory_space<hbm>>) target(%dma_start3A_601 : memref<64xf32, #tpu.memory_space<vmem>>) target_semaphore(%arg8 : memref<!tpu.dma_semaphore, #tpu.memory_space<semaphore_mem>>)
          %slice3A_605 = vector.extract_strided_slice %get3A_390 {offsets = [12], sizes = [1], strides = [1]} : vector<16xi32> to vector<1xi32>
          %squeeze3A_606 = vector.extract %slice3A_605[0] : i32 from vector<1xi32>
          %mul3A_607 = arith.constant 16 : i32
          %mul3A_608 = arith.muli %add3A_383, %mul3A_607 : i32
          %add3A_609 = arith.constant 12 : i32
          %add3A_610 = arith.addi %mul3A_608, %add3A_609 : i32
          %dma_start3A_611 = arith.constant 0 : i32
          %dma_start3A_612 = tpu.memref_slice %arg6[%add3A_610, %dma_start3A_611] : memref<400x64xf32, #tpu.memory_space<vmem>> -> memref<1x64xf32, #tpu.memory_space<vmem>>
          %dma_start3A_613 = tpu.memref_squeeze %dma_start3A_612 : memref<1x64xf32, #tpu.memory_space<vmem>> -> memref<64xf32, #tpu.memory_space<vmem>>
          %dma_start3A_614 = arith.constant 0 : i32
          %dma_start3A_615 = tpu.memref_slice %arg3[%squeeze3A_606, %dma_start3A_614] : memref<1000000x64xf32, #tpu.memory_space<hbm>> -> memref<1x64xf32, #tpu.memory_space<hbm>>
          %dma_start3A_616 = tpu.memref_squeeze %dma_start3A_615 : memref<1x64xf32, #tpu.memory_space<hbm>> -> memref<64xf32, #tpu.memory_space<hbm>>
          %dma_start3A_617 = arith.constant 0 : i32
          %dma_start3A_618 = tpu.memref_slice %arg6[%add3A_610, %dma_start3A_617] : memref<400x64xf32, #tpu.memory_space<vmem>> -> memref<1x64xf32, #tpu.memory_space<vmem>>
          %dma_start3A_619 = tpu.memref_squeeze %dma_start3A_618 : memref<1x64xf32, #tpu.memory_space<vmem>> -> memref<64xf32, #tpu.memory_space<vmem>>
          %dma_start3A_620 = arith.constant 0 : i32
          %dma_start3A_621 = tpu.memref_slice %arg3[%squeeze3A_606, %dma_start3A_620] : memref<1000000x64xf32, #tpu.memory_space<hbm>> -> memref<1x64xf32, #tpu.memory_space<hbm>>
          %dma_start3A_622 = tpu.memref_squeeze %dma_start3A_621 : memref<1x64xf32, #tpu.memory_space<hbm>> -> memref<64xf32, #tpu.memory_space<hbm>>
          tpu.enqueue_dma source(%dma_start3A_622 : memref<64xf32, #tpu.memory_space<hbm>>) target(%dma_start3A_619 : memref<64xf32, #tpu.memory_space<vmem>>) target_semaphore(%arg8 : memref<!tpu.dma_semaphore, #tpu.memory_space<semaphore_mem>>)
          %slice3A_623 = vector.extract_strided_slice %get3A_390 {offsets = [13], sizes = [1], strides = [1]} : vector<16xi32> to vector<1xi32>
          %squeeze3A_624 = vector.extract %slice3A_623[0] : i32 from vector<1xi32>
          %mul3A_625 = arith.constant 16 : i32
          %mul3A_626 = arith.muli %add3A_383, %mul3A_625 : i32
          %add3A_627 = arith.constant 13 : i32
          %add3A_628 = arith.addi %mul3A_626, %add3A_627 : i32
          %dma_start3A_629 = arith.constant 0 : i32
          %dma_start3A_630 = tpu.memref_slice %arg6[%add3A_628, %dma_start3A_629] : memref<400x64xf32, #tpu.memory_space<vmem>> -> memref<1x64xf32, #tpu.memory_space<vmem>>
          %dma_start3A_631 = tpu.memref_squeeze %dma_start3A_630 : memref<1x64xf32, #tpu.memory_space<vmem>> -> memref<64xf32, #tpu.memory_space<vmem>>
          %dma_start3A_632 = arith.constant 0 : i32
          %dma_start3A_633 = tpu.memref_slice %arg3[%squeeze3A_624, %dma_start3A_632] : memref<1000000x64xf32, #tpu.memory_space<hbm>> -> memref<1x64xf32, #tpu.memory_space<hbm>>
          %dma_start3A_634 = tpu.memref_squeeze %dma_start3A_633 : memref<1x64xf32, #tpu.memory_space<hbm>> -> memref<64xf32, #tpu.memory_space<hbm>>
          %dma_start3A_635 = arith.constant 0 : i32
          %dma_start3A_636 = tpu.memref_slice %arg6[%add3A_628, %dma_start3A_635] : memref<400x64xf32, #tpu.memory_space<vmem>> -> memref<1x64xf32, #tpu.memory_space<vmem>>
          %dma_start3A_637 = tpu.memref_squeeze %dma_start3A_636 : memref<1x64xf32, #tpu.memory_space<vmem>> -> memref<64xf32, #tpu.memory_space<vmem>>
          %dma_start3A_638 = arith.constant 0 : i32
          %dma_start3A_639 = tpu.memref_slice %arg3[%squeeze3A_624, %dma_start3A_638] : memref<1000000x64xf32, #tpu.memory_space<hbm>> -> memref<1x64xf32, #tpu.memory_space<hbm>>
          %dma_start3A_640 = tpu.memref_squeeze %dma_start3A_639 : memref<1x64xf32, #tpu.memory_space<hbm>> -> memref<64xf32, #tpu.memory_space<hbm>>
          tpu.enqueue_dma source(%dma_start3A_640 : memref<64xf32, #tpu.memory_space<hbm>>) target(%dma_start3A_637 : memref<64xf32, #tpu.memory_space<vmem>>) target_semaphore(%arg8 : memref<!tpu.dma_semaphore, #tpu.memory_space<semaphore_mem>>)
          %slice3A_641 = vector.extract_strided_slice %get3A_390 {offsets = [14], sizes = [1], strides = [1]} : vector<16xi32> to vector<1xi32>
          %squeeze3A_642 = vector.extract %slice3A_641[0] : i32 from vector<1xi32>
          %mul3A_643 = arith.constant 16 : i32
          %mul3A_644 = arith.muli %add3A_383, %mul3A_643 : i32
          %add3A_645 = arith.constant 14 : i32
          %add3A_646 = arith.addi %mul3A_644, %add3A_645 : i32
          %dma_start3A_647 = arith.constant 0 : i32
          %dma_start3A_648 = tpu.memref_slice %arg6[%add3A_646, %dma_start3A_647] : memref<400x64xf32, #tpu.memory_space<vmem>> -> memref<1x64xf32, #tpu.memory_space<vmem>>
          %dma_start3A_649 = tpu.memref_squeeze %dma_start3A_648 : memref<1x64xf32, #tpu.memory_space<vmem>> -> memref<64xf32, #tpu.memory_space<vmem>>
          %dma_start3A_650 = arith.constant 0 : i32
          %dma_start3A_651 = tpu.memref_slice %arg3[%squeeze3A_642, %dma_start3A_650] : memref<1000000x64xf32, #tpu.memory_space<hbm>> -> memref<1x64xf32, #tpu.memory_space<hbm>>
          %dma_start3A_652 = tpu.memref_squeeze %dma_start3A_651 : memref<1x64xf32, #tpu.memory_space<hbm>> -> memref<64xf32, #tpu.memory_space<hbm>>
          %dma_start3A_653 = arith.constant 0 : i32
          %dma_start3A_654 = tpu.memref_slice %arg6[%add3A_646, %dma_start3A_653] : memref<400x64xf32, #tpu.memory_space<vmem>> -> memref<1x64xf32, #tpu.memory_space<vmem>>
          %dma_start3A_655 = tpu.memref_squeeze %dma_start3A_654 : memref<1x64xf32, #tpu.memory_space<vmem>> -> memref<64xf32, #tpu.memory_space<vmem>>
          %dma_start3A_656 = arith.constant 0 : i32
          %dma_start3A_657 = tpu.memref_slice %arg3[%squeeze3A_642, %dma_start3A_656] : memref<1000000x64xf32, #tpu.memory_space<hbm>> -> memref<1x64xf32, #tpu.memory_space<hbm>>
          %dma_start3A_658 = tpu.memref_squeeze %dma_start3A_657 : memref<1x64xf32, #tpu.memory_space<hbm>> -> memref<64xf32, #tpu.memory_space<hbm>>
          tpu.enqueue_dma source(%dma_start3A_658 : memref<64xf32, #tpu.memory_space<hbm>>) target(%dma_start3A_655 : memref<64xf32, #tpu.memory_space<vmem>>) target_semaphore(%arg8 : memref<!tpu.dma_semaphore, #tpu.memory_space<semaphore_mem>>)
          %slice3A_659 = vector.extract_strided_slice %get3A_390 {offsets = [15], sizes = [1], strides = [1]} : vector<16xi32> to vector<1xi32>
          %squeeze3A_660 = vector.extract %slice3A_659[0] : i32 from vector<1xi32>
          %mul3A_661 = arith.constant 16 : i32
          %mul3A_662 = arith.muli %add3A_383, %mul3A_661 : i32
          %add3A_663 = arith.constant 15 : i32
          %add3A_664 = arith.addi %mul3A_662, %add3A_663 : i32
          %dma_start3A_665 = arith.constant 0 : i32
          %dma_start3A_666 = tpu.memref_slice %arg6[%add3A_664, %dma_start3A_665] : memref<400x64xf32, #tpu.memory_space<vmem>> -> memref<1x64xf32, #tpu.memory_space<vmem>>
          %dma_start3A_667 = tpu.memref_squeeze %dma_start3A_666 : memref<1x64xf32, #tpu.memory_space<vmem>> -> memref<64xf32, #tpu.memory_space<vmem>>
          %dma_start3A_668 = arith.constant 0 : i32
          %dma_start3A_669 = tpu.memref_slice %arg3[%squeeze3A_660, %dma_start3A_668] : memref<1000000x64xf32, #tpu.memory_space<hbm>> -> memref<1x64xf32, #tpu.memory_space<hbm>>
          %dma_start3A_670 = tpu.memref_squeeze %dma_start3A_669 : memref<1x64xf32, #tpu.memory_space<hbm>> -> memref<64xf32, #tpu.memory_space<hbm>>
          %dma_start3A_671 = arith.constant 0 : i32
          %dma_start3A_672 = tpu.memref_slice %arg6[%add3A_664, %dma_start3A_671] : memref<400x64xf32, #tpu.memory_space<vmem>> -> memref<1x64xf32, #tpu.memory_space<vmem>>
          %dma_start3A_673 = tpu.memref_squeeze %dma_start3A_672 : memref<1x64xf32, #tpu.memory_space<vmem>> -> memref<64xf32, #tpu.memory_space<vmem>>
          %dma_start3A_674 = arith.constant 0 : i32
          %dma_start3A_675 = tpu.memref_slice %arg3[%squeeze3A_660, %dma_start3A_674] : memref<1000000x64xf32, #tpu.memory_space<hbm>> -> memref<1x64xf32, #tpu.memory_space<hbm>>
          %dma_start3A_676 = tpu.memref_squeeze %dma_start3A_675 : memref<1x64xf32, #tpu.memory_space<hbm>> -> memref<64xf32, #tpu.memory_space<hbm>>
          tpu.enqueue_dma source(%dma_start3A_676 : memref<64xf32, #tpu.memory_space<hbm>>) target(%dma_start3A_673 : memref<64xf32, #tpu.memory_space<vmem>>) target_semaphore(%arg8 : memref<!tpu.dma_semaphore, #tpu.memory_space<semaphore_mem>>)
        }
        %scan3A_378 = arith.constant 25 : i32
      } else {
      }
      %dma_wait3A_207 = arith.constant 0 : i32
      %dma_wait3A_208 = arith.constant 0 : i32
      %dma_wait3A_209 = tpu.memref_slice %arg3[%dma_wait3A_207, %dma_wait3A_208] : memref<1000000x64xf32, #tpu.memory_space<hbm>> -> memref<400x64xf32, #tpu.memory_space<hbm>>
      %dma_wait3A_210 = arith.constant 0 : i32
      %dma_wait3A_211 = arith.constant 0 : i32
      %dma_wait3A_212 = tpu.memref_slice %arg3[%dma_wait3A_210, %dma_wait3A_211] : memref<1000000x64xf32, #tpu.memory_space<hbm>> -> memref<400x64xf32, #tpu.memory_space<hbm>>
      tpu.wait_dma2 semaphore(%arg9 : memref<!tpu.dma_semaphore, #tpu.memory_space<semaphore_mem>>) src(%dma_wait3A_212 : memref<400x64xf32, #tpu.memory_space<hbm>>) dst(%arg7 : memref<400x64xf32, #tpu.memory_space<vmem>>)
      %scan3A_213 = arith.constant 0 : i32
      %scan3A_214 = arith.constant 400 : i32
      %scan3A_215 = arith.addi %scan3A_213, %scan3A_214 : i32
      %scan3A_216 = arith.constant 8 : i32
      scf.for %scan3A_372 = %scan3A_213 to %scan3A_215 step %scan3A_216  : i32 {
        %mul3A_373 = arith.constant 1 : i32
        %mul3A_374 = arith.muli %scan3A_372, %mul3A_373 : i32
        %add3A_375 = arith.constant 0 : i32
        %add3A_376 = arith.addi %add3A_375, %mul3A_374 : i32
        %get3A = arith.index_cast %add3A_376 : i32 to index
        %get3A_377 = arith.constant 0 : index
        %get3A_378 = tpu.vector_load %arg7[%get3A, %get3A_377] {strides = array<i32>} : memref<400x64xf32, #tpu.memory_space<vmem>>, vector<1x16xf32>,
        %get3A_379 = vector.shape_cast %get3A_378 : vector<1x16xf32> to vector<16xf32>
        %mul3A_380 = arith.constant 8.000000e+00 : f32
        %mul3A_381 = vector.broadcast %mul3A_380 : f32 to vector<16xf32>
        %mul3A_382 = arith.mulf %get3A_379, %mul3A_381 : vector<16xf32>
        %swap3A = arith.index_cast %add3A_376 : i32 to index
        %swap3A_383 = arith.constant 0 : index
        %swap3A_384 = tpu.vector_load %arg7[%swap3A, %swap3A_383] {strides = array<i32>} : memref<400x64xf32, #tpu.memory_space<vmem>>, vector<1x16xf32>,
        %swap3A_385 = vector.shape_cast %swap3A_384 : vector<1x16xf32> to vector<16xf32>
        %swap3A_386 = vector.shape_cast %mul3A_382 : vector<16xf32> to vector<1x16xf32>
        tpu.vector_store %arg7[%swap3A, %swap3A_383], %swap3A_386 {strides = array<i32>} : memref<400x64xf32, #tpu.memory_space<vmem>>, vector<1x16xf32>,
        %get3A_387 = arith.index_cast %add3A_376 : i32 to index
        %get3A_388 = arith.constant 16 : index
        %get3A_389 = tpu.vector_load %arg7[%get3A_387, %get3A_388] {strides = array<i32>} : memref<400x64xf32, #tpu.memory_space<vmem>>, vector<1x16xf32>,
        %get3A_390 = vector.shape_cast %get3A_389 : vector<1x16xf32> to vector<16xf32>
        %mul3A_391 = arith.constant 8.000000e+00 : f32
        %mul3A_392 = vector.broadcast %mul3A_391 : f32 to vector<16xf32>
        %mul3A_393 = arith.mulf %get3A_390, %mul3A_392 : vector<16xf32>
        %swap3A_394 = arith.index_cast %add3A_376 : i32 to index
        %swap3A_395 = arith.constant 16 : index
        %swap3A_396 = tpu.vector_load %arg7[%swap3A_394, %swap3A_395] {strides = array<i32>} : memref<400x64xf32, #tpu.memory_space<vmem>>, vector<1x16xf32>,
        %swap3A_397 = vector.shape_cast %swap3A_396 : vector<1x16xf32> to vector<16xf32>
        %swap3A_398 = vector.shape_cast %mul3A_393 : vector<16xf32> to vector<1x16xf32>
        tpu.vector_store %arg7[%swap3A_394, %swap3A_395], %swap3A_398 {strides = array<i32>} : memref<400x64xf32, #tpu.memory_space<vmem>>, vector<1x16xf32>,
        %get3A_399 = arith.index_cast %add3A_376 : i32 to index
        %get3A_400 = arith.constant 32 : index
        %get3A_401 = tpu.vector_load %arg7[%get3A_399, %get3A_400] {strides = array<i32>} : memref<400x64xf32, #tpu.memory_space<vmem>>, vector<1x16xf32>,
        %get3A_402 = vector.shape_cast %get3A_401 : vector<1x16xf32> to vector<16xf32>
        %mul3A_403 = arith.constant 8.000000e+00 : f32
        %mul3A_404 = vector.broadcast %mul3A_403 : f32 to vector<16xf32>
        %mul3A_405 = arith.mulf %get3A_402, %mul3A_404 : vector<16xf32>
        %swap3A_406 = arith.index_cast %add3A_376 : i32 to index
        %swap3A_407 = arith.constant 32 : index
        %swap3A_408 = tpu.vector_load %arg7[%swap3A_406, %swap3A_407] {strides = array<i32>} : memref<400x64xf32, #tpu.memory_space<vmem>>, vector<1x16xf32>,
        %swap3A_409 = vector.shape_cast %swap3A_408 : vector<1x16xf32> to vector<16xf32>
        %swap3A_410 = vector.shape_cast %mul3A_405 : vector<16xf32> to vector<1x16xf32>
        tpu.vector_store %arg7[%swap3A_406, %swap3A_407], %swap3A_410 {strides = array<i32>} : memref<400x64xf32, #tpu.memory_space<vmem>>, vector<1x16xf32>,
        %get3A_411 = arith.index_cast %add3A_376 : i32 to index
        %get3A_412 = arith.constant 48 : index
        %get3A_413 = tpu.vector_load %arg7[%get3A_411, %get3A_412] {strides = array<i32>} : memref<400x64xf32, #tpu.memory_space<vmem>>, vector<1x16xf32>,
        %get3A_414 = vector.shape_cast %get3A_413 : vector<1x16xf32> to vector<16xf32>
        %mul3A_415 = arith.constant 8.000000e+00 : f32
        %mul3A_416 = vector.broadcast %mul3A_415 : f32 to vector<16xf32>
        %mul3A_417 = arith.mulf %get3A_414, %mul3A_416 : vector<16xf32>
        %swap3A_418 = arith.index_cast %add3A_376 : i32 to index
        %swap3A_419 = arith.constant 48 : index
        %swap3A_420 = tpu.vector_load %arg7[%swap3A_418, %swap3A_419] {strides = array<i32>} : memref<400x64xf32, #tpu.memory_space<vmem>>, vector<1x16xf32>,
        %swap3A_421 = vector.shape_cast %swap3A_420 : vector<1x16xf32> to vector<16xf32>
        %swap3A_422 = vector.shape_cast %mul3A_417 : vector<16xf32> to vector<1x16xf32>
        tpu.vector_store %arg7[%swap3A_418, %swap3A_419], %swap3A_422 {strides = array<i32>} : memref<400x64xf32, #tpu.memory_space<vmem>>, vector<1x16xf32>,
        %scan3A_423 = arith.constant 1 : i32
        %scan3A_424 = arith.addi %scan3A_372, %scan3A_423 : i32
        %mul3A_425 = arith.constant 1 : i32
        %mul3A_426 = arith.muli %scan3A_424, %mul3A_425 : i32
        %add3A_427 = arith.constant 0 : i32
        %add3A_428 = arith.addi %add3A_427, %mul3A_426 : i32
        %get3A_429 = arith.index_cast %add3A_428 : i32 to index
        %get3A_430 = arith.constant 0 : index
        %get3A_431 = tpu.vector_load %arg7[%get3A_429, %get3A_430] {strides = array<i32>} : memref<400x64xf32, #tpu.memory_space<vmem>>, vector<1x16xf32>,
        %get3A_432 = vector.shape_cast %get3A_431 : vector<1x16xf32> to vector<16xf32>
        %mul3A_433 = arith.constant 8.000000e+00 : f32
        %mul3A_434 = vector.broadcast %mul3A_433 : f32 to vector<16xf32>
        %mul3A_435 = arith.mulf %get3A_432, %mul3A_434 : vector<16xf32>
        %swap3A_436 = arith.index_cast %add3A_428 : i32 to index
        %swap3A_437 = arith.constant 0 : index
        %swap3A_438 = tpu.vector_load %arg7[%swap3A_436, %swap3A_437] {strides = array<i32>} : memref<400x64xf32, #tpu.memory_space<vmem>>, vector<1x16xf32>,
        %swap3A_439 = vector.shape_cast %swap3A_438 : vector<1x16xf32> to vector<16xf32>
        %swap3A_440 = vector.shape_cast %mul3A_435 : vector<16xf32> to vector<1x16xf32>
        tpu.vector_store %arg7[%swap3A_436, %swap3A_437], %swap3A_440 {strides = array<i32>} : memref<400x64xf32, #tpu.memory_space<vmem>>, vector<1x16xf32>,
        %get3A_441 = arith.index_cast %add3A_428 : i32 to index
        %get3A_442 = arith.constant 16 : index
        %get3A_443 = tpu.vector_load %arg7[%get3A_441, %get3A_442] {strides = array<i32>} : memref<400x64xf32, #tpu.memory_space<vmem>>, vector<1x16xf32>,
        %get3A_444 = vector.shape_cast %get3A_443 : vector<1x16xf32> to vector<16xf32>
        %mul3A_445 = arith.constant 8.000000e+00 : f32
        %mul3A_446 = vector.broadcast %mul3A_445 : f32 to vector<16xf32>
        %mul3A_447 = arith.mulf %get3A_444, %mul3A_446 : vector<16xf32>
        %swap3A_448 = arith.index_cast %add3A_428 : i32 to index
        %swap3A_449 = arith.constant 16 : index
        %swap3A_450 = tpu.vector_load %arg7[%swap3A_448, %swap3A_449] {strides = array<i32>} : memref<400x64xf32, #tpu.memory_space<vmem>>, vector<1x16xf32>,
        %swap3A_451 = vector.shape_cast %swap3A_450 : vector<1x16xf32> to vector<16xf32>
        %swap3A_452 = vector.shape_cast %mul3A_447 : vector<16xf32> to vector<1x16xf32>
        tpu.vector_store %arg7[%swap3A_448, %swap3A_449], %swap3A_452 {strides = array<i32>} : memref<400x64xf32, #tpu.memory_space<vmem>>, vector<1x16xf32>,
        %get3A_453 = arith.index_cast %add3A_428 : i32 to index
        %get3A_454 = arith.constant 32 : index
        %get3A_455 = tpu.vector_load %arg7[%get3A_453, %get3A_454] {strides = array<i32>} : memref<400x64xf32, #tpu.memory_space<vmem>>, vector<1x16xf32>,
        %get3A_456 = vector.shape_cast %get3A_455 : vector<1x16xf32> to vector<16xf32>
        %mul3A_457 = arith.constant 8.000000e+00 : f32
        %mul3A_458 = vector.broadcast %mul3A_457 : f32 to vector<16xf32>
        %mul3A_459 = arith.mulf %get3A_456, %mul3A_458 : vector<16xf32>
        %swap3A_460 = arith.index_cast %add3A_428 : i32 to index
        %swap3A_461 = arith.constant 32 : index
        %swap3A_462 = tpu.vector_load %arg7[%swap3A_460, %swap3A_461] {strides = array<i32>} : memref<400x64xf32, #tpu.memory_space<vmem>>, vector<1x16xf32>,
        %swap3A_463 = vector.shape_cast %swap3A_462 : vector<1x16xf32> to vector<16xf32>
        %swap3A_464 = vector.shape_cast %mul3A_459 : vector<16xf32> to vector<1x16xf32>
        tpu.vector_store %arg7[%swap3A_460, %swap3A_461], %swap3A_464 {strides = array<i32>} : memref<400x64xf32, #tpu.memory_space<vmem>>, vector<1x16xf32>,
        %get3A_465 = arith.index_cast %add3A_428 : i32 to index
        %get3A_466 = arith.constant 48 : index
        %get3A_467 = tpu.vector_load %arg7[%get3A_465, %get3A_466] {strides = array<i32>} : memref<400x64xf32, #tpu.memory_space<vmem>>, vector<1x16xf32>,
        %get3A_468 = vector.shape_cast %get3A_467 : vector<1x16xf32> to vector<16xf32>
        %mul3A_469 = arith.constant 8.000000e+00 : f32
        %mul3A_470 = vector.broadcast %mul3A_469 : f32 to vector<16xf32>
        %mul3A_471 = arith.mulf %get3A_468, %mul3A_470 : vector<16xf32>
        %swap3A_472 = arith.index_cast %add3A_428 : i32 to index
        %swap3A_473 = arith.constant 48 : index
        %swap3A_474 = tpu.vector_load %arg7[%swap3A_472, %swap3A_473] {strides = array<i32>} : memref<400x64xf32, #tpu.memory_space<vmem>>, vector<1x16xf32>,
        %swap3A_475 = vector.shape_cast %swap3A_474 : vector<1x16xf32> to vector<16xf32>
        %swap3A_476 = vector.shape_cast %mul3A_471 : vector<16xf32> to vector<1x16xf32>
        tpu.vector_store %arg7[%swap3A_472, %swap3A_473], %swap3A_476 {strides = array<i32>} : memref<400x64xf32, #tpu.memory_space<vmem>>, vector<1x16xf32>,
        %scan3A_477 = arith.constant 2 : i32
        %scan3A_478 = arith.addi %scan3A_372, %scan3A_477 : i32
        %mul3A_479 = arith.constant 1 : i32
        %mul3A_480 = arith.muli %scan3A_478, %mul3A_479 : i32
        %add3A_481 = arith.constant 0 : i32
        %add3A_482 = arith.addi %add3A_481, %mul3A_480 : i32
        %get3A_483 = arith.index_cast %add3A_482 : i32 to index
        %get3A_484 = arith.constant 0 : index
        %get3A_485 = tpu.vector_load %arg7[%get3A_483, %get3A_484] {strides = array<i32>} : memref<400x64xf32, #tpu.memory_space<vmem>>, vector<1x16xf32>,
        %get3A_486 = vector.shape_cast %get3A_485 : vector<1x16xf32> to vector<16xf32>
        %mul3A_487 = arith.constant 8.000000e+00 : f32
        %mul3A_488 = vector.broadcast %mul3A_487 : f32 to vector<16xf32>
        %mul3A_489 = arith.mulf %get3A_486, %mul3A_488 : vector<16xf32>
        %swap3A_490 = arith.index_cast %add3A_482 : i32 to index
        %swap3A_491 = arith.constant 0 : index
        %swap3A_492 = tpu.vector_load %arg7[%swap3A_490, %swap3A_491] {strides = array<i32>} : memref<400x64xf32, #tpu.memory_space<vmem>>, vector<1x16xf32>,
        %swap3A_493 = vector.shape_cast %swap3A_492 : vector<1x16xf32> to vector<16xf32>
        %swap3A_494 = vector.shape_cast %mul3A_489 : vector<16xf32> to vector<1x16xf32>
        tpu.vector_store %arg7[%swap3A_490, %swap3A_491], %swap3A_494 {strides = array<i32>} : memref<400x64xf32, #tpu.memory_space<vmem>>, vector<1x16xf32>,
        %get3A_495 = arith.index_cast %add3A_482 : i32 to index
        %get3A_496 = arith.constant 16 : index
        %get3A_497 = tpu.vector_load %arg7[%get3A_495, %get3A_496] {strides = array<i32>} : memref<400x64xf32, #tpu.memory_space<vmem>>, vector<1x16xf32>,
        %get3A_498 = vector.shape_cast %get3A_497 : vector<1x16xf32> to vector<16xf32>
        %mul3A_499 = arith.constant 8.000000e+00 : f32
        %mul3A_500 = vector.broadcast %mul3A_499 : f32 to vector<16xf32>
        %mul3A_501 = arith.mulf %get3A_498, %mul3A_500 : vector<16xf32>
        %swap3A_502 = arith.index_cast %add3A_482 : i32 to index
        %swap3A_503 = arith.constant 16 : index
        %swap3A_504 = tpu.vector_load %arg7[%swap3A_502, %swap3A_503] {strides = array<i32>} : memref<400x64xf32, #tpu.memory_space<vmem>>, vector<1x16xf32>,
        %swap3A_505 = vector.shape_cast %swap3A_504 : vector<1x16xf32> to vector<16xf32>
        %swap3A_506 = vector.shape_cast %mul3A_501 : vector<16xf32> to vector<1x16xf32>
        tpu.vector_store %arg7[%swap3A_502, %swap3A_503], %swap3A_506 {strides = array<i32>} : memref<400x64xf32, #tpu.memory_space<vmem>>, vector<1x16xf32>,
        %get3A_507 = arith.index_cast %add3A_482 : i32 to index
        %get3A_508 = arith.constant 32 : index
        %get3A_509 = tpu.vector_load %arg7[%get3A_507, %get3A_508] {strides = array<i32>} : memref<400x64xf32, #tpu.memory_space<vmem>>, vector<1x16xf32>,
        %get3A_510 = vector.shape_cast %get3A_509 : vector<1x16xf32> to vector<16xf32>
        %mul3A_511 = arith.constant 8.000000e+00 : f32
        %mul3A_512 = vector.broadcast %mul3A_511 : f32 to vector<16xf32>
        %mul3A_513 = arith.mulf %get3A_510, %mul3A_512 : vector<16xf32>
        %swap3A_514 = arith.index_cast %add3A_482 : i32 to index
        %swap3A_515 = arith.constant 32 : index
        %swap3A_516 = tpu.vector_load %arg7[%swap3A_514, %swap3A_515] {strides = array<i32>} : memref<400x64xf32, #tpu.memory_space<vmem>>, vector<1x16xf32>,
        %swap3A_517 = vector.shape_cast %swap3A_516 : vector<1x16xf32> to vector<16xf32>
        %swap3A_518 = vector.shape_cast %mul3A_513 : vector<16xf32> to vector<1x16xf32>
        tpu.vector_store %arg7[%swap3A_514, %swap3A_515], %swap3A_518 {strides = array<i32>} : memref<400x64xf32, #tpu.memory_space<vmem>>, vector<1x16xf32>,
        %get3A_519 = arith.index_cast %add3A_482 : i32 to index
        %get3A_520 = arith.constant 48 : index
        %get3A_521 = tpu.vector_load %arg7[%get3A_519, %get3A_520] {strides = array<i32>} : memref<400x64xf32, #tpu.memory_space<vmem>>, vector<1x16xf32>,
        %get3A_522 = vector.shape_cast %get3A_521 : vector<1x16xf32> to vector<16xf32>
        %mul3A_523 = arith.constant 8.000000e+00 : f32
        %mul3A_524 = vector.broadcast %mul3A_523 : f32 to vector<16xf32>
        %mul3A_525 = arith.mulf %get3A_522, %mul3A_524 : vector<16xf32>
        %swap3A_526 = arith.index_cast %add3A_482 : i32 to index
        %swap3A_527 = arith.constant 48 : index
        %swap3A_528 = tpu.vector_load %arg7[%swap3A_526, %swap3A_527] {strides = array<i32>} : memref<400x64xf32, #tpu.memory_space<vmem>>, vector<1x16xf32>,
        %swap3A_529 = vector.shape_cast %swap3A_528 : vector<1x16xf32> to vector<16xf32>
        %swap3A_530 = vector.shape_cast %mul3A_525 : vector<16xf32> to vector<1x16xf32>
        tpu.vector_store %arg7[%swap3A_526, %swap3A_527], %swap3A_530 {strides = array<i32>} : memref<400x64xf32, #tpu.memory_space<vmem>>, vector<1x16xf32>,
        %scan3A_531 = arith.constant 3 : i32
        %scan3A_532 = arith.addi %scan3A_372, %scan3A_531 : i32
        %mul3A_533 = arith.constant 1 : i32
        %mul3A_534 = arith.muli %scan3A_532, %mul3A_533 : i32
        %add3A_535 = arith.constant 0 : i32
        %add3A_536 = arith.addi %add3A_535, %mul3A_534 : i32
        %get3A_537 = arith.index_cast %add3A_536 : i32 to index
        %get3A_538 = arith.constant 0 : index
        %get3A_539 = tpu.vector_load %arg7[%get3A_537, %get3A_538] {strides = array<i32>} : memref<400x64xf32, #tpu.memory_space<vmem>>, vector<1x16xf32>,
        %get3A_540 = vector.shape_cast %get3A_539 : vector<1x16xf32> to vector<16xf32>
        %mul3A_541 = arith.constant 8.000000e+00 : f32
        %mul3A_542 = vector.broadcast %mul3A_541 : f32 to vector<16xf32>
        %mul3A_543 = arith.mulf %get3A_540, %mul3A_542 : vector<16xf32>
        %swap3A_544 = arith.index_cast %add3A_536 : i32 to index
        %swap3A_545 = arith.constant 0 : index
        %swap3A_546 = tpu.vector_load %arg7[%swap3A_544, %swap3A_545] {strides = array<i32>} : memref<400x64xf32, #tpu.memory_space<vmem>>, vector<1x16xf32>,
        %swap3A_547 = vector.shape_cast %swap3A_546 : vector<1x16xf32> to vector<16xf32>
        %swap3A_548 = vector.shape_cast %mul3A_543 : vector<16xf32> to vector<1x16xf32>
        tpu.vector_store %arg7[%swap3A_544, %swap3A_545], %swap3A_548 {strides = array<i32>} : memref<400x64xf32, #tpu.memory_space<vmem>>, vector<1x16xf32>,
        %get3A_549 = arith.index_cast %add3A_536 : i32 to index
        %get3A_550 = arith.constant 16 : index
        %get3A_551 = tpu.vector_load %arg7[%get3A_549, %get3A_550] {strides = array<i32>} : memref<400x64xf32, #tpu.memory_space<vmem>>, vector<1x16xf32>,
        %get3A_552 = vector.shape_cast %get3A_551 : vector<1x16xf32> to vector<16xf32>
        %mul3A_553 = arith.constant 8.000000e+00 : f32
        %mul3A_554 = vector.broadcast %mul3A_553 : f32 to vector<16xf32>
        %mul3A_555 = arith.mulf %get3A_552, %mul3A_554 : vector<16xf32>
        %swap3A_556 = arith.index_cast %add3A_536 : i32 to index
        %swap3A_557 = arith.constant 16 : index
        %swap3A_558 = tpu.vector_load %arg7[%swap3A_556, %swap3A_557] {strides = array<i32>} : memref<400x64xf32, #tpu.memory_space<vmem>>, vector<1x16xf32>,
        %swap3A_559 = vector.shape_cast %swap3A_558 : vector<1x16xf32> to vector<16xf32>
        %swap3A_560 = vector.shape_cast %mul3A_555 : vector<16xf32> to vector<1x16xf32>
        tpu.vector_store %arg7[%swap3A_556, %swap3A_557], %swap3A_560 {strides = array<i32>} : memref<400x64xf32, #tpu.memory_space<vmem>>, vector<1x16xf32>,
        %get3A_561 = arith.index_cast %add3A_536 : i32 to index
        %get3A_562 = arith.constant 32 : index
        %get3A_563 = tpu.vector_load %arg7[%get3A_561, %get3A_562] {strides = array<i32>} : memref<400x64xf32, #tpu.memory_space<vmem>>, vector<1x16xf32>,
        %get3A_564 = vector.shape_cast %get3A_563 : vector<1x16xf32> to vector<16xf32>
        %mul3A_565 = arith.constant 8.000000e+00 : f32
        %mul3A_566 = vector.broadcast %mul3A_565 : f32 to vector<16xf32>
        %mul3A_567 = arith.mulf %get3A_564, %mul3A_566 : vector<16xf32>
        %swap3A_568 = arith.index_cast %add3A_536 : i32 to index
        %swap3A_569 = arith.constant 32 : index
        %swap3A_570 = tpu.vector_load %arg7[%swap3A_568, %swap3A_569] {strides = array<i32>} : memref<400x64xf32, #tpu.memory_space<vmem>>, vector<1x16xf32>,
        %swap3A_571 = vector.shape_cast %swap3A_570 : vector<1x16xf32> to vector<16xf32>
        %swap3A_572 = vector.shape_cast %mul3A_567 : vector<16xf32> to vector<1x16xf32>
        tpu.vector_store %arg7[%swap3A_568, %swap3A_569], %swap3A_572 {strides = array<i32>} : memref<400x64xf32, #tpu.memory_space<vmem>>, vector<1x16xf32>,
        %get3A_573 = arith.index_cast %add3A_536 : i32 to index
        %get3A_574 = arith.constant 48 : index
        %get3A_575 = tpu.vector_load %arg7[%get3A_573, %get3A_574] {strides = array<i32>} : memref<400x64xf32, #tpu.memory_space<vmem>>, vector<1x16xf32>,
        %get3A_576 = vector.shape_cast %get3A_575 : vector<1x16xf32> to vector<16xf32>
        %mul3A_577 = arith.constant 8.000000e+00 : f32
        %mul3A_578 = vector.broadcast %mul3A_577 : f32 to vector<16xf32>
        %mul3A_579 = arith.mulf %get3A_576, %mul3A_578 : vector<16xf32>
        %swap3A_580 = arith.index_cast %add3A_536 : i32 to index
        %swap3A_581 = arith.constant 48 : index
        %swap3A_582 = tpu.vector_load %arg7[%swap3A_580, %swap3A_581] {strides = array<i32>} : memref<400x64xf32, #tpu.memory_space<vmem>>, vector<1x16xf32>,
        %swap3A_583 = vector.shape_cast %swap3A_582 : vector<1x16xf32> to vector<16xf32>
        %swap3A_584 = vector.shape_cast %mul3A_579 : vector<16xf32> to vector<1x16xf32>
        tpu.vector_store %arg7[%swap3A_580, %swap3A_581], %swap3A_584 {strides = array<i32>} : memref<400x64xf32, #tpu.memory_space<vmem>>, vector<1x16xf32>,
        %scan3A_585 = arith.constant 4 : i32
        %scan3A_586 = arith.addi %scan3A_372, %scan3A_585 : i32
        %mul3A_587 = arith.constant 1 : i32
        %mul3A_588 = arith.muli %scan3A_586, %mul3A_587 : i32
        %add3A_589 = arith.constant 0 : i32
        %add3A_590 = arith.addi %add3A_589, %mul3A_588 : i32
        %get3A_591 = arith.index_cast %add3A_590 : i32 to index
        %get3A_592 = arith.constant 0 : index
        %get3A_593 = tpu.vector_load %arg7[%get3A_591, %get3A_592] {strides = array<i32>} : memref<400x64xf32, #tpu.memory_space<vmem>>, vector<1x16xf32>,
        %get3A_594 = vector.shape_cast %get3A_593 : vector<1x16xf32> to vector<16xf32>
        %mul3A_595 = arith.constant 8.000000e+00 : f32
        %mul3A_596 = vector.broadcast %mul3A_595 : f32 to vector<16xf32>
        %mul3A_597 = arith.mulf %get3A_594, %mul3A_596 : vector<16xf32>
        %swap3A_598 = arith.index_cast %add3A_590 : i32 to index
        %swap3A_599 = arith.constant 0 : index
        %swap3A_600 = tpu.vector_load %arg7[%swap3A_598, %swap3A_599] {strides = array<i32>} : memref<400x64xf32, #tpu.memory_space<vmem>>, vector<1x16xf32>,
        %swap3A_601 = vector.shape_cast %swap3A_600 : vector<1x16xf32> to vector<16xf32>
        %swap3A_602 = vector.shape_cast %mul3A_597 : vector<16xf32> to vector<1x16xf32>
        tpu.vector_store %arg7[%swap3A_598, %swap3A_599], %swap3A_602 {strides = array<i32>} : memref<400x64xf32, #tpu.memory_space<vmem>>, vector<1x16xf32>,
        %get3A_603 = arith.index_cast %add3A_590 : i32 to index
        %get3A_604 = arith.constant 16 : index
        %get3A_605 = tpu.vector_load %arg7[%get3A_603, %get3A_604] {strides = array<i32>} : memref<400x64xf32, #tpu.memory_space<vmem>>, vector<1x16xf32>,
        %get3A_606 = vector.shape_cast %get3A_605 : vector<1x16xf32> to vector<16xf32>
        %mul3A_607 = arith.constant 8.000000e+00 : f32
        %mul3A_608 = vector.broadcast %mul3A_607 : f32 to vector<16xf32>
        %mul3A_609 = arith.mulf %get3A_606, %mul3A_608 : vector<16xf32>
        %swap3A_610 = arith.index_cast %add3A_590 : i32 to index
        %swap3A_611 = arith.constant 16 : index
        %swap3A_612 = tpu.vector_load %arg7[%swap3A_610, %swap3A_611] {strides = array<i32>} : memref<400x64xf32, #tpu.memory_space<vmem>>, vector<1x16xf32>,
        %swap3A_613 = vector.shape_cast %swap3A_612 : vector<1x16xf32> to vector<16xf32>
        %swap3A_614 = vector.shape_cast %mul3A_609 : vector<16xf32> to vector<1x16xf32>
        tpu.vector_store %arg7[%swap3A_610, %swap3A_611], %swap3A_614 {strides = array<i32>} : memref<400x64xf32, #tpu.memory_space<vmem>>, vector<1x16xf32>,
        %get3A_615 = arith.index_cast %add3A_590 : i32 to index
        %get3A_616 = arith.constant 32 : index
        %get3A_617 = tpu.vector_load %arg7[%get3A_615, %get3A_616] {strides = array<i32>} : memref<400x64xf32, #tpu.memory_space<vmem>>, vector<1x16xf32>,
        %get3A_618 = vector.shape_cast %get3A_617 : vector<1x16xf32> to vector<16xf32>
        %mul3A_619 = arith.constant 8.000000e+00 : f32
        %mul3A_620 = vector.broadcast %mul3A_619 : f32 to vector<16xf32>
        %mul3A_621 = arith.mulf %get3A_618, %mul3A_620 : vector<16xf32>
        %swap3A_622 = arith.index_cast %add3A_590 : i32 to index
        %swap3A_623 = arith.constant 32 : index
        %swap3A_624 = tpu.vector_load %arg7[%swap3A_622, %swap3A_623] {strides = array<i32>} : memref<400x64xf32, #tpu.memory_space<vmem>>, vector<1x16xf32>,
        %swap3A_625 = vector.shape_cast %swap3A_624 : vector<1x16xf32> to vector<16xf32>
        %swap3A_626 = vector.shape_cast %mul3A_621 : vector<16xf32> to vector<1x16xf32>
        tpu.vector_store %arg7[%swap3A_622, %swap3A_623], %swap3A_626 {strides = array<i32>} : memref<400x64xf32, #tpu.memory_space<vmem>>, vector<1x16xf32>,
        %get3A_627 = arith.index_cast %add3A_590 : i32 to index
        %get3A_628 = arith.constant 48 : index
        %get3A_629 = tpu.vector_load %arg7[%get3A_627, %get3A_628] {strides = array<i32>} : memref<400x64xf32, #tpu.memory_space<vmem>>, vector<1x16xf32>,
        %get3A_630 = vector.shape_cast %get3A_629 : vector<1x16xf32> to vector<16xf32>
        %mul3A_631 = arith.constant 8.000000e+00 : f32
        %mul3A_632 = vector.broadcast %mul3A_631 : f32 to vector<16xf32>
        %mul3A_633 = arith.mulf %get3A_630, %mul3A_632 : vector<16xf32>
        %swap3A_634 = arith.index_cast %add3A_590 : i32 to index
        %swap3A_635 = arith.constant 48 : index
        %swap3A_636 = tpu.vector_load %arg7[%swap3A_634, %swap3A_635] {strides = array<i32>} : memref<400x64xf32, #tpu.memory_space<vmem>>, vector<1x16xf32>,
        %swap3A_637 = vector.shape_cast %swap3A_636 : vector<1x16xf32> to vector<16xf32>
        %swap3A_638 = vector.shape_cast %mul3A_633 : vector<16xf32> to vector<1x16xf32>
        tpu.vector_store %arg7[%swap3A_634, %swap3A_635], %swap3A_638 {strides = array<i32>} : memref<400x64xf32, #tpu.memory_space<vmem>>, vector<1x16xf32>,
        %scan3A_639 = arith.constant 5 : i32
        %scan3A_640 = arith.addi %scan3A_372, %scan3A_639 : i32
        %mul3A_641 = arith.constant 1 : i32
        %mul3A_642 = arith.muli %scan3A_640, %mul3A_641 : i32
        %add3A_643 = arith.constant 0 : i32
        %add3A_644 = arith.addi %add3A_643, %mul3A_642 : i32
        %get3A_645 = arith.index_cast %add3A_644 : i32 to index
        %get3A_646 = arith.constant 0 : index
        %get3A_647 = tpu.vector_load %arg7[%get3A_645, %get3A_646] {strides = array<i32>} : memref<400x64xf32, #tpu.memory_space<vmem>>, vector<1x16xf32>,
        %get3A_648 = vector.shape_cast %get3A_647 : vector<1x16xf32> to vector<16xf32>
        %mul3A_649 = arith.constant 8.000000e+00 : f32
        %mul3A_650 = vector.broadcast %mul3A_649 : f32 to vector<16xf32>
        %mul3A_651 = arith.mulf %get3A_648, %mul3A_650 : vector<16xf32>
        %swap3A_652 = arith.index_cast %add3A_644 : i32 to index
        %swap3A_653 = arith.constant 0 : index
        %swap3A_654 = tpu.vector_load %arg7[%swap3A_652, %swap3A_653] {strides = array<i32>} : memref<400x64xf32, #tpu.memory_space<vmem>>, vector<1x16xf32>,
        %swap3A_655 = vector.shape_cast %swap3A_654 : vector<1x16xf32> to vector<16xf32>
        %swap3A_656 = vector.shape_cast %mul3A_651 : vector<16xf32> to vector<1x16xf32>
        tpu.vector_store %arg7[%swap3A_652, %swap3A_653], %swap3A_656 {strides = array<i32>} : memref<400x64xf32, #tpu.memory_space<vmem>>, vector<1x16xf32>,
        %get3A_657 = arith.index_cast %add3A_644 : i32 to index
        %get3A_658 = arith.constant 16 : index
        %get3A_659 = tpu.vector_load %arg7[%get3A_657, %get3A_658] {strides = array<i32>} : memref<400x64xf32, #tpu.memory_space<vmem>>, vector<1x16xf32>,
        %get3A_660 = vector.shape_cast %get3A_659 : vector<1x16xf32> to vector<16xf32>
        %mul3A_661 = arith.constant 8.000000e+00 : f32
        %mul3A_662 = vector.broadcast %mul3A_661 : f32 to vector<16xf32>
        %mul3A_663 = arith.mulf %get3A_660, %mul3A_662 : vector<16xf32>
        %swap3A_664 = arith.index_cast %add3A_644 : i32 to index
        %swap3A_665 = arith.constant 16 : index
        %swap3A_666 = tpu.vector_load %arg7[%swap3A_664, %swap3A_665] {strides = array<i32>} : memref<400x64xf32, #tpu.memory_space<vmem>>, vector<1x16xf32>,
        %swap3A_667 = vector.shape_cast %swap3A_666 : vector<1x16xf32> to vector<16xf32>
        %swap3A_668 = vector.shape_cast %mul3A_663 : vector<16xf32> to vector<1x16xf32>
        tpu.vector_store %arg7[%swap3A_664, %swap3A_665], %swap3A_668 {strides = array<i32>} : memref<400x64xf32, #tpu.memory_space<vmem>>, vector<1x16xf32>,
        %get3A_669 = arith.index_cast %add3A_644 : i32 to index
        %get3A_670 = arith.constant 32 : index
        %get3A_671 = tpu.vector_load %arg7[%get3A_669, %get3A_670] {strides = array<i32>} : memref<400x64xf32, #tpu.memory_space<vmem>>, vector<1x16xf32>,
        %get3A_672 = vector.shape_cast %get3A_671 : vector<1x16xf32> to vector<16xf32>
        %mul3A_673 = arith.constant 8.000000e+00 : f32
        %mul3A_674 = vector.broadcast %mul3A_673 : f32 to vector<16xf32>
        %mul3A_675 = arith.mulf %get3A_672, %mul3A_674 : vector<16xf32>
        %swap3A_676 = arith.index_cast %add3A_644 : i32 to index
        %swap3A_677 = arith.constant 32 : index
        %swap3A_678 = tpu.vector_load %arg7[%swap3A_676, %swap3A_677] {strides = array<i32>} : memref<400x64xf32, #tpu.memory_space<vmem>>, vector<1x16xf32>,
        %swap3A_679 = vector.shape_cast %swap3A_678 : vector<1x16xf32> to vector<16xf32>
        %swap3A_680 = vector.shape_cast %mul3A_675 : vector<16xf32> to vector<1x16xf32>
        tpu.vector_store %arg7[%swap3A_676, %swap3A_677], %swap3A_680 {strides = array<i32>} : memref<400x64xf32, #tpu.memory_space<vmem>>, vector<1x16xf32>,
        %get3A_681 = arith.index_cast %add3A_644 : i32 to index
        %get3A_682 = arith.constant 48 : index
        %get3A_683 = tpu.vector_load %arg7[%get3A_681, %get3A_682] {strides = array<i32>} : memref<400x64xf32, #tpu.memory_space<vmem>>, vector<1x16xf32>,
        %get3A_684 = vector.shape_cast %get3A_683 : vector<1x16xf32> to vector<16xf32>
        %mul3A_685 = arith.constant 8.000000e+00 : f32
        %mul3A_686 = vector.broadcast %mul3A_685 : f32 to vector<16xf32>
        %mul3A_687 = arith.mulf %get3A_684, %mul3A_686 : vector<16xf32>
        %swap3A_688 = arith.index_cast %add3A_644 : i32 to index
        %swap3A_689 = arith.constant 48 : index
        %swap3A_690 = tpu.vector_load %arg7[%swap3A_688, %swap3A_689] {strides = array<i32>} : memref<400x64xf32, #tpu.memory_space<vmem>>, vector<1x16xf32>,
        %swap3A_691 = vector.shape_cast %swap3A_690 : vector<1x16xf32> to vector<16xf32>
        %swap3A_692 = vector.shape_cast %mul3A_687 : vector<16xf32> to vector<1x16xf32>
        tpu.vector_store %arg7[%swap3A_688, %swap3A_689], %swap3A_692 {strides = array<i32>} : memref<400x64xf32, #tpu.memory_space<vmem>>, vector<1x16xf32>,
        %scan3A_693 = arith.constant 6 : i32
        %scan3A_694 = arith.addi %scan3A_372, %scan3A_693 : i32
        %mul3A_695 = arith.constant 1 : i32
        %mul3A_696 = arith.muli %scan3A_694, %mul3A_695 : i32
        %add3A_697 = arith.constant 0 : i32
        %add3A_698 = arith.addi %add3A_697, %mul3A_696 : i32
        %get3A_699 = arith.index_cast %add3A_698 : i32 to index
        %get3A_700 = arith.constant 0 : index
        %get3A_701 = tpu.vector_load %arg7[%get3A_699, %get3A_700] {strides = array<i32>} : memref<400x64xf32, #tpu.memory_space<vmem>>, vector<1x16xf32>,
        %get3A_702 = vector.shape_cast %get3A_701 : vector<1x16xf32> to vector<16xf32>
        %mul3A_703 = arith.constant 8.000000e+00 : f32
        %mul3A_704 = vector.broadcast %mul3A_703 : f32 to vector<16xf32>
        %mul3A_705 = arith.mulf %get3A_702, %mul3A_704 : vector<16xf32>
        %swap3A_706 = arith.index_cast %add3A_698 : i32 to index
        %swap3A_707 = arith.constant 0 : index
        %swap3A_708 = tpu.vector_load %arg7[%swap3A_706, %swap3A_707] {strides = array<i32>} : memref<400x64xf32, #tpu.memory_space<vmem>>, vector<1x16xf32>,
        %swap3A_709 = vector.shape_cast %swap3A_708 : vector<1x16xf32> to vector<16xf32>
        %swap3A_710 = vector.shape_cast %mul3A_705 : vector<16xf32> to vector<1x16xf32>
        tpu.vector_store %arg7[%swap3A_706, %swap3A_707], %swap3A_710 {strides = array<i32>} : memref<400x64xf32, #tpu.memory_space<vmem>>, vector<1x16xf32>,
        %get3A_711 = arith.index_cast %add3A_698 : i32 to index
        %get3A_712 = arith.constant 16 : index
        %get3A_713 = tpu.vector_load %arg7[%get3A_711, %get3A_712] {strides = array<i32>} : memref<400x64xf32, #tpu.memory_space<vmem>>, vector<1x16xf32>,
        %get3A_714 = vector.shape_cast %get3A_713 : vector<1x16xf32> to vector<16xf32>
        %mul3A_715 = arith.constant 8.000000e+00 : f32
        %mul3A_716 = vector.broadcast %mul3A_715 : f32 to vector<16xf32>
        %mul3A_717 = arith.mulf %get3A_714, %mul3A_716 : vector<16xf32>
        %swap3A_718 = arith.index_cast %add3A_698 : i32 to index
        %swap3A_719 = arith.constant 16 : index
        %swap3A_720 = tpu.vector_load %arg7[%swap3A_718, %swap3A_719] {strides = array<i32>} : memref<400x64xf32, #tpu.memory_space<vmem>>, vector<1x16xf32>,
        %swap3A_721 = vector.shape_cast %swap3A_720 : vector<1x16xf32> to vector<16xf32>
        %swap3A_722 = vector.shape_cast %mul3A_717 : vector<16xf32> to vector<1x16xf32>
        tpu.vector_store %arg7[%swap3A_718, %swap3A_719], %swap3A_722 {strides = array<i32>} : memref<400x64xf32, #tpu.memory_space<vmem>>, vector<1x16xf32>,
        %get3A_723 = arith.index_cast %add3A_698 : i32 to index
        %get3A_724 = arith.constant 32 : index
        %get3A_725 = tpu.vector_load %arg7[%get3A_723, %get3A_724] {strides = array<i32>} : memref<400x64xf32, #tpu.memory_space<vmem>>, vector<1x16xf32>,
        %get3A_726 = vector.shape_cast %get3A_725 : vector<1x16xf32> to vector<16xf32>
        %mul3A_727 = arith.constant 8.000000e+00 : f32
        %mul3A_728 = vector.broadcast %mul3A_727 : f32 to vector<16xf32>
        %mul3A_729 = arith.mulf %get3A_726, %mul3A_728 : vector<16xf32>
        %swap3A_730 = arith.index_cast %add3A_698 : i32 to index
        %swap3A_731 = arith.constant 32 : index
        %swap3A_732 = tpu.vector_load %arg7[%swap3A_730, %swap3A_731] {strides = array<i32>} : memref<400x64xf32, #tpu.memory_space<vmem>>, vector<1x16xf32>,
        %swap3A_733 = vector.shape_cast %swap3A_732 : vector<1x16xf32> to vector<16xf32>
        %swap3A_734 = vector.shape_cast %mul3A_729 : vector<16xf32> to vector<1x16xf32>
        tpu.vector_store %arg7[%swap3A_730, %swap3A_731], %swap3A_734 {strides = array<i32>} : memref<400x64xf32, #tpu.memory_space<vmem>>, vector<1x16xf32>,
        %get3A_735 = arith.index_cast %add3A_698 : i32 to index
        %get3A_736 = arith.constant 48 : index
        %get3A_737 = tpu.vector_load %arg7[%get3A_735, %get3A_736] {strides = array<i32>} : memref<400x64xf32, #tpu.memory_space<vmem>>, vector<1x16xf32>,
        %get3A_738 = vector.shape_cast %get3A_737 : vector<1x16xf32> to vector<16xf32>
        %mul3A_739 = arith.constant 8.000000e+00 : f32
        %mul3A_740 = vector.broadcast %mul3A_739 : f32 to vector<16xf32>
        %mul3A_741 = arith.mulf %get3A_738, %mul3A_740 : vector<16xf32>
        %swap3A_742 = arith.index_cast %add3A_698 : i32 to index
        %swap3A_743 = arith.constant 48 : index
        %swap3A_744 = tpu.vector_load %arg7[%swap3A_742, %swap3A_743] {strides = array<i32>} : memref<400x64xf32, #tpu.memory_space<vmem>>, vector<1x16xf32>,
        %swap3A_745 = vector.shape_cast %swap3A_744 : vector<1x16xf32> to vector<16xf32>
        %swap3A_746 = vector.shape_cast %mul3A_741 : vector<16xf32> to vector<1x16xf32>
        tpu.vector_store %arg7[%swap3A_742, %swap3A_743], %swap3A_746 {strides = array<i32>} : memref<400x64xf32, #tpu.memory_space<vmem>>, vector<1x16xf32>,
        %scan3A_747 = arith.constant 7 : i32
        %scan3A_748 = arith.addi %scan3A_372, %scan3A_747 : i32
        %mul3A_749 = arith.constant 1 : i32
        %mul3A_750 = arith.muli %scan3A_748, %mul3A_749 : i32
        %add3A_751 = arith.constant 0 : i32
        %add3A_752 = arith.addi %add3A_751, %mul3A_750 : i32
        %get3A_753 = arith.index_cast %add3A_752 : i32 to index
        %get3A_754 = arith.constant 0 : index
        %get3A_755 = tpu.vector_load %arg7[%get3A_753, %get3A_754] {strides = array<i32>} : memref<400x64xf32, #tpu.memory_space<vmem>>, vector<1x16xf32>,
        %get3A_756 = vector.shape_cast %get3A_755 : vector<1x16xf32> to vector<16xf32>
        %mul3A_757 = arith.constant 8.000000e+00 : f32
        %mul3A_758 = vector.broadcast %mul3A_757 : f32 to vector<16xf32>
        %mul3A_759 = arith.mulf %get3A_756, %mul3A_758 : vector<16xf32>
        %swap3A_760 = arith.index_cast %add3A_752 : i32 to index
        %swap3A_761 = arith.constant 0 : index
        %swap3A_762 = tpu.vector_load %arg7[%swap3A_760, %swap3A_761] {strides = array<i32>} : memref<400x64xf32, #tpu.memory_space<vmem>>, vector<1x16xf32>,
        %swap3A_763 = vector.shape_cast %swap3A_762 : vector<1x16xf32> to vector<16xf32>
        %swap3A_764 = vector.shape_cast %mul3A_759 : vector<16xf32> to vector<1x16xf32>
        tpu.vector_store %arg7[%swap3A_760, %swap3A_761], %swap3A_764 {strides = array<i32>} : memref<400x64xf32, #tpu.memory_space<vmem>>, vector<1x16xf32>,
        %get3A_765 = arith.index_cast %add3A_752 : i32 to index
        %get3A_766 = arith.constant 16 : index
        %get3A_767 = tpu.vector_load %arg7[%get3A_765, %get3A_766] {strides = array<i32>} : memref<400x64xf32, #tpu.memory_space<vmem>>, vector<1x16xf32>,
        %get3A_768 = vector.shape_cast %get3A_767 : vector<1x16xf32> to vector<16xf32>
        %mul3A_769 = arith.constant 8.000000e+00 : f32
        %mul3A_770 = vector.broadcast %mul3A_769 : f32 to vector<16xf32>
        %mul3A_771 = arith.mulf %get3A_768, %mul3A_770 : vector<16xf32>
        %swap3A_772 = arith.index_cast %add3A_752 : i32 to index
        %swap3A_773 = arith.constant 16 : index
        %swap3A_774 = tpu.vector_load %arg7[%swap3A_772, %swap3A_773] {strides = array<i32>} : memref<400x64xf32, #tpu.memory_space<vmem>>, vector<1x16xf32>,
        %swap3A_775 = vector.shape_cast %swap3A_774 : vector<1x16xf32> to vector<16xf32>
        %swap3A_776 = vector.shape_cast %mul3A_771 : vector<16xf32> to vector<1x16xf32>
        tpu.vector_store %arg7[%swap3A_772, %swap3A_773], %swap3A_776 {strides = array<i32>} : memref<400x64xf32, #tpu.memory_space<vmem>>, vector<1x16xf32>,
        %get3A_777 = arith.index_cast %add3A_752 : i32 to index
        %get3A_778 = arith.constant 32 : index
        %get3A_779 = tpu.vector_load %arg7[%get3A_777, %get3A_778] {strides = array<i32>} : memref<400x64xf32, #tpu.memory_space<vmem>>, vector<1x16xf32>,
        %get3A_780 = vector.shape_cast %get3A_779 : vector<1x16xf32> to vector<16xf32>
        %mul3A_781 = arith.constant 8.000000e+00 : f32
        %mul3A_782 = vector.broadcast %mul3A_781 : f32 to vector<16xf32>
        %mul3A_783 = arith.mulf %get3A_780, %mul3A_782 : vector<16xf32>
        %swap3A_784 = arith.index_cast %add3A_752 : i32 to index
        %swap3A_785 = arith.constant 32 : index
        %swap3A_786 = tpu.vector_load %arg7[%swap3A_784, %swap3A_785] {strides = array<i32>} : memref<400x64xf32, #tpu.memory_space<vmem>>, vector<1x16xf32>,
        %swap3A_787 = vector.shape_cast %swap3A_786 : vector<1x16xf32> to vector<16xf32>
        %swap3A_788 = vector.shape_cast %mul3A_783 : vector<16xf32> to vector<1x16xf32>
        tpu.vector_store %arg7[%swap3A_784, %swap3A_785], %swap3A_788 {strides = array<i32>} : memref<400x64xf32, #tpu.memory_space<vmem>>, vector<1x16xf32>,
        %get3A_789 = arith.index_cast %add3A_752 : i32 to index
        %get3A_790 = arith.constant 48 : index
        %get3A_791 = tpu.vector_load %arg7[%get3A_789, %get3A_790] {strides = array<i32>} : memref<400x64xf32, #tpu.memory_space<vmem>>, vector<1x16xf32>,
        %get3A_792 = vector.shape_cast %get3A_791 : vector<1x16xf32> to vector<16xf32>
        %mul3A_793 = arith.constant 8.000000e+00 : f32
        %mul3A_794 = vector.broadcast %mul3A_793 : f32 to vector<16xf32>
        %mul3A_795 = arith.mulf %get3A_792, %mul3A_794 : vector<16xf32>
        %swap3A_796 = arith.index_cast %add3A_752 : i32 to index
        %swap3A_797 = arith.constant 48 : index
        %swap3A_798 = tpu.vector_load %arg7[%swap3A_796, %swap3A_797] {strides = array<i32>} : memref<400x64xf32, #tpu.memory_space<vmem>>, vector<1x16xf32>,
        %swap3A_799 = vector.shape_cast %swap3A_798 : vector<1x16xf32> to vector<16xf32>
        %swap3A_800 = vector.shape_cast %mul3A_795 : vector<16xf32> to vector<1x16xf32>
        tpu.vector_store %arg7[%swap3A_796, %swap3A_797], %swap3A_800 {strides = array<i32>} : memref<400x64xf32, #tpu.memory_space<vmem>>, vector<1x16xf32>,
      }
      %scan3A_217 = arith.constant 400 : i32
      %add3A_218 = arith.constant 1 : i32
      %add3A_219 = arith.addi %add3A_23, %add3A_218 : i32
      %mul3A_220 = arith.constant 8 : i32
      %mul3A_221 = arith.muli %add3A_219, %mul3A_220 : i32
      %add3A_222 = arith.addi %mul3A_4, %mul3A_221 : i32
      %add3A_223 = arith.constant 0 : i32
      %add3A_224 = arith.addi %add3A_222, %add3A_223 : i32
      %dma_start3A_225 = arith.constant 0 : i32
      %dma_start3A_226 = arith.constant 0 : i32
      %dma_start3A_227 = tpu.memref_slice %arg7[%dma_start3A_225, %dma_start3A_226] : memref<400x64xf32, #tpu.memory_space<vmem>> -> memref<50x64xf32, #tpu.memory_space<vmem>>
      %dma_start3A_228 = arith.constant 0 : i32
      %dma_start3A_229 = arith.constant 0 : i32
      %dma_start3A_230 = tpu.memref_slice %arg4[%add3A_224, %dma_start3A_228, %dma_start3A_229] : memref<4096x50x64xf32, #tpu.memory_space<hbm>> -> memref<1x50x64xf32, #tpu.memory_space<hbm>>
      %dma_start3A_231 = tpu.memref_squeeze %dma_start3A_230 : memref<1x50x64xf32, #tpu.memory_space<hbm>> -> memref<50x64xf32, #tpu.memory_space<hbm>>
      %dma_start3A_232 = arith.constant 0 : i32
      %dma_start3A_233 = arith.constant 0 : i32
      %dma_start3A_234 = tpu.memref_slice %arg4[%add3A_224, %dma_start3A_232, %dma_start3A_233] : memref<4096x50x64xf32, #tpu.memory_space<hbm>> -> memref<1x50x64xf32, #tpu.memory_space<hbm>>
      %dma_start3A_235 = tpu.memref_squeeze %dma_start3A_234 : memref<1x50x64xf32, #tpu.memory_space<hbm>> -> memref<50x64xf32, #tpu.memory_space<hbm>>
      %dma_start3A_236 = arith.constant 0 : i32
      %dma_start3A_237 = arith.constant 0 : i32
      %dma_start3A_238 = tpu.memref_slice %arg7[%dma_start3A_236, %dma_start3A_237] : memref<400x64xf32, #tpu.memory_space<vmem>> -> memref<50x64xf32, #tpu.memory_space<vmem>>
      tpu.enqueue_dma source(%dma_start3A_238 : memref<50x64xf32, #tpu.memory_space<vmem>>) target(%dma_start3A_235 : memref<50x64xf32, #tpu.memory_space<hbm>>) target_semaphore(%arg11 : memref<!tpu.dma_semaphore, #tpu.memory_space<semaphore_mem>>)
      %mul3A_239 = arith.constant 8 : i32
      %mul3A_240 = arith.muli %add3A_219, %mul3A_239 : i32
      %add3A_241 = arith.addi %mul3A_4, %mul3A_240 : i32
      %add3A_242 = arith.constant 1 : i32
      %add3A_243 = arith.addi %add3A_241, %add3A_242 : i32
      %dma_start3A_244 = arith.constant 50 : i32
      %dma_start3A_245 = arith.constant 0 : i32
      %dma_start3A_246 = tpu.memref_slice %arg7[%dma_start3A_244, %dma_start3A_245] : memref<400x64xf32, #tpu.memory_space<vmem>> -> memref<50x64xf32, #tpu.memory_space<vmem>>
      %dma_start3A_247 = arith.constant 0 : i32
      %dma_start3A_248 = arith.constant 0 : i32
      %dma_start3A_249 = tpu.memref_slice %arg4[%add3A_243, %dma_start3A_247, %dma_start3A_248] : memref<4096x50x64xf32, #tpu.memory_space<hbm>> -> memref<1x50x64xf32, #tpu.memory_space<hbm>>
      %dma_start3A_250 = tpu.memref_squeeze %dma_start3A_249 : memref<1x50x64xf32, #tpu.memory_space<hbm>> -> memref<50x64xf32, #tpu.memory_space<hbm>>
      %dma_start3A_251 = arith.constant 0 : i32
      %dma_start3A_252 = arith.constant 0 : i32
      %dma_start3A_253 = tpu.memref_slice %arg4[%add3A_243, %dma_start3A_251, %dma_start3A_252] : memref<4096x50x64xf32, #tpu.memory_space<hbm>> -> memref<1x50x64xf32, #tpu.memory_space<hbm>>
      %dma_start3A_254 = tpu.memref_squeeze %dma_start3A_253 : memref<1x50x64xf32, #tpu.memory_space<hbm>> -> memref<50x64xf32, #tpu.memory_space<hbm>>
      %dma_start3A_255 = arith.constant 50 : i32
      %dma_start3A_256 = arith.constant 0 : i32
      %dma_start3A_257 = tpu.memref_slice %arg7[%dma_start3A_255, %dma_start3A_256] : memref<400x64xf32, #tpu.memory_space<vmem>> -> memref<50x64xf32, #tpu.memory_space<vmem>>
      tpu.enqueue_dma source(%dma_start3A_257 : memref<50x64xf32, #tpu.memory_space<vmem>>) target(%dma_start3A_254 : memref<50x64xf32, #tpu.memory_space<hbm>>) target_semaphore(%arg11 : memref<!tpu.dma_semaphore, #tpu.memory_space<semaphore_mem>>)
      %mul3A_258 = arith.constant 8 : i32
      %mul3A_259 = arith.muli %add3A_219, %mul3A_258 : i32
      %add3A_260 = arith.addi %mul3A_4, %mul3A_259 : i32
      %add3A_261 = arith.constant 2 : i32
      %add3A_262 = arith.addi %add3A_260, %add3A_261 : i32
      %dma_start3A_263 = arith.constant 100 : i32
      %dma_start3A_264 = arith.constant 0 : i32
      %dma_start3A_265 = tpu.memref_slice %arg7[%dma_start3A_263, %dma_start3A_264] : memref<400x64xf32, #tpu.memory_space<vmem>> -> memref<50x64xf32, #tpu.memory_space<vmem>>
      %dma_start3A_266 = arith.constant 0 : i32
      %dma_start3A_267 = arith.constant 0 : i32
      %dma_start3A_268 = tpu.memref_slice %arg4[%add3A_262, %dma_start3A_266, %dma_start3A_267] : memref<4096x50x64xf32, #tpu.memory_space<hbm>> -> memref<1x50x64xf32, #tpu.memory_space<hbm>>
      %dma_start3A_269 = tpu.memref_squeeze %dma_start3A_268 : memref<1x50x64xf32, #tpu.memory_space<hbm>> -> memref<50x64xf32, #tpu.memory_space<hbm>>
      %dma_start3A_270 = arith.constant 0 : i32
      %dma_start3A_271 = arith.constant 0 : i32
      %dma_start3A_272 = tpu.memref_slice %arg4[%add3A_262, %dma_start3A_270, %dma_start3A_271] : memref<4096x50x64xf32, #tpu.memory_space<hbm>> -> memref<1x50x64xf32, #tpu.memory_space<hbm>>
      %dma_start3A_273 = tpu.memref_squeeze %dma_start3A_272 : memref<1x50x64xf32, #tpu.memory_space<hbm>> -> memref<50x64xf32, #tpu.memory_space<hbm>>
      %dma_start3A_274 = arith.constant 100 : i32
      %dma_start3A_275 = arith.constant 0 : i32
      %dma_start3A_276 = tpu.memref_slice %arg7[%dma_start3A_274, %dma_start3A_275] : memref<400x64xf32, #tpu.memory_space<vmem>> -> memref<50x64xf32, #tpu.memory_space<vmem>>
      tpu.enqueue_dma source(%dma_start3A_276 : memref<50x64xf32, #tpu.memory_space<vmem>>) target(%dma_start3A_273 : memref<50x64xf32, #tpu.memory_space<hbm>>) target_semaphore(%arg11 : memref<!tpu.dma_semaphore, #tpu.memory_space<semaphore_mem>>)
      %mul3A_277 = arith.constant 8 : i32
      %mul3A_278 = arith.muli %add3A_219, %mul3A_277 : i32
      %add3A_279 = arith.addi %mul3A_4, %mul3A_278 : i32
      %add3A_280 = arith.constant 3 : i32
      %add3A_281 = arith.addi %add3A_279, %add3A_280 : i32
      %dma_start3A_282 = arith.constant 150 : i32
      %dma_start3A_283 = arith.constant 0 : i32
      %dma_start3A_284 = tpu.memref_slice %arg7[%dma_start3A_282, %dma_start3A_283] : memref<400x64xf32, #tpu.memory_space<vmem>> -> memref<50x64xf32, #tpu.memory_space<vmem>>
      %dma_start3A_285 = arith.constant 0 : i32
      %dma_start3A_286 = arith.constant 0 : i32
      %dma_start3A_287 = tpu.memref_slice %arg4[%add3A_281, %dma_start3A_285, %dma_start3A_286] : memref<4096x50x64xf32, #tpu.memory_space<hbm>> -> memref<1x50x64xf32, #tpu.memory_space<hbm>>
      %dma_start3A_288 = tpu.memref_squeeze %dma_start3A_287 : memref<1x50x64xf32, #tpu.memory_space<hbm>> -> memref<50x64xf32, #tpu.memory_space<hbm>>
      %dma_start3A_289 = arith.constant 0 : i32
      %dma_start3A_290 = arith.constant 0 : i32
      %dma_start3A_291 = tpu.memref_slice %arg4[%add3A_281, %dma_start3A_289, %dma_start3A_290] : memref<4096x50x64xf32, #tpu.memory_space<hbm>> -> memref<1x50x64xf32, #tpu.memory_space<hbm>>
      %dma_start3A_292 = tpu.memref_squeeze %dma_start3A_291 : memref<1x50x64xf32, #tpu.memory_space<hbm>> -> memref<50x64xf32, #tpu.memory_space<hbm>>
      %dma_start3A_293 = arith.constant 150 : i32
      %dma_start3A_294 = arith.constant 0 : i32
      %dma_start3A_295 = tpu.memref_slice %arg7[%dma_start3A_293, %dma_start3A_294] : memref<400x64xf32, #tpu.memory_space<vmem>> -> memref<50x64xf32, #tpu.memory_space<vmem>>
      tpu.enqueue_dma source(%dma_start3A_295 : memref<50x64xf32, #tpu.memory_space<vmem>>) target(%dma_start3A_292 : memref<50x64xf32, #tpu.memory_space<hbm>>) target_semaphore(%arg11 : memref<!tpu.dma_semaphore, #tpu.memory_space<semaphore_mem>>)
      %mul3A_296 = arith.constant 8 : i32
      %mul3A_297 = arith.muli %add3A_219, %mul3A_296 : i32
      %add3A_298 = arith.addi %mul3A_4, %mul3A_297 : i32
      %add3A_299 = arith.constant 4 : i32
      %add3A_300 = arith.addi %add3A_298, %add3A_299 : i32
      %dma_start3A_301 = arith.constant 200 : i32
      %dma_start3A_302 = arith.constant 0 : i32
      %dma_start3A_303 = tpu.memref_slice %arg7[%dma_start3A_301, %dma_start3A_302] : memref<400x64xf32, #tpu.memory_space<vmem>> -> memref<50x64xf32, #tpu.memory_space<vmem>>
      %dma_start3A_304 = arith.constant 0 : i32
      %dma_start3A_305 = arith.constant 0 : i32
      %dma_start3A_306 = tpu.memref_slice %arg4[%add3A_300, %dma_start3A_304, %dma_start3A_305] : memref<4096x50x64xf32, #tpu.memory_space<hbm>> -> memref<1x50x64xf32, #tpu.memory_space<hbm>>
      %dma_start3A_307 = tpu.memref_squeeze %dma_start3A_306 : memref<1x50x64xf32, #tpu.memory_space<hbm>> -> memref<50x64xf32, #tpu.memory_space<hbm>>
      %dma_start3A_308 = arith.constant 0 : i32
      %dma_start3A_309 = arith.constant 0 : i32
      %dma_start3A_310 = tpu.memref_slice %arg4[%add3A_300, %dma_start3A_308, %dma_start3A_309] : memref<4096x50x64xf32, #tpu.memory_space<hbm>> -> memref<1x50x64xf32, #tpu.memory_space<hbm>>
      %dma_start3A_311 = tpu.memref_squeeze %dma_start3A_310 : memref<1x50x64xf32, #tpu.memory_space<hbm>> -> memref<50x64xf32, #tpu.memory_space<hbm>>
      %dma_start3A_312 = arith.constant 200 : i32
      %dma_start3A_313 = arith.constant 0 : i32
      %dma_start3A_314 = tpu.memref_slice %arg7[%dma_start3A_312, %dma_start3A_313] : memref<400x64xf32, #tpu.memory_space<vmem>> -> memref<50x64xf32, #tpu.memory_space<vmem>>
      tpu.enqueue_dma source(%dma_start3A_314 : memref<50x64xf32, #tpu.memory_space<vmem>>) target(%dma_start3A_311 : memref<50x64xf32, #tpu.memory_space<hbm>>) target_semaphore(%arg11 : memref<!tpu.dma_semaphore, #tpu.memory_space<semaphore_mem>>)
      %mul3A_315 = arith.constant 8 : i32
      %mul3A_316 = arith.muli %add3A_219, %mul3A_315 : i32
      %add3A_317 = arith.addi %mul3A_4, %mul3A_316 : i32
      %add3A_318 = arith.constant 5 : i32
      %add3A_319 = arith.addi %add3A_317, %add3A_318 : i32
      %dma_start3A_320 = arith.constant 250 : i32
      %dma_start3A_321 = arith.constant 0 : i32
      %dma_start3A_322 = tpu.memref_slice %arg7[%dma_start3A_320, %dma_start3A_321] : memref<400x64xf32, #tpu.memory_space<vmem>> -> memref<50x64xf32, #tpu.memory_space<vmem>>
      %dma_start3A_323 = arith.constant 0 : i32
      %dma_start3A_324 = arith.constant 0 : i32
      %dma_start3A_325 = tpu.memref_slice %arg4[%add3A_319, %dma_start3A_323, %dma_start3A_324] : memref<4096x50x64xf32, #tpu.memory_space<hbm>> -> memref<1x50x64xf32, #tpu.memory_space<hbm>>
      %dma_start3A_326 = tpu.memref_squeeze %dma_start3A_325 : memref<1x50x64xf32, #tpu.memory_space<hbm>> -> memref<50x64xf32, #tpu.memory_space<hbm>>
      %dma_start3A_327 = arith.constant 0 : i32
      %dma_start3A_328 = arith.constant 0 : i32
      %dma_start3A_329 = tpu.memref_slice %arg4[%add3A_319, %dma_start3A_327, %dma_start3A_328] : memref<4096x50x64xf32, #tpu.memory_space<hbm>> -> memref<1x50x64xf32, #tpu.memory_space<hbm>>
      %dma_start3A_330 = tpu.memref_squeeze %dma_start3A_329 : memref<1x50x64xf32, #tpu.memory_space<hbm>> -> memref<50x64xf32, #tpu.memory_space<hbm>>
      %dma_start3A_331 = arith.constant 250 : i32
      %dma_start3A_332 = arith.constant 0 : i32
      %dma_start3A_333 = tpu.memref_slice %arg7[%dma_start3A_331, %dma_start3A_332] : memref<400x64xf32, #tpu.memory_space<vmem>> -> memref<50x64xf32, #tpu.memory_space<vmem>>
      tpu.enqueue_dma source(%dma_start3A_333 : memref<50x64xf32, #tpu.memory_space<vmem>>) target(%dma_start3A_330 : memref<50x64xf32, #tpu.memory_space<hbm>>) target_semaphore(%arg11 : memref<!tpu.dma_semaphore, #tpu.memory_space<semaphore_mem>>)
      %mul3A_334 = arith.constant 8 : i32
      %mul3A_335 = arith.muli %add3A_219, %mul3A_334 : i32
      %add3A_336 = arith.addi %mul3A_4, %mul3A_335 : i32
      %add3A_337 = arith.constant 6 : i32
      %add3A_338 = arith.addi %add3A_336, %add3A_337 : i32
      %dma_start3A_339 = arith.constant 300 : i32
      %dma_start3A_340 = arith.constant 0 : i32
      %dma_start3A_341 = tpu.memref_slice %arg7[%dma_start3A_339, %dma_start3A_340] : memref<400x64xf32, #tpu.memory_space<vmem>> -> memref<50x64xf32, #tpu.memory_space<vmem>>
      %dma_start3A_342 = arith.constant 0 : i32
      %dma_start3A_343 = arith.constant 0 : i32
      %dma_start3A_344 = tpu.memref_slice %arg4[%add3A_338, %dma_start3A_342, %dma_start3A_343] : memref<4096x50x64xf32, #tpu.memory_space<hbm>> -> memref<1x50x64xf32, #tpu.memory_space<hbm>>
      %dma_start3A_345 = tpu.memref_squeeze %dma_start3A_344 : memref<1x50x64xf32, #tpu.memory_space<hbm>> -> memref<50x64xf32, #tpu.memory_space<hbm>>
      %dma_start3A_346 = arith.constant 0 : i32
      %dma_start3A_347 = arith.constant 0 : i32
      %dma_start3A_348 = tpu.memref_slice %arg4[%add3A_338, %dma_start3A_346, %dma_start3A_347] : memref<4096x50x64xf32, #tpu.memory_space<hbm>> -> memref<1x50x64xf32, #tpu.memory_space<hbm>>
      %dma_start3A_349 = tpu.memref_squeeze %dma_start3A_348 : memref<1x50x64xf32, #tpu.memory_space<hbm>> -> memref<50x64xf32, #tpu.memory_space<hbm>>
      %dma_start3A_350 = arith.constant 300 : i32
      %dma_start3A_351 = arith.constant 0 : i32
      %dma_start3A_352 = tpu.memref_slice %arg7[%dma_start3A_350, %dma_start3A_351] : memref<400x64xf32, #tpu.memory_space<vmem>> -> memref<50x64xf32, #tpu.memory_space<vmem>>
      tpu.enqueue_dma source(%dma_start3A_352 : memref<50x64xf32, #tpu.memory_space<vmem>>) target(%dma_start3A_349 : memref<50x64xf32, #tpu.memory_space<hbm>>) target_semaphore(%arg11 : memref<!tpu.dma_semaphore, #tpu.memory_space<semaphore_mem>>)
      %mul3A_353 = arith.constant 8 : i32
      %mul3A_354 = arith.muli %add3A_219, %mul3A_353 : i32
      %add3A_355 = arith.addi %mul3A_4, %mul3A_354 : i32
      %add3A_356 = arith.constant 7 : i32
      %add3A_357 = arith.addi %add3A_355, %add3A_356 : i32
      %dma_start3A_358 = arith.constant 350 : i32
      %dma_start3A_359 = arith.constant 0 : i32
      %dma_start3A_360 = tpu.memref_slice %arg7[%dma_start3A_358, %dma_start3A_359] : memref<400x64xf32, #tpu.memory_space<vmem>> -> memref<50x64xf32, #tpu.memory_space<vmem>>
      %dma_start3A_361 = arith.constant 0 : i32
      %dma_start3A_362 = arith.constant 0 : i32
      %dma_start3A_363 = tpu.memref_slice %arg4[%add3A_357, %dma_start3A_361, %dma_start3A_362] : memref<4096x50x64xf32, #tpu.memory_space<hbm>> -> memref<1x50x64xf32, #tpu.memory_space<hbm>>
      %dma_start3A_364 = tpu.memref_squeeze %dma_start3A_363 : memref<1x50x64xf32, #tpu.memory_space<hbm>> -> memref<50x64xf32, #tpu.memory_space<hbm>>
      %dma_start3A_365 = arith.constant 0 : i32
      %dma_start3A_366 = arith.constant 0 : i32
      %dma_start3A_367 = tpu.memref_slice %arg4[%add3A_357, %dma_start3A_365, %dma_start3A_366] : memref<4096x50x64xf32, #tpu.memory_space<hbm>> -> memref<1x50x64xf32, #tpu.memory_space<hbm>>
      %dma_start3A_368 = tpu.memref_squeeze %dma_start3A_367 : memref<1x50x64xf32, #tpu.memory_space<hbm>> -> memref<50x64xf32, #tpu.memory_space<hbm>>
      %dma_start3A_369 = arith.constant 350 : i32
      %dma_start3A_370 = arith.constant 0 : i32
      %dma_start3A_371 = tpu.memref_slice %arg7[%dma_start3A_369, %dma_start3A_370] : memref<400x64xf32, #tpu.memory_space<vmem>> -> memref<50x64xf32, #tpu.memory_space<vmem>>
      tpu.enqueue_dma source(%dma_start3A_371 : memref<50x64xf32, #tpu.memory_space<vmem>>) target(%dma_start3A_368 : memref<50x64xf32, #tpu.memory_space<hbm>>) target_semaphore(%arg11 : memref<!tpu.dma_semaphore, #tpu.memory_space<semaphore_mem>>)
    }
    %scan3A_13 = arith.constant 8 : i32
    %dma_wait3A = arith.constant 0 : i32
    %dma_wait3A_14 = arith.constant 0 : i32
    %dma_wait3A_15 = tpu.memref_slice %arg3[%dma_wait3A, %dma_wait3A_14] : memref<1000000x64xf32, #tpu.memory_space<hbm>> -> memref<400x64xf32, #tpu.memory_space<hbm>>
    %dma_wait3A_16 = arith.constant 0 : i32
    %dma_wait3A_17 = arith.constant 0 : i32
    %dma_wait3A_18 = tpu.memref_slice %arg3[%dma_wait3A_16, %dma_wait3A_17] : memref<1000000x64xf32, #tpu.memory_space<hbm>> -> memref<400x64xf32, #tpu.memory_space<hbm>>
    tpu.wait_dma2 semaphore(%arg11 : memref<!tpu.dma_semaphore, #tpu.memory_space<semaphore_mem>>) src(%dma_wait3A_18 : memref<400x64xf32, #tpu.memory_space<hbm>>) dst(%arg7 : memref<400x64xf32, #tpu.memory_space<vmem>>)
    return
  }
}

</mosaic_0001>

<sc_bundles>
// kernel: kernel.3.cloned.1.call-start
scs
__scs_entry_jumppad:
0x0: {  	(pc) =	sbr.rel $0x88, $3  }
0x1: {  	(tag) =	ssettag $0x0;
	lr =	simm.s32 $0x1  }
0x2: {  	[smem:$0x3F9F] =	sst lr;
	_ =	strace $0xD0000000  }
0x3: {  	_ = 	snop  }
0x4: {  	_ = 	snop  }
0x5: {  	_ = 	snop  }
0x6: {  	_ = 	snop  }
0x7: {  	_ = 	snop  }
__scs_overlays_trampoline_lowered:
0x8: {  	[smem:$0x3FAE] =	sst s0  }
0x9: {  	[smem:$0x3FAF] =	sst s1  }
0xa: {  	[smem:$0x3FB0] =	sst s2  }
0xb: {  	[smem:$0x3FB1] =	sst s3  }
0xc: {  	[smem:$0x3FB2] =	sst s4  }
0xd: {  	[smem:$0x3FB3] =	sst s5  }
0xe: {  	[smem:$0x3FB4] =	sst s6  }
0xf: {  	[smem:$0x3FB5] =	sst s7  }
0x10: {  	[smem:$0x3FB6] =	sst s8  }
0x11: {  	[smem:$0x3FB7] =	sst s9;
	s0 =	simm.s32 @!p0 $0x0  }
0x12: {  	s1 =	sld [smem:$0x3F9D];
	s0 =	simm.s32 @p0 $0x1  }
0x13: {  	[smem:$0x3FB8] =	sst s0;
	s0 =	simm.s32 @!p1 $0x0  }
0x14: {  	s2 =	sld [smem:$0x3F9C];
	s0 =	simm.s32 @p1 $0x1  }
0x15: {  	[smem:$0x3FB9] =	sst s0;
	s0 =	simm.s32 @!p2 $0x0  }
0x16: {  	s3 =	sld [smem:$0x3FDB];
	s0 =	simm.s32 @p2 $0x1  }
0x17: {  	s4 =	simm.s32 $0x1BF5;
	[smem:$0x3FBB] =	sst s0  }
0x18: {  	s0 =	sld [smem:$0x3F9E];
	_ =	swait.ge [sflag:s4], $0x0  }
0x19: {  	s7 =	sld [smem:$0x3F9F]  }
0x1a: {  	s8 =	sadd.s32 $0xFFFFE003, lr  }
0x1b: {  	s9 =	sadd.s32 $0xFFFFFEF7, lr;
	s5 =	simm.s32 $0xFFFFFFFF;
	p2 =	slt.u32 s8, $0xFFFFF086  }
0x1c: {  	p1 =	slt.u32 s9, $0xF7A;
	s5 =	simm.s32 @!p2 $0x0  }
0x1d: {  	s5 =	simm.s32 @p1 $0x1;
	p0 =	seq.s32 s7, s2  }
0x1e: {  	s7 =	smul.u32 @!p0 $0xF7A, s2;
	p2 =	seq.s32 @!p0 s5, $0x0  }
0x1f: {  	s9 =	smul.u32 $0xF7A, s1;
	s8 =	simm.s32 @!p0 $0x1BF5;
	p2 =	por !p2, p0  }
0x20: {  	[sflag:s8] =	ssyncset.s32 @!p0 $0xFFFFF086;
	s6 =	sadd.s32 @!p0 s3, s7;
	s7 =	simm.s32 @!p0 $0x108  }
0x21: {  	s3 =	sadd.s32 s3, s9;
	s6 =	sadd.s32 @!p0 $0x88, s6;
	s7 =	simm.s32 @p2 $0x1082  }
0x22: {  	[simem:s7], [sflag:s8] =	dma.local @!p0 [hbm:s6], $0xF7A  }
0x23: {  	s9 =	sor.u32 $0xD0000000, s2;
	s6 =	simm.s32 $0x108;
	_ =	swait.ge @!p0 [sflag:s8], $0x0  }
0x24: {  	s3 =	sadd.s32 $0x88, s3;
	s6 =	simm.s32 @!p1 $0x1082;
	[sflag:s4] =	ssyncset.s32 $0xFFFFF086  }
0x25: {  	[simem:s6], [sflag:s4] =	dma.local [hbm:s3], $0xF7A  }
0x26: {  	[smem:$0x3F9F] =	sst s1;
	(tag) =	ssettag s2;
	_ =	strace s9  }
0x27: {  	s1 =	sld [smem:$0x3FAF]  }
0x28: {  	s2 =	sld [smem:$0x3FB0]  }
0x29: {  	s4 =	sld [smem:$0x3FB2]  }
0x2a: {  	p0 =	seq.s32 s5, $0x0;
	s5 =	sld [smem:$0x3FB3]  }
0x2b: {  	s6 =	sld [smem:$0x3FB4]  }
0x2c: {  	s7 =	sld [smem:$0x3FB5]  }
0x2d: {  	s3 =	simm.s32 $0x108;
	s8 =	sld [smem:$0x3FB6]  }
0x2e: {  	s3 =	simm.s32 @!p0 $0x1082;
	s9 =	sld [smem:$0x3FB7]  }
0x2f: {  	lr =	sadd.s32 s0, s3;
	s0 =	sld [smem:$0x3FAE]  }
0x30: {  	s3 =	sld [smem:$0x3FB1]  }
0x31: {  	[smem:$0x3FBA] =	sst s10  }
0x32: {  	s10 =	sld [smem:$0x3FB8];
	_ =	sdelay $0x3  }
0x33: {  	p0 =	seq.s32 s10, $0x1;
	s10 =	sld [smem:$0x3FBA];
	_ =	sdelay $0x3  }
0x34: {  	[smem:$0x3FBA] =	sst s10  }
0x35: {  	s10 =	sld [smem:$0x3FB9];
	_ =	sdelay $0x3  }
0x36: {  	p1 =	seq.s32 s10, $0x1;
	s10 =	sld [smem:$0x3FBA];
	_ =	sdelay $0x3  }
0x37: {  	[smem:$0x3FBA] =	sst s10  }
0x38: {  	s10 =	sld [smem:$0x3FBB]  }
0x39: {  	_ = 	snop;
	(pc) =	sbr.ind lr, $3  }
0x3a: {  	_ = 	snop  }
0x3b: {  	_ = 	snop  }
0x3c: {  	p2 =	seq.s32 s10, $0x1;
	s10 =	sld [smem:$0x3FBA]  }
0x3d: {  	_ =	shalt  }
0x3e: {  	_ =	shalt  }
0x3f: {  	_ =	shalt  }
0x40: {  	_ =	shalt  }
0x41: {  	_ =	shalt  }
0x42: {  	_ =	shalt  }
0x43: {  	_ =	shalt  }
0x44: {  	_ =	shalt  }
0x45: {  	_ =	shalt  }
0x46: {  	_ =	shalt  }
0x47: {  	_ =	shalt  }
0x48: {  	_ =	shalt  }
0x49: {  	_ =	shalt  }
0x4a: {  	_ =	shalt  }
0x4b: {  	_ =	shalt  }
0x4c: {  	_ =	shalt  }
0x4d: {  	_ =	shalt  }
0x4e: {  	_ =	shalt  }
0x4f: {  	_ =	shalt  }
0x50: {  	_ =	shalt  }
0x51: {  	_ =	shalt  }
0x52: {  	_ =	shalt  }
0x53: {  	_ =	shalt  }
0x54: {  	_ =	shalt  }
0x55: {  	_ =	shalt  }
0x56: {  	_ =	shalt  }
0x57: {  	_ =	shalt  }
0x58: {  	_ =	shalt  }
0x59: {  	_ =	shalt  }
0x5a: {  	_ =	shalt  }
0x5b: {  	_ =	shalt  }
0x5c: {  	_ =	shalt  }
0x5d: {  	_ =	shalt  }
0x5e: {  	_ =	shalt  }
0x5f: {  	_ =	shalt  }
0x60: {  	_ =	shalt  }
0x61: {  	_ =	shalt  }
0x62: {  	_ =	shalt  }
0x63: {  	_ =	shalt  }
0x64: {  	_ =	shalt  }
0x65: {  	_ =	shalt  }
0x66: {  	_ =	shalt  }
0x67: {  	_ =	shalt  }
0x68: {  	_ =	shalt  }
0x69: {  	_ =	shalt  }
0x6a: {  	_ =	shalt  }
0x6b: {  	_ =	shalt  }
0x6c: {  	_ =	shalt  }
0x6d: {  	_ =	shalt  }
0x6e: {  	_ =	shalt  }
0x6f: {  	_ =	shalt  }
0x70: {  	_ =	shalt  }
0x71: {  	_ =	shalt  }
0x72: {  	_ =	shalt  }
0x73: {  	_ =	shalt  }
0x74: {  	_ =	shalt  }
0x75: {  	_ =	shalt  }
0x76: {  	_ =	shalt  }
0x77: {  	_ =	shalt  }
0x78: {  	_ =	shalt  }
0x79: {  	_ =	shalt  }
0x7a: {  	_ =	shalt  }
0x7b: {  	_ =	shalt  }
0x7c: {  	_ =	shalt  }
0x7d: {  	_ =	shalt  }
0x7e: {  	_ =	shalt  }
0x7f: {  	_ =	shalt  }
0x80: {  	_ =	shalt  }
0x81: {  	_ =	shalt  }
0x82: {  	_ =	shalt  }
0x83: {  	_ =	shalt  }
0x84: {  	_ =	shalt  }
0x85: {  	_ =	shalt  }
0x86: {  	_ =	shalt  }
0x87: {  	_ =	shalt  }
.Lfunc_end0:
.L_simem_size_0:
called_computation_lowered:
.L_overlay_start_0:
0x88: {  	s2 =	sld [smem:$0x3FD9]  }
0x89: {  	s3 =	sld [smem:$0x3FFE];
	_ =	sdelay $0x1  }
0x8a: {  	s1 =	srdreg.scid  }
0x8b: {  	s0 =	sand.u32 $0x1, s1  }
0x8c: {  	s17 =	sshll.u32 s0, $0xA;
	s2 =	sadd.s32 s3, s2  }
0x8d: {  	s2 =	sadd.s32 s2, s17  }
0x8e: {  	[smem:$0x3FC6] =	sst s2  }
0x8f: {  	_ = 	snop  }
0x90: {  	s2 =	sld [smem:$0x3FD0];
	(tm) =	ssettm $0x1  }
0x91: {  	s18 =	sld [smem:$0x3FFB];
	_ =	sdelay $0x3  }
0x92: {  	_ =	strace s18  }
0x93: {  	s3 =	sld [smem:$0x3FFC];
	_ =	sdelay $0x3  }
0x94: {  	_ =	strace s3  }
0x95: {  	s3 =	sld [smem:$0x3FFD];
	_ =	sdelay $0x3  }
0x96: {  	_ =	strace s3  }
0x97: {  	_ =	strace $0x8FFFFFFF  }
0x98: {  	s19 =	sld [smem:$0x3FDB];
	_ =	sdelay $0x1  }
0x99: {  	s4 =	simm.s32 $_scs_section_size  }
0x9a: {  	s5 =	simm.s32 $_size__tile_overlayer_lowered;
	s6 =	simm.s32 $_tile_overlayer_lowered  }
0x9b: {  	s22 =	simm.s32 $0x1BFF;
	s21 =	sshll.u32 s6, $0x1;
	s3 =	sadd.s32 s4, s19  }
0x9c: {  	s7 =	simm.s32 $0x0;
	s20 =	sshll.u32 s5, $0x1;
	s5 =	sadd.s32 s21, s3  }
0x9d: {  	[timem:s7], [sflag:s22] =	dma.local [hbm:s5], s20  }
0x9e: {  	_ =	swait.ge [sflag:s22], s20  }
0x9f: {  	s4 =	ssub.s32 $0x0, s20;
	[sflag:s22] =	ssyncset.done $0x0  }
0xa0: {  	[sflag:s22] =	ssyncadd.s32 s4;
	_ =	sdelay $0x1  }
0xa1: {  	s23 =	simm.s32 $0x1B8B  }
0xa2: {  	_ =	swait.ge [sflag:s23], $0x1  }
0xa3: {  	[sflag:s23] =	ssyncset.done $0x0  }
0xa4: {  	s25 =	simm.s32 $0x1B8E;
	s24 =	sld [smem:$0x3FFE];
	[sflag:s23] =	ssyncadd.s32 $0xFFFFFFFF  }
0xa5: {  	s26 =	simm.s32 $execute0_lowered;
	[smem:$0x3FD2] =	sst s25  }
0xa6: {  	s5 =	sshll.u32 s26, $0x1;
	_ =	strace $0x80000046;
	[dreg:$0x1] =	wrdreg $0xFFFFFFFF  }
0xa7: {  	s28 =	simm.s32 $_size_execute0_lowered;
	s3 =	sadd.s32 s3, s5;
	[dreg:$0x0] =	wrdreg $0x0  }
0xa8: {  	s5 =	sshll.u32 s28, $0x1;
	[dreg:$0x2] =	wrdreg s3  }
0xa9: {  	[dreg:$0x3] =	wrdreg s5  }
0xaa: {  	[dreg:$0x4] =	wrdreg $0xC0  }
0xab: {  	_ =	task [dreg:s7], $0x5FFFF  }
0xac: {  	[dreg:$0x1] =	wrdreg $0xFFFFFFFF  }
0xad: {  	[dreg:$0x0] =	wrdreg $0x60  }
0xae: {  	[dreg:$0x2] =	wrdreg s2  }
0xaf: {  	[dreg:$0x3] =	wrdreg s24  }
0xb0: {  	[dreg:$0x4] =	wrdreg $0x9  }
0xb1: {  	_ =	task.clear_ibuf [dreg:s7], $0x5FFFF;
	_ =	strace $0x90000046  }
0xb2: {  	s29 =	simm.s32 $0x9;
	_ =	strace $0x80000048  }
0xb3: {  	_ =	swait.ge [sflag:s29], $0x1  }
0xb4: {  	[sflag:s29] =	ssyncadd.s32 $0xFFFFFFFF  }
0xb5: {  	_ =	strace $0x90000048  }
0xb6: {  	_ =	sfence  }
0xb7: {  	s30 =	sld [smem:$0x0];
	_ =	sdelay $0x2  }
0xb8: {  	s31 =	sshll.u32 s1, $0xD;
	s1 =	sshrl.u32 s1, $0x2  }
0xb9: {  	s3 =	sand.u32 $0x4000, s31;
	s1 =	sadd.s32 s1, s30  }
0xba: {  	s0 =	sor.u32 s3, s0;
	s1 =	sshll.u32 s1, $0x11  }
0xbb: {  	s0 =	sor.u32 s1, s0  }
0xbc: {  	s0 =	sadd.s32 $0x8F2B, s0  }
0xbd: {  	[sflag:s0] =	ssyncadd.remote.s32 $0x1  }
0xbe: {  	_ =	sfence.sel $0xFFFF  }
0xbf: {  	[dreg:$0x0] =	wrdreg $0xFFFFFFFF;
	(pc) =	sbr.abs _section_cstart, $3  }
0xc0: {  	[dreg:$0x1] =	wrdreg $0xFFFFFFFF  }
0xc1: {  	_ =	task.clear_ibuf [dreg:s7], $0x2FFFF;
	_ =	strace $0x9FFFFFFF  }
0xc2: {  	(tm) =	ssettm $0x7FFFFFFF  }
0xc3: {  	_ =	shalt  }
tec
execute0_lowered:
.L_overlay_start_1:
0x0: {  	(tag) =	ssettag $0x1  }
0x1: {  	s0 =	rddreg [dreg:$0x0]  }
0x2: {  	s1 =	rddreg [dreg:$0x1];
	s3 =	srdreg.scid  }
0x3: {  	s4 =	stileid.u32;
	s2 =	simm.s32 $0x0;
	s20 =	simm.s32 $0x3  }
0x4: {  	s21 =	simm.s32 $0x2;
	s3 =	sand.u32 $0x1, s3;
	s4 =	sshll.u32 s4, $0x1  }
0x5: {  	[smem:$0x7FF] =	sst s2;
	s30 =	sadd.s32 $0xF42F00, s1;
	s6 =	sor.u32 s3, s4  }
0x6: {  	s5 =	ssub.s32 $0x2, s3;
	_ =	strace $0x80000047;
	s8 =	smul.u32 $0x320, s6  }
0x7: {  	s3 =	sadd.s32 $0x400, s1;
	s4 =	sadd.s32 $0xF42800, s1;
	s7 =	sshrl.u32 s5, $0x1  }
0x8: {  	[dreg:$0x4] =	wrdreg s30;
	s9 =	ssub.s32 s5, s7;
	s0 =	sadd.s32 s0, s8  }
0x9: {  	s5 =	sshll.u32 s6, $0x7;
	s31 =	smax.u32 s9, $0x1;
	[dreg:$0x3] =	wrdreg s0  }
0xa: {  	s7 =	sadd.s32 $0xF42B80, s1;
	s6 =	simm.s32 $0x0;
	[dreg:$0x5] =	wrdreg s31  }
.LBB2_1:
0xb: {  	[dreg:$0x6] =	wrdreg s6  }
0xc: {  	s0 =	rddreg [dreg:$0x3];
	s31 =	simm.s32 $0x5  }
0xd: {  	[tilespmem:s2], [sflag:$0x5] =	stream.linear.gather [hbm4b:s0+s2], $0x1900, $0x38;
	[tilespmem:$0x1A900] =	vst v63  }
0xe: {  	_ =	swait.ge [sflag:s31], $0x1900  }
0xf: {  	[sflag:s31] =	ssyncset.done $0x0  }
0x10: {  	[sflag:s31] =	ssyncadd.s32 $0xFFFFE700  }
0x11: {  	v0 =	vld [tilespmem:s2+$0x0];
	_ =	sdelay $0x4  }
0x12: {  	v0 =	vshll.u32 v0, $0x4  }
0x13: {  	(v2sf) =	vpush v0, $0x0  }
0x14: {  	(v2sf) =	vpush v0, $0x1  }
0x15: {  	(v2sf) =	vpush v0, $0x2;
	_ =	sdelay $0x1  }
0x16: {  	(v2sf) =	vpush v0, $0x4;
	_ =	sdelay $0x1  }
0x17: {  	(v2sf) =	vpush v0, $0x3  }
0x18: {  	(v2sf) =	vpush v0, $0x5  }
0x19: {  	s9 =	simm.s32 $0x2000;
	s6 =	simm.s32 $0x0;
	s0 =	simm.s32 $0x0;
	(v2sf) =	vpush v0, $0x6  }
.LBB2_2:
0x1a: {  	p0 =	sne.s32 s9, $0x30000  }
0x1b: {  	s19 =	sadd.s32 $0x1980, s6;
	s31 =	sadd.s32 $0x1E80, s6;
	s10 =	smov.u32 s9  }
0x1c: {  	s9 =	sadd.s32 $0x2000, s9;
	s16 =	sadd.s32 $0x1C80, s6;
	s12 =	sadd.s32 $0x1F00, s6;
	(v2sf) =	vpush v0, $0x7  }
0x1d: {  	s18 =	sadd.s32 $0x1B80, s6;
	s14 =	sadd.s32 $0x1D00, s6;
	s13 =	sadd.s32 $0x1F80, s6  }
0x1e: {  	s22 =	sadd.s32 $0x1900, s6;
	s23 =	sadd.s32 $0x1B00, s6;
	(v2sf) =	vpush v0, $0x8  }
0x1f: {  	s1 =	simm.s32 $0x0;
	s24 =	sadd.s32 $0x1C00, s6;
	s0 =	sadd.s32 $0x10, s0  }
0x20: {  	s25 =	sadd.s32 $0x1A00, s6;
	s15 =	sadd.s32 $0x1E00, s6;
	s17 =	spop (v2sf);
	(v2sf) =	vpush v0, $0x9  }
0x21: {  	s26 =	sand.u32 $0x1FFFFFF0, s17;
	s17 =	sadd.s32 $0x1D80, s6;
	s28 =	spop (v2sf)  }
0x22: {  	s26 =	sadd.s32 s3, s26;
	s28 =	sand.u32 $0x1FFFFFF0, s28;
	s29 =	spop (v2sf);
	(v2sf) =	vpush v0, $0xA  }
0x23: {  	[tilespmem:s22], [sflag:$0x1] =	stream.linear.gather [hbm4b:s26+s1], $0x80, $0x38;
	[tilespmem:$0x1A900] =	vst v63  }
0x24: {  	s22 =	sadd.s32 s3, s28;
	s26 =	sadd.s32 $0x1A80, s6;
	s28 =	spop (v2sf);
	(v2sf) =	vpush v0, $0xB  }
0x25: {  	[tilespmem:s19], [sflag:$0x1] =	stream.linear.gather [hbm4b:s22+s1], $0x80, $0x38;
	[tilespmem:$0x1A900] =	vst v63  }
0x26: {  	s19 =	sand.u32 $0x1FFFFFF0, s29;
	s22 =	sand.u32 $0x1FFFFFF0, s28;
	s28 =	spop (v2sf);
	(v2sf) =	vpush v0, $0xC  }
0x27: {  	s19 =	sadd.s32 s3, s19;
	s28 =	sand.u32 $0x1FFFFFF0, s28;
	s29 =	spop (v2sf)  }
0x28: {  	[tilespmem:s25], [sflag:$0x1] =	stream.linear.gather [hbm4b:s19+s1], $0x80, $0x38;
	(v2sf) =	vpush v0, $0xD;
	[tilespmem:$0x1A900] =	vst v63  }
0x29: {  	s19 =	sadd.s32 s3, s28;
	s25 =	sand.u32 $0x1FFFFFF0, s29;
	s28 =	spop (v2sf)  }
0x2a: {  	[tilespmem:s26], [sflag:$0x1] =	stream.linear.gather [hbm4b:s19+s1], $0x80, $0x38;
	(v2sf) =	vpush v0, $0xE;
	[tilespmem:$0x1A900] =	vst v63  }
0x2b: {  	s19 =	sadd.s32 s3, s22;
	s22 =	sand.u32 $0x1FFFFFF0, s28;
	s26 =	spop (v2sf)  }
0x2c: {  	[tilespmem:s23], [sflag:$0x1] =	stream.linear.gather [hbm4b:s19+s1], $0x80, $0x38;
	(v2sf) =	vpush v0, $0xF;
	[tilespmem:$0x1A900] =	vst v63  }
0x2d: {  	s19 =	sadd.s32 s3, s25;
	s23 =	sand.u32 $0x1FFFFFF0, s26;
	s25 =	spop (v2sf)  }
0x2e: {  	[tilespmem:s18], [sflag:$0x1] =	stream.linear.gather [hbm4b:s19+s1], $0x80, $0x38;
	[tilespmem:$0x1A900] =	vst v63  }
0x2f: {  	s18 =	sadd.s32 s3, s22;
	s19 =	sand.u32 $0x1FFFFFF0, s25;
	s22 =	spop (v2sf)  }
0x30: {  	[tilespmem:s24], [sflag:$0x1] =	stream.linear.gather [hbm4b:s18+s1], $0x80, $0x38;
	[tilespmem:$0x1A900] =	vst v63  }
0x31: {  	s18 =	sadd.s32 s3, s23;
	s22 =	sand.u32 $0x1FFFFFF0, s22;
	s23 =	spop (v2sf)  }
0x32: {  	[tilespmem:s16], [sflag:$0x1] =	stream.linear.gather [hbm4b:s18+s1], $0x80, $0x38;
	[tilespmem:$0x1A900] =	vst v63  }
0x33: {  	s16 =	sadd.s32 s3, s19;
	s18 =	sand.u32 $0x1FFFFFF0, s23;
	s19 =	spop (v2sf)  }
0x34: {  	[tilespmem:s14], [sflag:$0x1] =	stream.linear.gather [hbm4b:s16+s1], $0x80, $0x38;
	[tilespmem:$0x1A900] =	vst v63  }
0x35: {  	s14 =	sadd.s32 s3, s22;
	s16 =	sand.u32 $0x1FFFFFF0, s19;
	s19 =	spop (v2sf)  }
0x36: {  	[tilespmem:s17], [sflag:$0x1] =	stream.linear.gather [hbm4b:s14+s1], $0x80, $0x38;
	[tilespmem:$0x1A900] =	vst v63  }
0x37: {  	s14 =	sadd.s32 s3, s18;
	s17 =	sand.u32 $0x1FFFFFF0, s19;
	s18 =	spop (v2sf)  }
0x38: {  	[tilespmem:s15], [sflag:$0x1] =	stream.linear.gather [hbm4b:s14+s1], $0x80, $0x38;
	[tilespmem:$0x1A900] =	vst v63  }
0x39: {  	s14 =	sadd.s32 s3, s16;
	s15 =	sand.u32 $0x1FFFFFF0, s18;
	s16 =	spop (v2sf)  }
0x3a: {  	[tilespmem:s31], [sflag:$0x1] =	stream.linear.gather [hbm4b:s14+s1], $0x80, $0x38;
	[tilespmem:$0x1A900] =	vst v63  }
0x3b: {  	s14 =	sadd.s32 s3, s17;
	s16 =	sand.u32 $0x1FFFFFF0, s16;
	s17 =	spop (v2sf)  }
0x3c: {  	[tilespmem:s12], [sflag:$0x1] =	stream.linear.gather [hbm4b:s14+s1], $0x80, $0x38;
	[tilespmem:$0x1A900] =	vst v63  }
0x3d: {  	s12 =	sadd.s32 s3, s15;
	s14 =	sand.u32 $0x1FFFFFF0, s17  }
0x3e: {  	[tilespmem:s13], [sflag:$0x1] =	stream.linear.gather [hbm4b:s12+s1], $0x80, $0x38;
	[tilespmem:$0x1A900] =	vst v63  }
0x3f: {  	s12 =	sadd.s32 $0x2000, s6;
	s13 =	sadd.s32 s3, s16  }
0x40: {  	[tilespmem:s12], [sflag:$0x1] =	stream.linear.gather [hbm4b:s13+s1], $0x80, $0x38;
	[tilespmem:$0x1A900] =	vst v63  }
0x41: {  	s6 =	sadd.s32 $0x2080, s6;
	s12 =	sadd.s32 s3, s14  }
0x42: {  	[tilespmem:s6], [sflag:$0x1] =	stream.linear.gather [hbm4b:s12+s1], $0x80, $0x38;
	[tilespmem:$0x1A900] =	vst v63  }
0x43: {  	v0 =	vld [tilespmem:s0+$0x0];
	_ =	sdelay $0x4  }
0x44: {  	v0 =	vshll.u32 v0, $0x4  }
0x45: {  	(v2sf) =	vpush v0, $0x0  }
0x46: {  	(v2sf) =	vpush v0, $0x1  }
0x47: {  	(v2sf) =	vpush v0, $0x2;
	_ =	sdelay $0x1  }
0x48: {  	(v2sf) =	vpush v0, $0x4  }
.Ltmp0:
0x49: {  	(pc) =	sbr.rel @p0 .LBB2_2-.Ltmp0, $3  }
0x4a: {  	(v2sf) =	vpush v0, $0x3  }
0x4b: {  	(v2sf) =	vpush v0, $0x5;
	_ =	sdelay $0x1  }
0x4c: {  	s6 =	sshra.s32 s10, $0x2;
	(v2sf) =	vpush v0, $0x6  }
0x4d: {  	_ =	sdelay $0x1  }
0x4e: {  	(v2sf) =	vpush v0, $0x7  }
0x4f: {  	s12 =	sadd.s32 $0x1980, s6;
	s10 =	sadd.s32 $0x1E80, s6;
	s13 =	sadd.s32 $0x1C80, s6  }
0x50: {  	s0 =	sadd.s32 $0x1F00, s6;
	s14 =	sadd.s32 $0x1B80, s6;
	s15 =	sadd.s32 $0x1D00, s6;
	(v2sf) =	vpush v0, $0x8  }
0x51: {  	s9 =	sadd.s32 $0x1F80, s6;
	s16 =	sadd.s32 $0x1900, s6;
	s19 =	spop (v2sf)  }
0x52: {  	s17 =	sadd.s32 $0x1B00, s6;
	s19 =	sand.u32 $0x1FFFFFF0, s19;
	s23 =	spop (v2sf)  }
0x53: {  	s19 =	sadd.s32 s3, s19;
	s23 =	sand.u32 $0x1FFFFFF0, s23;
	s24 =	spop (v2sf)  }
0x54: {  	(v2sf) =	vpush v0, $0x9;
	[tilespmem:s16], [sflag:$0x1] =	stream.linear.gather [hbm4b:s19+s1], $0x80, $0x38;
	[tilespmem:$0x1A900] =	vst v63  }
0x55: {  	s18 =	sadd.s32 $0x1C00, s6;
	s26 =	sadd.s32 s3, s23;
	s28 =	spop (v2sf)  }
0x56: {  	(v2sf) =	vpush v0, $0xA;
	[tilespmem:s12], [sflag:$0x1] =	stream.linear.gather [hbm4b:s26+s1], $0x80, $0x38;
	[tilespmem:$0x1A900] =	vst v63  }
0x57: {  	s22 =	sadd.s32 $0x1A00, s6;
	s29 =	sand.u32 $0x1FFFFFF0, s24;
	s30 =	spop (v2sf)  }
0x58: {  	s25 =	sadd.s32 $0x1A80, s6;
	(v2sf) =	vpush v0, $0xB;
	s19 =	sadd.s32 s3, s29;
	s24 =	sand.u32 $0x1FFFFFF0, s30  }
0x59: {  	[tilespmem:s22], [sflag:$0x1] =	stream.linear.gather [hbm4b:s19+s1], $0x80, $0x38;
	[tilespmem:$0x1A900] =	vst v63  }
0x5a: {  	s16 =	sadd.s32 $0x1E00, s6;
	(v2sf) =	vpush v0, $0xC;
	s8 =	spop (v2sf);
	s11 =	sadd.s32 s3, s24  }
0x5b: {  	[tilespmem:s25], [sflag:$0x1] =	stream.linear.gather [hbm4b:s11+s1], $0x80, $0x38;
	[tilespmem:$0x1A900] =	vst v63  }
0x5c: {  	s12 =	sadd.s32 $0x1D80, s6;
	s31 =	sand.u32 $0x1FFFFFF0, s28;
	(v2sf) =	vpush v0, $0xD;
	s24 =	spop (v2sf)  }
0x5d: {  	s19 =	sadd.s32 s3, s31;
	s22 =	sand.u32 $0x1FFFFFF0, s8;
	s26 =	spop (v2sf)  }
0x5e: {  	(v2sf) =	vpush v0, $0xE;
	[tilespmem:s17], [sflag:$0x1] =	stream.linear.gather [hbm4b:s19+s1], $0x80, $0x38;
	[tilespmem:$0x1A900] =	vst v63  }
0x5f: {  	s22 =	sadd.s32 s3, s22;
	s25 =	sand.u32 $0x1FFFFFF0, s24;
	s29 =	spop (v2sf)  }
0x60: {  	(v2sf) =	vpush v0, $0xF;
	[tilespmem:s14], [sflag:$0x1] =	stream.linear.gather [hbm4b:s22+s1], $0x80, $0x38;
	[tilespmem:$0x1A900] =	vst v63  }
0x61: {  	s28 =	sand.u32 $0x1FFFFFF0, s26;
	s17 =	sadd.s32 s3, s25;
	s30 =	sand.u32 $0x1FFFFFF0, s29  }
0x62: {  	[tilespmem:s18], [sflag:$0x1] =	stream.linear.gather [hbm4b:s17+s1], $0x80, $0x38;
	[tilespmem:$0x1A900] =	vst v63  }
0x63: {  	s29 =	sadd.s32 $0x2000, s6;
	s14 =	sadd.s32 s3, s28;
	s31 =	spop (v2sf)  }
0x64: {  	[tilespmem:s13], [sflag:$0x1] =	stream.linear.gather [hbm4b:s14+s1], $0x80, $0x38;
	[tilespmem:$0x1A900] =	vst v63  }
0x65: {  	s17 =	sadd.s32 s3, s30;
	s8 =	sand.u32 $0x1FFFFFF0, s31;
	s11 =	spop (v2sf)  }
0x66: {  	[tilespmem:s15], [sflag:$0x1] =	stream.linear.gather [hbm4b:s17+s1], $0x80, $0x38;
	[tilespmem:$0x1A900] =	vst v63  }
0x67: {  	s14 =	sand.u32 $0x1FFFFFF0, s11;
	s13 =	sadd.s32 s3, s8;
	s17 =	spop (v2sf)  }
0x68: {  	[tilespmem:s12], [sflag:$0x1] =	stream.linear.gather [hbm4b:s13+s1], $0x80, $0x38;
	[tilespmem:$0x1A900] =	vst v63  }
0x69: {  	s14 =	sadd.s32 s3, s14;
	s18 =	sand.u32 $0x1FFFFFF0, s17;
	s19 =	spop (v2sf)  }
0x6a: {  	[tilespmem:s16], [sflag:$0x1] =	stream.linear.gather [hbm4b:s14+s1], $0x80, $0x38;
	[tilespmem:$0x1A900] =	vst v63  }
0x6b: {  	s12 =	sadd.s32 s3, s18;
	s13 =	sand.u32 $0x1FFFFFF0, s19;
	s22 =	spop (v2sf)  }
0x6c: {  	[tilespmem:s10], [sflag:$0x1] =	stream.linear.gather [hbm4b:s12+s1], $0x80, $0x38;
	[tilespmem:$0x1A900] =	vst v63  }
0x6d: {  	s23 =	sand.u32 $0x1FFFFFF0, s22;
	s13 =	sadd.s32 s3, s13;
	s24 =	spop (v2sf)  }
0x6e: {  	[tilespmem:s0], [sflag:$0x1] =	stream.linear.gather [hbm4b:s13+s1], $0x80, $0x38;
	[tilespmem:$0x1A900] =	vst v63  }
0x6f: {  	s25 =	sand.u32 $0x1FFFFFF0, s24;
	s26 =	spop (v2sf);
	s10 =	sadd.s32 s3, s23  }
0x70: {  	[tilespmem:s9], [sflag:$0x1] =	stream.linear.gather [hbm4b:s10+s1], $0x80, $0x38;
	[tilespmem:$0x1A900] =	vst v63  }
0x71: {  	s30 =	sadd.s32 $0x2080, s6;
	s28 =	sand.u32 $0x1FFFFFF0, s26;
	s0 =	sadd.s32 s3, s25  }
0x72: {  	[tilespmem:s29], [sflag:$0x1] =	stream.linear.gather [hbm4b:s0+s1], $0x80, $0x38;
	[tilespmem:$0x1A900] =	vst v63  }
0x73: {  	s12 =	simm.s32 $0x190;
	s31 =	sadd.s32 s3, s28;
	s9 =	simm.s32 $0x320  }
0x74: {  	[tilespmem:s30], [sflag:$0x1] =	stream.linear.gather [hbm4b:s31+s1], $0x80, $0x38;
	[tilespmem:$0x1A900] =	vst v63  }
.LBB2_4:
0x75: {  	p0 =	seq.s32 s1, $0x0  }
0x76: {  	s0 =	simm.s32 @!p0 $0x4  }
0x77: {  	_ =	swait.ge @!p0 [sflag:s0], $0xC800  }
0x78: {  	[sflag:s0] =	ssyncset.done @!p0 $0x0  }
0x79: {  	[sflag:s0] =	ssyncadd.s32 @!p0 $0xFFFF3800  }
0x7a: {  	v0 =	vld [tilespmem:s12+$0x0];
	_ =	sdelay $0x4  }
0x7b: {  	v0 =	vshll.u32 v0, $0x4  }
0x7c: {  	(v2sf) =	vpush v0, $0x0  }
0x7d: {  	(v2sf) =	vpush v0, $0x1  }
0x7e: {  	(v2sf) =	vpush v0, $0x2;
	_ =	sdelay $0x1  }
0x7f: {  	(v2sf) =	vpush v0, $0x4;
	_ =	sdelay $0x1  }
0x80: {  	(v2sf) =	vpush v0, $0x3  }
0x81: {  	s30 =	sshll.u32 s1, $0x1;
	s31 =	simm.s32 $0x0;
	(v2sf) =	vpush v0, $0x5  }
0x82: {  	s6 =	smov.u32 s12;
	s10 =	sor.u32 $0x1, s30;
	s0 =	simm.s32 $0x2000;
	(v2sf) =	vpush v0, $0x6  }
.LBB2_5:
0x83: {  	p0 =	sne.s32 s0, $0x30000  }
0x84: {  	s24 =	sadd.s32 $0xE180, s31;
	s16 =	sadd.s32 $0xE680, s31;
	s13 =	smov.u32 s0  }
0x85: {  	s0 =	sadd.s32 $0x2000, s0;
	s19 =	sadd.s32 $0xE480, s31;
	s14 =	sadd.s32 $0xE700, s31;
	(v2sf) =	vpush v0, $0x7  }
0x86: {  	s23 =	sadd.s32 $0xE380, s31;
	s18 =	sadd.s32 $0xE500, s31;
	s15 =	sadd.s32 $0xE780, s31  }
0x87: {  	s25 =	sadd.s32 $0xE100, s31;
	s26 =	sadd.s32 $0xE300, s31;
	(v2sf) =	vpush v0, $0x8  }
0x88: {  	s28 =	sadd.s32 $0xE400, s31;
	s6 =	sadd.s32 $0x10, s6  }
0x89: {  	s29 =	sadd.s32 $0xE200, s31;
	s17 =	sadd.s32 $0xE600, s31;
	s22 =	spop (v2sf);
	(v2sf) =	vpush v0, $0x9  }
0x8a: {  	s30 =	sand.u32 $0x1FFFFFF0, s22;
	s22 =	sadd.s32 $0xE580, s31;
	s8 =	spop (v2sf)  }
0x8b: {  	s30 =	sadd.s32 s3, s30;
	s8 =	sand.u32 $0x1FFFFFF0, s8;
	s11 =	spop (v2sf);
	(v2sf) =	vpush v0, $0xA  }
0x8c: {  	[tilespmem:s25], [sflag:$0x2] =	stream.linear.gather [hbm4b:s30+s2], $0x80, $0x38;
	[tilespmem:$0x1A900] =	vst v63  }
0x8d: {  	s8 =	sadd.s32 s3, s8;
	s25 =	sadd.s32 $0xE280, s31;
	s30 =	spop (v2sf);
	(v2sf) =	vpush v0, $0xB  }
0x8e: {  	[tilespmem:s24], [sflag:$0x2] =	stream.linear.gather [hbm4b:s8+s2], $0x80, $0x38;
	[tilespmem:$0x1A900] =	vst v63  }
0x8f: {  	s8 =	sand.u32 $0x1FFFFFF0, s11;
	s11 =	sand.u32 $0x1FFFFFF0, s30;
	s24 =	spop (v2sf);
	(v2sf) =	vpush v0, $0xC  }
0x90: {  	s8 =	sadd.s32 s3, s8;
	s24 =	sand.u32 $0x1FFFFFF0, s24;
	s30 =	spop (v2sf)  }
0x91: {  	[tilespmem:s29], [sflag:$0x2] =	stream.linear.gather [hbm4b:s8+s2], $0x80, $0x38;
	(v2sf) =	vpush v0, $0xD;
	[tilespmem:$0x1A900] =	vst v63  }
0x92: {  	s8 =	sadd.s32 s3, s24;
	s24 =	sand.u32 $0x1FFFFFF0, s30;
	s29 =	spop (v2sf)  }
0x93: {  	[tilespmem:s25], [sflag:$0x2] =	stream.linear.gather [hbm4b:s8+s2], $0x80, $0x38;
	(v2sf) =	vpush v0, $0xE;
	[tilespmem:$0x1A900] =	vst v63  }
0x94: {  	s8 =	sadd.s32 s3, s11;
	s11 =	sand.u32 $0x1FFFFFF0, s29;
	s25 =	spop (v2sf)  }
0x95: {  	[tilespmem:s26], [sflag:$0x2] =	stream.linear.gather [hbm4b:s8+s2], $0x80, $0x38;
	(v2sf) =	vpush v0, $0xF;
	[tilespmem:$0x1A900] =	vst v63  }
0x96: {  	s8 =	sadd.s32 s3, s24;
	s24 =	sand.u32 $0x1FFFFFF0, s25;
	s25 =	spop (v2sf)  }
0x97: {  	[tilespmem:s23], [sflag:$0x2] =	stream.linear.gather [hbm4b:s8+s2], $0x80, $0x38;
	[tilespmem:$0x1A900] =	vst v63  }
0x98: {  	s8 =	sadd.s32 s3, s11;
	s11 =	sand.u32 $0x1FFFFFF0, s25;
	s23 =	spop (v2sf)  }
0x99: {  	[tilespmem:s28], [sflag:$0x2] =	stream.linear.gather [hbm4b:s8+s2], $0x80, $0x38;
	[tilespmem:$0x1A900] =	vst v63  }
0x9a: {  	s8 =	sadd.s32 s3, s24;
	s23 =	sand.u32 $0x1FFFFFF0, s23;
	s24 =	spop (v2sf)  }
0x9b: {  	[tilespmem:s19], [sflag:$0x2] =	stream.linear.gather [hbm4b:s8+s2], $0x80, $0x38;
	[tilespmem:$0x1A900] =	vst v63  }
0x9c: {  	s8 =	sadd.s32 s3, s11;
	s11 =	sand.u32 $0x1FFFFFF0, s24;
	s19 =	spop (v2sf)  }
0x9d: {  	[tilespmem:s18], [sflag:$0x2] =	stream.linear.gather [hbm4b:s8+s2], $0x80, $0x38;
	[tilespmem:$0x1A900] =	vst v63  }
0x9e: {  	s8 =	sadd.s32 s3, s23;
	s18 =	sand.u32 $0x1FFFFFF0, s19;
	s19 =	spop (v2sf)  }
0x9f: {  	[tilespmem:s22], [sflag:$0x2] =	stream.linear.gather [hbm4b:s8+s2], $0x80, $0x38;
	[tilespmem:$0x1A900] =	vst v63  }
0xa0: {  	s8 =	sadd.s32 s3, s11;
	s11 =	sand.u32 $0x1FFFFFF0, s19;
	s19 =	spop (v2sf)  }
0xa1: {  	[tilespmem:s17], [sflag:$0x2] =	stream.linear.gather [hbm4b:s8+s2], $0x80, $0x38;
	[tilespmem:$0x1A900] =	vst v63  }
0xa2: {  	s8 =	sadd.s32 s3, s18;
	s17 =	sand.u32 $0x1FFFFFF0, s19;
	s18 =	spop (v2sf)  }
0xa3: {  	[tilespmem:s16], [sflag:$0x2] =	stream.linear.gather [hbm4b:s8+s2], $0x80, $0x38;
	[tilespmem:$0x1A900] =	vst v63  }
0xa4: {  	s8 =	sadd.s32 s3, s11;
	s11 =	sand.u32 $0x1FFFFFF0, s18;
	s16 =	spop (v2sf)  }
0xa5: {  	[tilespmem:s14], [sflag:$0x2] =	stream.linear.gather [hbm4b:s8+s2], $0x80, $0x38;
	[tilespmem:$0x1A900] =	vst v63  }
0xa6: {  	s8 =	sadd.s32 s3, s17;
	s14 =	sand.u32 $0x1FFFFFF0, s16  }
0xa7: {  	[tilespmem:s15], [sflag:$0x2] =	stream.linear.gather [hbm4b:s8+s2], $0x80, $0x38;
	[tilespmem:$0x1A900] =	vst v63  }
0xa8: {  	s11 =	sadd.s32 s3, s11;
	s8 =	sadd.s32 $0xE800, s31  }
0xa9: {  	[tilespmem:s8], [sflag:$0x2] =	stream.linear.gather [hbm4b:s11+s2], $0x80, $0x38;
	[tilespmem:$0x1A900] =	vst v63  }
0xaa: {  	s8 =	sadd.s32 $0xE880, s31;
	s11 =	sadd.s32 s3, s14  }
0xab: {  	[tilespmem:s8], [sflag:$0x2] =	stream.linear.gather [hbm4b:s11+s2], $0x80, $0x38;
	[tilespmem:$0x1A900] =	vst v63  }
0xac: {  	v0 =	vld [tilespmem:s6+$0x0];
	_ =	sdelay $0x4  }
0xad: {  	v0 =	vshll.u32 v0, $0x4  }
0xae: {  	(v2sf) =	vpush v0, $0x0  }
0xaf: {  	(v2sf) =	vpush v0, $0x1  }
0xb0: {  	(v2sf) =	vpush v0, $0x2;
	_ =	sdelay $0x1  }
0xb1: {  	(v2sf) =	vpush v0, $0x4  }
.Ltmp1:
0xb2: {  	(pc) =	sbr.rel @p0 .LBB2_5-.Ltmp1, $3  }
0xb3: {  	(v2sf) =	vpush v0, $0x3  }
0xb4: {  	(v2sf) =	vpush v0, $0x5;
	_ =	sdelay $0x1  }
0xb5: {  	s31 =	sshra.s32 s13, $0x2;
	(v2sf) =	vpush v0, $0x6  }
0xb6: {  	_ =	sdelay $0x1  }
0xb7: {  	s8 =	sadd.s32 $0xE180, s31;
	s13 =	sadd.s32 $0xE680, s31  }
0xb8: {  	s11 =	sadd.s32 $0xE480, s31;
	s0 =	sadd.s32 $0xE700, s31;
	(v2sf) =	vpush v0, $0x7;
	s14 =	sadd.s32 $0xE380, s31  }
0xb9: {  	s15 =	sadd.s32 $0xE500, s31;
	s6 =	sadd.s32 $0xE780, s31;
	s16 =	sadd.s32 $0xE100, s31  }
0xba: {  	s17 =	sadd.s32 $0xE300, s31;
	s18 =	sadd.s32 $0xE400, s31;
	(v2sf) =	vpush v0, $0x8;
	s19 =	spop (v2sf)  }
0xbb: {  	s22 =	sadd.s32 $0xE200, s31;
	s19 =	sand.u32 $0x1FFFFFF0, s19;
	s23 =	spop (v2sf)  }
0xbc: {  	(v2sf) =	vpush v0, $0x9;
	s19 =	sadd.s32 s3, s19;
	s23 =	sand.u32 $0x1FFFFFF0, s23;
	s24 =	spop (v2sf)  }
0xbd: {  	[tilespmem:s16], [sflag:$0x2] =	stream.linear.gather [hbm4b:s19+s2], $0x80, $0x38;
	[tilespmem:$0x1A900] =	vst v63  }
0xbe: {  	s25 =	sadd.s32 $0xE280, s31;
	(v2sf) =	vpush v0, $0xA;
	s29 =	sadd.s32 s3, s23;
	s30 =	spop (v2sf)  }
0xbf: {  	[tilespmem:s8], [sflag:$0x2] =	stream.linear.gather [hbm4b:s29+s2], $0x80, $0x38;
	[tilespmem:$0x1A900] =	vst v63  }
0xc0: {  	s16 =	sadd.s32 $0xE600, s31;
	s26 =	sand.u32 $0x1FFFFFF0, s24;
	(v2sf) =	vpush v0, $0xB;
	s28 =	spop (v2sf)  }
0xc1: {  	s19 =	sadd.s32 s3, s26;
	s8 =	sadd.s32 $0xE580, s31;
	s24 =	sand.u32 $0x1FFFFFF0, s28  }
0xc2: {  	(v2sf) =	vpush v0, $0xC;
	[tilespmem:s22], [sflag:$0x2] =	stream.linear.gather [hbm4b:s19+s2], $0x80, $0x38;
	[tilespmem:$0x1A900] =	vst v63  }
0xc3: {  	s29 =	sand.u32 $0x1FFFFFF0, s30;
	s30 =	spop (v2sf);
	s26 =	sadd.s32 s3, s24  }
0xc4: {  	(v2sf) =	vpush v0, $0xD;
	[tilespmem:s25], [sflag:$0x2] =	stream.linear.gather [hbm4b:s26+s2], $0x80, $0x38;
	[tilespmem:$0x1A900] =	vst v63  }
0xc5: {  	s19 =	sadd.s32 s3, s29;
	s22 =	sand.u32 $0x1FFFFFF0, s30;
	s28 =	spop (v2sf)  }
0xc6: {  	(v2sf) =	vpush v0, $0xE;
	[tilespmem:s17], [sflag:$0x2] =	stream.linear.gather [hbm4b:s19+s2], $0x80, $0x38;
	[tilespmem:$0x1A900] =	vst v63  }
0xc7: {  	s22 =	sadd.s32 s3, s22;
	s29 =	sand.u32 $0x1FFFFFF0, s28;
	s30 =	spop (v2sf)  }
0xc8: {  	(v2sf) =	vpush v0, $0xF;
	[tilespmem:s14], [sflag:$0x2] =	stream.linear.gather [hbm4b:s22+s2], $0x80, $0x38;
	[tilespmem:$0x1A900] =	vst v63  }
0xc9: {  	s23 =	sand.u32 $0x1FFFFFF0, s30;
	s24 =	spop (v2sf);
	s17 =	sadd.s32 s3, s29  }
0xca: {  	[tilespmem:s18], [sflag:$0x2] =	stream.linear.gather [hbm4b:s17+s2], $0x80, $0x38;
	[tilespmem:$0x1A900] =	vst v63  }
0xcb: {  	s25 =	sand.u32 $0x1FFFFFF0, s24;
	s14 =	sadd.s32 s3, s23;
	s26 =	spop (v2sf)  }
0xcc: {  	[tilespmem:s11], [sflag:$0x2] =	stream.linear.gather [hbm4b:s14+s2], $0x80, $0x38;
	[tilespmem:$0x1A900] =	vst v63  }
0xcd: {  	s17 =	sadd.s32 s3, s25;
	s28 =	sand.u32 $0x1FFFFFF0, s26;
	s29 =	spop (v2sf)  }
0xce: {  	[tilespmem:s15], [sflag:$0x2] =	stream.linear.gather [hbm4b:s17+s2], $0x80, $0x38;
	[tilespmem:$0x1A900] =	vst v63  }
0xcf: {  	s14 =	sand.u32 $0x1FFFFFF0, s29;
	s11 =	sadd.s32 s3, s28;
	s30 =	spop (v2sf)  }
0xd0: {  	[tilespmem:s8], [sflag:$0x2] =	stream.linear.gather [hbm4b:s11+s2], $0x80, $0x38;
	[tilespmem:$0x1A900] =	vst v63  }
0xd1: {  	s14 =	sadd.s32 s3, s14;
	s17 =	sand.u32 $0x1FFFFFF0, s30;
	s18 =	spop (v2sf)  }
0xd2: {  	[tilespmem:s16], [sflag:$0x2] =	stream.linear.gather [hbm4b:s14+s2], $0x80, $0x38;
	[tilespmem:$0x1A900] =	vst v63  }
0xd3: {  	s8 =	sadd.s32 s3, s17;
	s11 =	sand.u32 $0x1FFFFFF0, s18;
	s19 =	spop (v2sf)  }
0xd4: {  	[tilespmem:s13], [sflag:$0x2] =	stream.linear.gather [hbm4b:s8+s2], $0x80, $0x38;
	[tilespmem:$0x1A900] =	vst v63  }
0xd5: {  	s22 =	sand.u32 $0x1FFFFFF0, s19;
	s11 =	sadd.s32 s3, s11;
	s23 =	spop (v2sf)  }
0xd6: {  	[tilespmem:s0], [sflag:$0x2] =	stream.linear.gather [hbm4b:s11+s2], $0x80, $0x38;
	[tilespmem:$0x1A900] =	vst v63  }
0xd7: {  	s24 =	sand.u32 $0x1FFFFFF0, s23;
	s25 =	spop (v2sf);
	s8 =	sadd.s32 s3, s22  }
0xd8: {  	[tilespmem:s6], [sflag:$0x2] =	stream.linear.gather [hbm4b:s8+s2], $0x80, $0x38;
	[tilespmem:$0x1A900] =	vst v63  }
0xd9: {  	s28 =	sadd.s32 $0xE800, s31;
	s26 =	sand.u32 $0x1FFFFFF0, s25;
	s0 =	sadd.s32 s3, s24  }
0xda: {  	[tilespmem:s28], [sflag:$0x2] =	stream.linear.gather [hbm4b:s0+s2], $0x80, $0x38;
	[tilespmem:$0x1A900] =	vst v63  }
0xdb: {  	s29 =	sadd.s32 $0xE880, s31;
	s30 =	simm.s32 $0x1;
	s6 =	sadd.s32 s3, s26  }
0xdc: {  	[tilespmem:s29], [sflag:$0x2] =	stream.linear.gather [hbm4b:s6+s2], $0x80, $0x38;
	[tilespmem:$0x1A900] =	vst v63  }
0xdd: {  	_ =	swait.ge [sflag:s30], $0xC800  }
0xde: {  	[sflag:s30] =	ssyncset.done $0x0  }
0xdf: {  	s31 =	simm.s32 $0x1B00;
	[sflag:s30] =	ssyncadd.s32 $0xFFFF3800  }
0xe0: {  	v0 =	vld [tilespmem:s31+$0x120]  }
0xe1: {  	v1 =	vld [tilespmem:s31+$0xFFFFFF20]  }
0xe2: {  	v2 =	vld [tilespmem:s31+$0xFFFFFF10]  }
0xe3: {  	v3 =	vld [tilespmem:s31+$0xFFFFFF00]  }
0xe4: {  	v4 =	vld [tilespmem:s31+$0xFFFFFF30]  }
0xe5: {  	v5 =	vld [tilespmem:s31+$0xFFFFFEB0]  }
0xe6: {  	v6 =	vld [tilespmem:s31+$0xFFFFFF80]  }
0xe7: {  	v12 =	vld [tilespmem:s31+$0xFFFFFEA0]  }
0xe8: {  	v7 =	vld [tilespmem:s31+$0xFFFFFF90]  }
0xe9: {  	v8 =	vld [tilespmem:s31+$0xFFFFFFA0]  }
0xea: {  	v9 =	vld [tilespmem:s31+$0x190]  }
0xeb: {  	v10 =	vld [tilespmem:s31+$0x1A0]  }
0xec: {  	v11 =	vld [tilespmem:s31+$0xFFFFFE00]  }
0xed: {  	v13 =	vld [tilespmem:s31+$0xFFFFFFB0]  }
0xee: {  	v14 =	vld [tilespmem:s31+$0x0];
	v0 =	vmul.f32 $8.000000000e+00, v0  }
0xef: {  	v15 =	vld [tilespmem:s31+$0x10];
	v9 =	vmul.f32 $8.000000000e+00, v9  }
0xf0: {  	v16 =	vld [tilespmem:s31+$0x20];
	v17 =	vmul.f32 $8.000000000e+00, v8;
	[tilespmem:s31+$0x120] =	vst v0  }
0xf1: {  	v18 =	vld [tilespmem:s31+$0xFFFFFE30];
	v20 =	vmul.f32 $8.000000000e+00, v6;
	[tilespmem:s31+$0x190] =	vst v9  }
0xf2: {  	v21 =	vld [tilespmem:s31+$0xFFFFFE10];
	v0 =	vmul.f32 $8.000000000e+00, v10;
	[tilespmem:s31+$0xFFFFFFA0] =	vst v17  }
0xf3: {  	v10 =	vmul.f32 $8.000000000e+00, v11;
	v11 =	vld [tilespmem:s31+$0x30];
	[tilespmem:s31+$0xFFFFFF80] =	vst v20  }
0xf4: {  	v9 =	vmul.f32 $8.000000000e+00, v13;
	v13 =	vld [tilespmem:s31+$0x80];
	[tilespmem:s31+$0x1A0] =	vst v0  }
0xf5: {  	[tilespmem:s31+$0xFFFFFE00] =	vst v10;
	v0 =	vmul.f32 $8.000000000e+00, v14;
	v10 =	vld [tilespmem:s31+$0x90]  }
0xf6: {  	v19 =	vld [tilespmem:s31+$0xFFFFFE20];
	[tilespmem:s31+$0xFFFFFFB0] =	vst v9;
	v9 =	vmul.f32 $8.000000000e+00, v15  }
0xf7: {  	v8 =	vmul.f32 $8.000000000e+00, v1;
	v14 =	vld [tilespmem:s31+$0x1B0];
	[tilespmem:s31+$0x0] =	vst v0;
	v0 =	vmul.f32 $8.000000000e+00, v16  }
0xf8: {  	v22 =	vld [tilespmem:s31+$0x130];
	v6 =	vmul.f32 $8.000000000e+00, v12;
	[tilespmem:s31+$0x10] =	vst v9;
	v9 =	vmul.f32 $8.000000000e+00, v11  }
0xf9: {  	v1 =	vmul.f32 $8.000000000e+00, v21;
	v15 =	vld [tilespmem:s31+$0xFFFFFE90];
	[tilespmem:s31+$0x20] =	vst v0;
	v0 =	vmul.f32 $8.000000000e+00, v13  }
0xfa: {  	v16 =	vld [tilespmem:s31+$0xFFFFFE80];
	v13 =	vmul.f32 $8.000000000e+00, v7;
	[tilespmem:s31+$0x30] =	vst v9;
	v7 =	vmul.f32 $8.000000000e+00, v10  }
0xfb: {  	v11 =	vld [tilespmem:s31+$0x110];
	v9 =	vmul.f32 $8.000000000e+00, v2;
	v10 =	vmul.f32 $8.000000000e+00, v3;
	[tilespmem:s31+$0x80] =	vst v0  }
0xfc: {  	v12 =	vld [tilespmem:s31+$0x180];
	v2 =	vmul.f32 $8.000000000e+00, v18;
	v0 =	vmul.f32 $8.000000000e+00, v14;
	[tilespmem:s31+$0xFFFFFF90] =	vst v13  }
0xfd: {  	v3 =	vmul.f32 $8.000000000e+00, v19;
	v14 =	vmul.f32 $8.000000000e+00, v4;
	v13 =	vld [tilespmem:s31+$0x100];
	[tilespmem:s31+$0x90] =	vst v7  }
0xfe: {  	v4 =	vmul.f32 $8.000000000e+00, v15;
	v15 =	vld [tilespmem:s31+$0xB0];
	v7 =	vmul.f32 $8.000000000e+00, v5;
	[tilespmem:s31+$0x1B0] =	vst v0  }
0xff: {  	s0 =	simm.s32 $0x0;
	s6 =	simm.s32 $0x1F00;
	v5 =	vmul.f32 $8.000000000e+00, v22;
	v0 =	vmul.f32 $8.000000000e+00, v16;
	[tilespmem:s31+$0xFFFFFF30] =	vst v14;
	v14 =	vld [tilespmem:s31+$0xA0]  }
.LBB2_7:
0x100: {  	v16 =	vld [tilespmem:s6+$0x120];
	s0 =	sadd.s32 $0x8, s0;
	[tilespmem:s31+$0xFFFFFF20] =	vst v8;
	v8 =	vmul.f32 $8.000000000e+00, v11  }
0x101: {  	v11 =	vld [tilespmem:s6+$0xFFFFFF20];
	p0 =	slt.u32 s0, $0x188;
	[tilespmem:s31+$0xFFFFFF10] =	vst v9;
	v9 =	vmul.f32 $8.000000000e+00, v12  }
0x102: {  	v12 =	vld [tilespmem:s6+$0xFFFFFF10];
	[tilespmem:s31+$0xFFFFFF00] =	vst v10;
	v10 =	vmul.f32 $8.000000000e+00, v13  }
0x103: {  	v13 =	vld [tilespmem:s6+$0xFFFFFF00];
	v15 =	vmul.f32 $8.000000000e+00, v15;
	[tilespmem:s31+$0x180] =	vst v9  }
0x104: {  	v9 =	vld [tilespmem:s6+$0xFFFFFF30];
	[tilespmem:s31+$0xFFFFFEB0] =	vst v7;
	v7 =	vmul.f32 $8.000000000e+00, v14  }
0x105: {  	v14 =	vld [tilespmem:s6+$0xFFFFFEB0];
	v16 =	vmul.f32 $8.000000000e+00, v16;
	[tilespmem:s31+$0x100] =	vst v10  }
0x106: {  	v10 =	vld [tilespmem:s6+$0xFFFFFF80];
	[tilespmem:s31+$0xFFFFFEA0] =	vst v6  }
0x107: {  	v6 =	vld [tilespmem:s6+$0xFFFFFEA0];
	[tilespmem:s31+$0xB0] =	vst v15  }
0x108: {  	v15 =	vld [tilespmem:s6+$0xFFFFFF90];
	[tilespmem:s31+$0xFFFFFE90] =	vst v4  }
0x109: {  	v4 =	vld [tilespmem:s6+$0xFFFFFFA0];
	[tilespmem:s31+$0xA0] =	vst v7  }
0x10a: {  	v7 =	vld [tilespmem:s6+$0x190];
	[tilespmem:s31+$0xFFFFFE80] =	vst v0  }
0x10b: {  	v0 =	vld [tilespmem:s6+$0x1A0];
	[tilespmem:s31+$0xFFFFFE30] =	vst v2  }
0x10c: {  	v2 =	vld [tilespmem:s6+$0xFFFFFE00];
	[tilespmem:s31+$0xFFFFFE20] =	vst v3  }
0x10d: {  	v3 =	vld [tilespmem:s6+$0xFFFFFFB0];
	[tilespmem:s31+$0x110] =	vst v8  }
0x10e: {  	v8 =	vld [tilespmem:s6+$0x0];
	[tilespmem:s31+$0xFFFFFE10] =	vst v1  }
0x10f: {  	v1 =	vld [tilespmem:s6+$0x10];
	v7 =	vmul.f32 $8.000000000e+00, v7;
	[tilespmem:s31+$0x130] =	vst v5;
	s31 =	smov.u32 s6  }
0x110: {  	v5 =	vld [tilespmem:s6+$0x20];
	[tilespmem:s6+$0x120] =	vst v16;
	v0 =	vmul.f32 $8.000000000e+00, v0  }
0x111: {  	v16 =	vmul.f32 $8.000000000e+00, v4;
	v2 =	vmul.f32 $8.000000000e+00, v2;
	v4 =	vld [tilespmem:s6+$0x30];
	[tilespmem:s6+$0x190] =	vst v7  }
0x112: {  	v15 =	vmul.f32 $8.000000000e+00, v15;
	v3 =	vmul.f32 $8.000000000e+00, v3;
	v7 =	vld [tilespmem:s6+$0x80];
	[tilespmem:s6+$0x1A0] =	vst v0  }
0x113: {  	v17 =	vmul.f32 $8.000000000e+00, v10;
	[tilespmem:s6+$0xFFFFFE00] =	vst v2;
	v0 =	vmul.f32 $8.000000000e+00, v8;
	v2 =	vld [tilespmem:s6+$0x90]  }
0x114: {  	v18 =	vmul.f32 $8.000000000e+00, v9;
	[tilespmem:s6+$0xFFFFFFB0] =	vst v3;
	v1 =	vmul.f32 $8.000000000e+00, v1;
	v3 =	vld [tilespmem:s6+$0x1B0]  }
0x115: {  	v8 =	vmul.f32 $8.000000000e+00, v11;
	v19 =	vld [tilespmem:s6+$0xFFFFFE90];
	[tilespmem:s6+$0x0] =	vst v0;
	v0 =	vmul.f32 $8.000000000e+00, v5  }
0x116: {  	v9 =	vmul.f32 $8.000000000e+00, v12;
	v5 =	vld [tilespmem:s6+$0xFFFFFE80];
	[tilespmem:s6+$0x10] =	vst v1;
	v1 =	vmul.f32 $8.000000000e+00, v4  }
0x117: {  	v10 =	vmul.f32 $8.000000000e+00, v13;
	v12 =	vld [tilespmem:s6+$0xFFFFFE30];
	[tilespmem:s6+$0x20] =	vst v0;
	v0 =	vmul.f32 $8.000000000e+00, v7  }
0x118: {  	v7 =	vmul.f32 $8.000000000e+00, v14;
	v13 =	vld [tilespmem:s6+$0xFFFFFE20];
	[tilespmem:s6+$0x30] =	vst v1;
	v1 =	vmul.f32 $8.000000000e+00, v2  }
0x119: {  	v6 =	vmul.f32 $8.000000000e+00, v6;
	v14 =	vld [tilespmem:s6+$0xFFFFFE10];
	[tilespmem:s6+$0x80] =	vst v0;
	v2 =	vmul.f32 $8.000000000e+00, v3  }
0x11a: {  	v4 =	vmul.f32 $8.000000000e+00, v19;
	[tilespmem:s6+$0x90] =	vst v1;
	v19 =	vld [tilespmem:s6+$0x130]  }
.Ltmp2:
0x11b: {  	v0 =	vmul.f32 $8.000000000e+00, v5;
	v11 =	vld [tilespmem:s6+$0x110];
	[tilespmem:s6+$0x1B0] =	vst v2;
	(pc) =	sbr.rel @p0 .LBB2_7-.Ltmp2, $4  }
0x11c: {  	v2 =	vmul.f32 $8.000000000e+00, v12;
	[tilespmem:s6+$0xFFFFFFA0] =	vst v16;
	v12 =	vld [tilespmem:s6+$0x180]  }
0x11d: {  	v3 =	vmul.f32 $8.000000000e+00, v13;
	[tilespmem:s6+$0xFFFFFF90] =	vst v15;
	v13 =	vld [tilespmem:s6+$0x100]  }
0x11e: {  	v1 =	vmul.f32 $8.000000000e+00, v14;
	[tilespmem:s6+$0xFFFFFF80] =	vst v17;
	v15 =	vld [tilespmem:s6+$0xB0]  }
0x11f: {  	s6 =	sadd.s32 $0x400, s6;
	[tilespmem:s31+$0xFFFFFF30] =	vst v18;
	v14 =	vld [tilespmem:s31+$0xA0];
	v5 =	vmul.f32 $8.000000000e+00, v19  }
0x120: {  	[tilespmem:s31+$0xFFFFFF20] =	vst v8  }
0x121: {  	[tilespmem:s31+$0xFFFFFF10] =	vst v9  }
0x122: {  	[tilespmem:s31+$0xFFFFFF00] =	vst v10  }
0x123: {  	[tilespmem:s31+$0xFFFFFEB0] =	vst v7  }
0x124: {  	[tilespmem:s31+$0xFFFFFEA0] =	vst v6  }
0x125: {  	[tilespmem:s31+$0xFFFFFE90] =	vst v4  }
0x126: {  	[tilespmem:s31+$0xFFFFFE80] =	vst v0  }
0x127: {  	[tilespmem:s31+$0xFFFFFE30] =	vst v2  }
0x128: {  	[tilespmem:s31+$0xFFFFFE20] =	vst v3  }
0x129: {  	v63 =	vmul.f32 $8.000000000e+00, v11;
	[tilespmem:s31+$0xFFFFFE10] =	vst v1  }
0x12a: {  	v59 =	vmul.f32 $8.000000000e+00, v12;
	[tilespmem:s31+$0x130] =	vst v5  }
0x12b: {  	s0 =	sshll.u32 s1, $0x4;
	v60 =	vmul.f32 $8.000000000e+00, v13;
	[tilespmem:s31+$0x110] =	vst v63  }
0x12c: {  	s0 =	sadd.s32 s5, s0;
	[tilespmem:s31+$0x180] =	vst v59;
	v61 =	vmul.f32 $8.000000000e+00, v15  }
0x12d: {  	s6 =	smul.u32 $0x380, s0;
	[tilespmem:s31+$0x100] =	vst v60;
	v62 =	vmul.f32 $8.000000000e+00, v14  }
0x12e: {  	s11 =	simm.s32 $0x0;
	s13 =	simm.s32 $0x1900;
	[tilespmem:s31+$0xB0] =	vst v61  }
0x12f: {  	s17 =	simm.s32 $0x3200;
	s0 =	smul.u32 $0x1C00, s0;
	s8 =	sadd.s32 s4, s6;
	[tilespmem:s31+$0xA0] =	vst v62  }
0x130: {  	[hbm4b:s8+s11] =	stream.linear.scatter [tilespmem:s13], [sflag:$0x3], $0x1900, $0x38;
	[tilespmem:$0x1A900] =	vst v63  }
0x131: {  	s18 =	rddreg [dreg:$0x4];
	s16 =	sadd.s32 s6, s7;
	s0 =	sshrl.u32 s0, $0x3  }
0x132: {  	[hbm4b:s16+s11] =	stream.linear.scatter [tilespmem:s17], [sflag:$0x3], $0x1900, $0x38;
	[tilespmem:$0x1A900] =	vst v63  }
0x133: {  	s19 =	simm.s32 $0x4B00;
	s6 =	sadd.s32 s6, s18;
	s0 =	sadd.s32 s4, s0  }
0x134: {  	[hbm4b:s6+s11] =	stream.linear.scatter [tilespmem:s19], [sflag:$0x3], $0x1900, $0x38;
	[tilespmem:$0x1A900] =	vst v63  }
0x135: {  	s23 =	simm.s32 $0x6400;
	s22 =	sadd.s32 $0xA80, s0  }
0x136: {  	[hbm4b:s22+s11] =	stream.linear.scatter [tilespmem:s23], [sflag:$0x3], $0x1900, $0x38;
	[tilespmem:$0x1A900] =	vst v63  }
0x137: {  	s25 =	simm.s32 $0x7D00;
	s24 =	sadd.s32 $0xE00, s0  }
0x138: {  	[hbm4b:s24+s11] =	stream.linear.scatter [tilespmem:s25], [sflag:$0x3], $0x1900, $0x38;
	[tilespmem:$0x1A900] =	vst v63  }
0x139: {  	s28 =	simm.s32 $0x9600;
	s26 =	sadd.s32 $0x1180, s0  }
0x13a: {  	[hbm4b:s26+s11] =	stream.linear.scatter [tilespmem:s28], [sflag:$0x3], $0x1900, $0x38;
	[tilespmem:$0x1A900] =	vst v63  }
0x13b: {  	s30 =	simm.s32 $0xAF00;
	p0 =	seq.s32 s1, $0x7;
	s29 =	sadd.s32 $0x1500, s0  }
0x13c: {  	[hbm4b:s29+s11] =	stream.linear.scatter [tilespmem:s30], [sflag:$0x3], $0x1900, $0x38;
	[tilespmem:$0x1A900] =	vst v63  }
.Ltmp3:
0x13d: {  	s0 =	sadd.s32 $0x1880, s0;
	s31 =	simm.s32 $0xC800;
	(pc) =	sbr.rel @p0 .LBB2_12-.Ltmp3, $4  }
0x13e: {  	[hbm4b:s0+s11] =	stream.linear.scatter [tilespmem:s31], [sflag:$0x3], $0x1900, $0x38;
	[tilespmem:$0x1A900] =	vst v63  }
0x13f: {  	_ =	swait.ge [sflag:s20], $0xC800  }
0x140: {  	[sflag:s20] =	ssyncset.done $0x0  }
0x141: {  	[sflag:s20] =	ssyncadd.s32 $0xFFFF3800  }
0x142: {  	v0 =	vld [tilespmem:s9+$0x0];
	_ =	sdelay $0x4  }
0x143: {  	v0 =	vshll.u32 v0, $0x4  }
0x144: {  	(v2sf) =	vpush v0, $0x0  }
0x145: {  	(v2sf) =	vpush v0, $0x1  }
0x146: {  	(v2sf) =	vpush v0, $0x2;
	_ =	sdelay $0x1  }
0x147: {  	(v2sf) =	vpush v0, $0x4;
	_ =	sdelay $0x1  }
0x148: {  	(v2sf) =	vpush v0, $0x3  }
0x149: {  	(v2sf) =	vpush v0, $0x5  }
0x14a: {  	s0 =	simm.s32 $0x2000;
	s31 =	simm.s32 $0x0;
	s6 =	smov.u32 s9;
	(v2sf) =	vpush v0, $0x6  }
.LBB2_10:
0x14b: {  	p0 =	sne.s32 s0, $0x30000  }
0x14c: {  	s8 =	sadd.s32 $0x1980, s31;
	s16 =	sadd.s32 $0x1E80, s31;
	s13 =	smov.u32 s0  }
0x14d: {  	s0 =	sadd.s32 $0x2000, s0;
	s19 =	sadd.s32 $0x1C80, s31;
	s14 =	sadd.s32 $0x1F00, s31;
	(v2sf) =	vpush v0, $0x7  }
0x14e: {  	s23 =	sadd.s32 $0x1B80, s31;
	s18 =	sadd.s32 $0x1D00, s31;
	s15 =	sadd.s32 $0x1F80, s31  }
0x14f: {  	s11 =	sadd.s32 $0x1900, s31;
	s24 =	sadd.s32 $0x1B00, s31;
	(v2sf) =	vpush v0, $0x8  }
0x150: {  	s25 =	sadd.s32 $0x1C00, s31;
	s6 =	sadd.s32 $0x10, s6  }
0x151: {  	s26 =	sadd.s32 $0x1A00, s31;
	s17 =	sadd.s32 $0x1E00, s31;
	s22 =	spop (v2sf);
	(v2sf) =	vpush v0, $0x9  }
0x152: {  	s28 =	sand.u32 $0x1FFFFFF0, s22;
	s22 =	sadd.s32 $0x1D80, s31;
	s29 =	spop (v2sf)  }
0x153: {  	s28 =	sadd.s32 s3, s28;
	s29 =	sand.u32 $0x1FFFFFF0, s29;
	s30 =	spop (v2sf);
	(v2sf) =	vpush v0, $0xA  }
0x154: {  	[tilespmem:s11], [sflag:$0x1] =	stream.linear.gather [hbm4b:s28+s2], $0x80, $0x38;
	[tilespmem:$0x1A900] =	vst v63  }
0x155: {  	s11 =	sadd.s32 s3, s29;
	s28 =	sadd.s32 $0x1A80, s31;
	s29 =	spop (v2sf);
	(v2sf) =	vpush v0, $0xB  }
0x156: {  	[tilespmem:s8], [sflag:$0x1] =	stream.linear.gather [hbm4b:s11+s2], $0x80, $0x38;
	[tilespmem:$0x1A900] =	vst v63  }
0x157: {  	s8 =	sand.u32 $0x1FFFFFF0, s30;
	s11 =	sand.u32 $0x1FFFFFF0, s29;
	s29 =	spop (v2sf);
	(v2sf) =	vpush v0, $0xC  }
0x158: {  	s8 =	sadd.s32 s3, s8;
	s29 =	sand.u32 $0x1FFFFFF0, s29;
	s30 =	spop (v2sf)  }
0x159: {  	[tilespmem:s26], [sflag:$0x1] =	stream.linear.gather [hbm4b:s8+s2], $0x80, $0x38;
	(v2sf) =	vpush v0, $0xD;
	[tilespmem:$0x1A900] =	vst v63  }
0x15a: {  	s8 =	sadd.s32 s3, s29;
	s26 =	sand.u32 $0x1FFFFFF0, s30;
	s29 =	spop (v2sf)  }
0x15b: {  	[tilespmem:s28], [sflag:$0x1] =	stream.linear.gather [hbm4b:s8+s2], $0x80, $0x38;
	(v2sf) =	vpush v0, $0xE;
	[tilespmem:$0x1A900] =	vst v63  }
0x15c: {  	s8 =	sadd.s32 s3, s11;
	s11 =	sand.u32 $0x1FFFFFF0, s29;
	s28 =	spop (v2sf)  }
0x15d: {  	[tilespmem:s24], [sflag:$0x1] =	stream.linear.gather [hbm4b:s8+s2], $0x80, $0x38;
	(v2sf) =	vpush v0, $0xF;
	[tilespmem:$0x1A900] =	vst v63  }
0x15e: {  	s8 =	sadd.s32 s3, s26;
	s24 =	sand.u32 $0x1FFFFFF0, s28;
	s26 =	spop (v2sf)  }
0x15f: {  	[tilespmem:s23], [sflag:$0x1] =	stream.linear.gather [hbm4b:s8+s2], $0x80, $0x38;
	[tilespmem:$0x1A900] =	vst v63  }
0x160: {  	s8 =	sadd.s32 s3, s11;
	s11 =	sand.u32 $0x1FFFFFF0, s26;
	s23 =	spop (v2sf)  }
0x161: {  	[tilespmem:s25], [sflag:$0x1] =	stream.linear.gather [hbm4b:s8+s2], $0x80, $0x38;
	[tilespmem:$0x1A900] =	vst v63  }
0x162: {  	s8 =	sadd.s32 s3, s24;
	s23 =	sand.u32 $0x1FFFFFF0, s23;
	s24 =	spop (v2sf)  }
0x163: {  	[tilespmem:s19], [sflag:$0x1] =	stream.linear.gather [hbm4b:s8+s2], $0x80, $0x38;
	[tilespmem:$0x1A900] =	vst v63  }
0x164: {  	s8 =	sadd.s32 s3, s11;
	s11 =	sand.u32 $0x1FFFFFF0, s24;
	s19 =	spop (v2sf)  }
0x165: {  	[tilespmem:s18], [sflag:$0x1] =	stream.linear.gather [hbm4b:s8+s2], $0x80, $0x38;
	[tilespmem:$0x1A900] =	vst v63  }
0x166: {  	s8 =	sadd.s32 s3, s23;
	s18 =	sand.u32 $0x1FFFFFF0, s19;
	s19 =	spop (v2sf)  }
0x167: {  	[tilespmem:s22], [sflag:$0x1] =	stream.linear.gather [hbm4b:s8+s2], $0x80, $0x38;
	[tilespmem:$0x1A900] =	vst v63  }
0x168: {  	s8 =	sadd.s32 s3, s11;
	s11 =	sand.u32 $0x1FFFFFF0, s19;
	s19 =	spop (v2sf)  }
0x169: {  	[tilespmem:s17], [sflag:$0x1] =	stream.linear.gather [hbm4b:s8+s2], $0x80, $0x38;
	[tilespmem:$0x1A900] =	vst v63  }
0x16a: {  	s8 =	sadd.s32 s3, s18;
	s17 =	sand.u32 $0x1FFFFFF0, s19;
	s18 =	spop (v2sf)  }
0x16b: {  	[tilespmem:s16], [sflag:$0x1] =	stream.linear.gather [hbm4b:s8+s2], $0x80, $0x38;
	[tilespmem:$0x1A900] =	vst v63  }
0x16c: {  	s8 =	sadd.s32 s3, s11;
	s11 =	sand.u32 $0x1FFFFFF0, s18;
	s16 =	spop (v2sf)  }
0x16d: {  	[tilespmem:s14], [sflag:$0x1] =	stream.linear.gather [hbm4b:s8+s2], $0x80, $0x38;
	[tilespmem:$0x1A900] =	vst v63  }
0x16e: {  	s8 =	sadd.s32 s3, s17;
	s14 =	sand.u32 $0x1FFFFFF0, s16  }
0x16f: {  	[tilespmem:s15], [sflag:$0x1] =	stream.linear.gather [hbm4b:s8+s2], $0x80, $0x38;
	[tilespmem:$0x1A900] =	vst v63  }
0x170: {  	s11 =	sadd.s32 s3, s11;
	s8 =	sadd.s32 $0x2000, s31  }
0x171: {  	[tilespmem:s8], [sflag:$0x1] =	stream.linear.gather [hbm4b:s11+s2], $0x80, $0x38;
	[tilespmem:$0x1A900] =	vst v63  }
0x172: {  	s8 =	sadd.s32 $0x2080, s31;
	s11 =	sadd.s32 s3, s14  }
0x173: {  	[tilespmem:s8], [sflag:$0x1] =	stream.linear.gather [hbm4b:s11+s2], $0x80, $0x38;
	[tilespmem:$0x1A900] =	vst v63  }
0x174: {  	v0 =	vld [tilespmem:s6+$0x0];
	_ =	sdelay $0x4  }
0x175: {  	v0 =	vshll.u32 v0, $0x4  }
0x176: {  	(v2sf) =	vpush v0, $0x0  }
0x177: {  	(v2sf) =	vpush v0, $0x1  }
0x178: {  	(v2sf) =	vpush v0, $0x2;
	_ =	sdelay $0x1  }
0x179: {  	(v2sf) =	vpush v0, $0x4  }
.Ltmp4:
0x17a: {  	(pc) =	sbr.rel @p0 .LBB2_10-.Ltmp4, $3  }
0x17b: {  	(v2sf) =	vpush v0, $0x3  }
0x17c: {  	(v2sf) =	vpush v0, $0x5;
	_ =	sdelay $0x1  }
0x17d: {  	s31 =	sshra.s32 s13, $0x2;
	(v2sf) =	vpush v0, $0x6  }
0x17e: {  	_ =	sdelay $0x1  }
0x17f: {  	s8 =	sadd.s32 $0x1980, s31;
	s13 =	sadd.s32 $0x1E80, s31  }
0x180: {  	s11 =	sadd.s32 $0x1C80, s31;
	s0 =	sadd.s32 $0x1F00, s31;
	(v2sf) =	vpush v0, $0x7;
	s14 =	sadd.s32 $0x1B80, s31  }
0x181: {  	s15 =	sadd.s32 $0x1D00, s31;
	s6 =	sadd.s32 $0x1F80, s31;
	s16 =	sadd.s32 $0x1900, s31  }
0x182: {  	s17 =	sadd.s32 $0x1B00, s31;
	s18 =	sadd.s32 $0x1C00, s31;
	(v2sf) =	vpush v0, $0x8;
	s19 =	spop (v2sf)  }
0x183: {  	s22 =	sadd.s32 $0x1A00, s31;
	s19 =	sand.u32 $0x1FFFFFF0, s19;
	s23 =	spop (v2sf)  }
0x184: {  	(v2sf) =	vpush v0, $0x9;
	s19 =	sadd.s32 s3, s19;
	s23 =	sand.u32 $0x1FFFFFF0, s23;
	s24 =	spop (v2sf)  }
0x185: {  	[tilespmem:s16], [sflag:$0x1] =	stream.linear.gather [hbm4b:s19+s2], $0x80, $0x38;
	[tilespmem:$0x1A900] =	vst v63  }
0x186: {  	(v2sf) =	vpush v0, $0xA;
	s25 =	sadd.s32 s3, s23;
	s28 =	sand.u32 $0x1FFFFFF0, s24;
	s26 =	spop (v2sf)  }
0x187: {  	[tilespmem:s8], [sflag:$0x1] =	stream.linear.gather [hbm4b:s25+s2], $0x80, $0x38;
	[tilespmem:$0x1A900] =	vst v63  }
0x188: {  	s16 =	sadd.s32 $0x1E00, s31;
	(v2sf) =	vpush v0, $0xB;
	s19 =	sadd.s32 s3, s28;
	s29 =	spop (v2sf)  }
0x189: {  	s8 =	sadd.s32 $0x1D80, s31;
	s25 =	sadd.s32 $0x1A80, s31;
	s24 =	sand.u32 $0x1FFFFFF0, s29  }
0x18a: {  	(v2sf) =	vpush v0, $0xC;
	[tilespmem:s22], [sflag:$0x1] =	stream.linear.gather [hbm4b:s19+s2], $0x80, $0x38;
	[tilespmem:$0x1A900] =	vst v63  }
0x18b: {  	s30 =	sand.u32 $0x1FFFFFF0, s26;
	s26 =	spop (v2sf);
	s28 =	sadd.s32 s3, s24  }
0x18c: {  	(v2sf) =	vpush v0, $0xD;
	[tilespmem:s25], [sflag:$0x1] =	stream.linear.gather [hbm4b:s28+s2], $0x80, $0x38;
	[tilespmem:$0x1A900] =	vst v63  }
0x18d: {  	s19 =	sadd.s32 s3, s30;
	s22 =	sand.u32 $0x1FFFFFF0, s26;
	s29 =	spop (v2sf)  }
0x18e: {  	(v2sf) =	vpush v0, $0xE;
	[tilespmem:s17], [sflag:$0x1] =	stream.linear.gather [hbm4b:s19+s2], $0x80, $0x38;
	[tilespmem:$0x1A900] =	vst v63  }
0x18f: {  	s22 =	sadd.s32 s3, s22;
	s30 =	sand.u32 $0x1FFFFFF0, s29;
	s23 =	spop (v2sf)  }
0x190: {  	(v2sf) =	vpush v0, $0xF;
	[tilespmem:s14], [sflag:$0x1] =	stream.linear.gather [hbm4b:s22+s2], $0x80, $0x38;
	[tilespmem:$0x1A900] =	vst v63  }
0x191: {  	s24 =	sand.u32 $0x1FFFFFF0, s23;
	s25 =	spop (v2sf);
	s17 =	sadd.s32 s3, s30  }
0x192: {  	[tilespmem:s18], [sflag:$0x1] =	stream.linear.gather [hbm4b:s17+s2], $0x80, $0x38;
	[tilespmem:$0x1A900] =	vst v63  }
0x193: {  	s26 =	sand.u32 $0x1FFFFFF0, s25;
	s14 =	sadd.s32 s3, s24;
	s28 =	spop (v2sf)  }
0x194: {  	[tilespmem:s11], [sflag:$0x1] =	stream.linear.gather [hbm4b:s14+s2], $0x80, $0x38;
	[tilespmem:$0x1A900] =	vst v63  }
0x195: {  	s17 =	sadd.s32 s3, s26;
	s29 =	sand.u32 $0x1FFFFFF0, s28;
	s30 =	spop (v2sf)  }
0x196: {  	[tilespmem:s15], [sflag:$0x1] =	stream.linear.gather [hbm4b:s17+s2], $0x80, $0x38;
	[tilespmem:$0x1A900] =	vst v63  }
0x197: {  	s14 =	sand.u32 $0x1FFFFFF0, s30;
	s11 =	sadd.s32 s3, s29;
	s18 =	spop (v2sf)  }
0x198: {  	[tilespmem:s8], [sflag:$0x1] =	stream.linear.gather [hbm4b:s11+s2], $0x80, $0x38;
	[tilespmem:$0x1A900] =	vst v63  }
0x199: {  	s14 =	sadd.s32 s3, s14;
	s19 =	sand.u32 $0x1FFFFFF0, s18;
	s22 =	spop (v2sf)  }
0x19a: {  	[tilespmem:s16], [sflag:$0x1] =	stream.linear.gather [hbm4b:s14+s2], $0x80, $0x38;
	[tilespmem:$0x1A900] =	vst v63  }
0x19b: {  	s8 =	sadd.s32 s3, s19;
	s11 =	sand.u32 $0x1FFFFFF0, s22;
	s23 =	spop (v2sf)  }
0x19c: {  	[tilespmem:s13], [sflag:$0x1] =	stream.linear.gather [hbm4b:s8+s2], $0x80, $0x38;
	[tilespmem:$0x1A900] =	vst v63  }
0x19d: {  	s24 =	sand.u32 $0x1FFFFFF0, s23;
	s11 =	sadd.s32 s3, s11;
	s25 =	spop (v2sf)  }
0x19e: {  	[tilespmem:s0], [sflag:$0x1] =	stream.linear.gather [hbm4b:s11+s2], $0x80, $0x38;
	[tilespmem:$0x1A900] =	vst v63  }
0x19f: {  	s26 =	sand.u32 $0x1FFFFFF0, s25;
	s28 =	spop (v2sf);
	s8 =	sadd.s32 s3, s24  }
0x1a0: {  	[tilespmem:s6], [sflag:$0x1] =	stream.linear.gather [hbm4b:s8+s2], $0x80, $0x38;
	[tilespmem:$0x1A900] =	vst v63  }
0x1a1: {  	s30 =	sadd.s32 $0x2000, s31;
	s29 =	sand.u32 $0x1FFFFFF0, s28;
	s0 =	sadd.s32 s3, s26  }
0x1a2: {  	[tilespmem:s30], [sflag:$0x1] =	stream.linear.gather [hbm4b:s0+s2], $0x80, $0x38;
	[tilespmem:$0x1A900] =	vst v63  }
0x1a3: {  	s31 =	sadd.s32 $0x2080, s31;
	s6 =	sadd.s32 s3, s29  }
0x1a4: {  	[tilespmem:s31], [sflag:$0x1] =	stream.linear.gather [hbm4b:s6+s2], $0x80, $0x38;
	[tilespmem:$0x1A900] =	vst v63  }
.LBB2_12:
0x1a5: {  	_ =	swait.ge [sflag:s21], $0xC800  }
0x1a6: {  	[sflag:s21] =	ssyncset.done $0x0  }
0x1a7: {  	s31 =	simm.s32 $0xE300;
	[sflag:s21] =	ssyncadd.s32 $0xFFFF3800  }
0x1a8: {  	v0 =	vld [tilespmem:s31+$0x120]  }
0x1a9: {  	v1 =	vld [tilespmem:s31+$0xFFFFFF20]  }
0x1aa: {  	v2 =	vld [tilespmem:s31+$0xFFFFFF10]  }
0x1ab: {  	v3 =	vld [tilespmem:s31+$0xFFFFFF00]  }
0x1ac: {  	v4 =	vld [tilespmem:s31+$0xFFFFFF30]  }
0x1ad: {  	v5 =	vld [tilespmem:s31+$0xFFFFFEB0]  }
0x1ae: {  	v6 =	vld [tilespmem:s31+$0xFFFFFF80]  }
0x1af: {  	v12 =	vld [tilespmem:s31+$0xFFFFFEA0]  }
0x1b0: {  	v7 =	vld [tilespmem:s31+$0xFFFFFF90]  }
0x1b1: {  	v8 =	vld [tilespmem:s31+$0xFFFFFFA0]  }
0x1b2: {  	v9 =	vld [tilespmem:s31+$0x190]  }
0x1b3: {  	v10 =	vld [tilespmem:s31+$0x1A0]  }
0x1b4: {  	v11 =	vld [tilespmem:s31+$0xFFFFFE00]  }
0x1b5: {  	v13 =	vld [tilespmem:s31+$0xFFFFFFB0]  }
0x1b6: {  	v14 =	vld [tilespmem:s31+$0x0];
	v0 =	vmul.f32 $8.000000000e+00, v0  }
0x1b7: {  	v15 =	vld [tilespmem:s31+$0x10];
	v9 =	vmul.f32 $8.000000000e+00, v9  }
0x1b8: {  	v16 =	vld [tilespmem:s31+$0x20];
	v17 =	vmul.f32 $8.000000000e+00, v8;
	[tilespmem:s31+$0x120] =	vst v0  }
0x1b9: {  	v18 =	vld [tilespmem:s31+$0xFFFFFE30];
	v20 =	vmul.f32 $8.000000000e+00, v6;
	[tilespmem:s31+$0x190] =	vst v9  }
0x1ba: {  	v21 =	vld [tilespmem:s31+$0xFFFFFE10];
	v0 =	vmul.f32 $8.000000000e+00, v10;
	[tilespmem:s31+$0xFFFFFFA0] =	vst v17  }
0x1bb: {  	v10 =	vmul.f32 $8.000000000e+00, v11;
	v11 =	vld [tilespmem:s31+$0x30];
	[tilespmem:s31+$0xFFFFFF80] =	vst v20  }
0x1bc: {  	v9 =	vmul.f32 $8.000000000e+00, v13;
	v13 =	vld [tilespmem:s31+$0x80];
	[tilespmem:s31+$0x1A0] =	vst v0  }
0x1bd: {  	[tilespmem:s31+$0xFFFFFE00] =	vst v10;
	v0 =	vmul.f32 $8.000000000e+00, v14;
	v10 =	vld [tilespmem:s31+$0x90]  }
0x1be: {  	v19 =	vld [tilespmem:s31+$0xFFFFFE20];
	[tilespmem:s31+$0xFFFFFFB0] =	vst v9;
	v9 =	vmul.f32 $8.000000000e+00, v15  }
0x1bf: {  	v8 =	vmul.f32 $8.000000000e+00, v1;
	v14 =	vld [tilespmem:s31+$0x1B0];
	[tilespmem:s31+$0x0] =	vst v0;
	v0 =	vmul.f32 $8.000000000e+00, v16  }
0x1c0: {  	v22 =	vld [tilespmem:s31+$0x130];
	v6 =	vmul.f32 $8.000000000e+00, v12;
	[tilespmem:s31+$0x10] =	vst v9;
	v9 =	vmul.f32 $8.000000000e+00, v11  }
0x1c1: {  	v1 =	vmul.f32 $8.000000000e+00, v21;
	v15 =	vld [tilespmem:s31+$0xFFFFFE90];
	[tilespmem:s31+$0x20] =	vst v0;
	v0 =	vmul.f32 $8.000000000e+00, v13  }
0x1c2: {  	v16 =	vld [tilespmem:s31+$0xFFFFFE80];
	v13 =	vmul.f32 $8.000000000e+00, v7;
	[tilespmem:s31+$0x30] =	vst v9;
	v7 =	vmul.f32 $8.000000000e+00, v10  }
0x1c3: {  	v11 =	vld [tilespmem:s31+$0x110];
	v9 =	vmul.f32 $8.000000000e+00, v2;
	v10 =	vmul.f32 $8.000000000e+00, v3;
	[tilespmem:s31+$0x80] =	vst v0  }
0x1c4: {  	v12 =	vld [tilespmem:s31+$0x180];
	v2 =	vmul.f32 $8.000000000e+00, v18;
	v0 =	vmul.f32 $8.000000000e+00, v14;
	[tilespmem:s31+$0xFFFFFF90] =	vst v13  }
0x1c5: {  	v3 =	vmul.f32 $8.000000000e+00, v19;
	v14 =	vmul.f32 $8.000000000e+00, v4;
	v13 =	vld [tilespmem:s31+$0x100];
	[tilespmem:s31+$0x90] =	vst v7  }
0x1c6: {  	v4 =	vmul.f32 $8.000000000e+00, v15;
	v15 =	vld [tilespmem:s31+$0xB0];
	v7 =	vmul.f32 $8.000000000e+00, v5;
	[tilespmem:s31+$0x1B0] =	vst v0  }
0x1c7: {  	s0 =	simm.s32 $0x0;
	s6 =	simm.s32 $0xE700;
	v5 =	vmul.f32 $8.000000000e+00, v22;
	v0 =	vmul.f32 $8.000000000e+00, v16;
	[tilespmem:s31+$0xFFFFFF30] =	vst v14;
	v14 =	vld [tilespmem:s31+$0xA0]  }
.LBB2_13:
0x1c8: {  	v16 =	vld [tilespmem:s6+$0x120];
	s0 =	sadd.s32 $0x8, s0;
	[tilespmem:s31+$0xFFFFFF20] =	vst v8;
	v8 =	vmul.f32 $8.000000000e+00, v11  }
0x1c9: {  	v11 =	vld [tilespmem:s6+$0xFFFFFF20];
	p0 =	slt.u32 s0, $0x188;
	[tilespmem:s31+$0xFFFFFF10] =	vst v9;
	v9 =	vmul.f32 $8.000000000e+00, v12  }
0x1ca: {  	v12 =	vld [tilespmem:s6+$0xFFFFFF10];
	[tilespmem:s31+$0xFFFFFF00] =	vst v10;
	v10 =	vmul.f32 $8.000000000e+00, v13  }
0x1cb: {  	v13 =	vld [tilespmem:s6+$0xFFFFFF00];
	v15 =	vmul.f32 $8.000000000e+00, v15;
	[tilespmem:s31+$0x180] =	vst v9  }
0x1cc: {  	v9 =	vld [tilespmem:s6+$0xFFFFFF30];
	[tilespmem:s31+$0xFFFFFEB0] =	vst v7;
	v7 =	vmul.f32 $8.000000000e+00, v14  }
0x1cd: {  	v14 =	vld [tilespmem:s6+$0xFFFFFEB0];
	v16 =	vmul.f32 $8.000000000e+00, v16;
	[tilespmem:s31+$0x100] =	vst v10  }
0x1ce: {  	v10 =	vld [tilespmem:s6+$0xFFFFFF80];
	[tilespmem:s31+$0xFFFFFEA0] =	vst v6  }
0x1cf: {  	v6 =	vld [tilespmem:s6+$0xFFFFFEA0];
	[tilespmem:s31+$0xB0] =	vst v15  }
0x1d0: {  	v15 =	vld [tilespmem:s6+$0xFFFFFF90];
	[tilespmem:s31+$0xFFFFFE90] =	vst v4  }
0x1d1: {  	v4 =	vld [tilespmem:s6+$0xFFFFFFA0];
	[tilespmem:s31+$0xA0] =	vst v7  }
0x1d2: {  	v7 =	vld [tilespmem:s6+$0x190];
	[tilespmem:s31+$0xFFFFFE80] =	vst v0  }
0x1d3: {  	v0 =	vld [tilespmem:s6+$0x1A0];
	[tilespmem:s31+$0xFFFFFE30] =	vst v2  }
0x1d4: {  	v2 =	vld [tilespmem:s6+$0xFFFFFE00];
	[tilespmem:s31+$0xFFFFFE20] =	vst v3  }
0x1d5: {  	v3 =	vld [tilespmem:s6+$0xFFFFFFB0];
	[tilespmem:s31+$0x110] =	vst v8  }
0x1d6: {  	v8 =	vld [tilespmem:s6+$0x0];
	[tilespmem:s31+$0xFFFFFE10] =	vst v1  }
0x1d7: {  	v1 =	vld [tilespmem:s6+$0x10];
	v7 =	vmul.f32 $8.000000000e+00, v7;
	[tilespmem:s31+$0x130] =	vst v5;
	s31 =	smov.u32 s6  }
0x1d8: {  	v5 =	vld [tilespmem:s6+$0x20];
	[tilespmem:s6+$0x120] =	vst v16;
	v0 =	vmul.f32 $8.000000000e+00, v0  }
0x1d9: {  	v16 =	vmul.f32 $8.000000000e+00, v4;
	v2 =	vmul.f32 $8.000000000e+00, v2;
	v4 =	vld [tilespmem:s6+$0x30];
	[tilespmem:s6+$0x190] =	vst v7  }
0x1da: {  	v15 =	vmul.f32 $8.000000000e+00, v15;
	v3 =	vmul.f32 $8.000000000e+00, v3;
	v7 =	vld [tilespmem:s6+$0x80];
	[tilespmem:s6+$0x1A0] =	vst v0  }
0x1db: {  	v17 =	vmul.f32 $8.000000000e+00, v10;
	[tilespmem:s6+$0xFFFFFE00] =	vst v2;
	v0 =	vmul.f32 $8.000000000e+00, v8;
	v2 =	vld [tilespmem:s6+$0x90]  }
0x1dc: {  	v18 =	vmul.f32 $8.000000000e+00, v9;
	[tilespmem:s6+$0xFFFFFFB0] =	vst v3;
	v1 =	vmul.f32 $8.000000000e+00, v1;
	v3 =	vld [tilespmem:s6+$0x1B0]  }
0x1dd: {  	v8 =	vmul.f32 $8.000000000e+00, v11;
	v19 =	vld [tilespmem:s6+$0xFFFFFE90];
	[tilespmem:s6+$0x0] =	vst v0;
	v0 =	vmul.f32 $8.000000000e+00, v5  }
0x1de: {  	v9 =	vmul.f32 $8.000000000e+00, v12;
	v5 =	vld [tilespmem:s6+$0xFFFFFE80];
	[tilespmem:s6+$0x10] =	vst v1;
	v1 =	vmul.f32 $8.000000000e+00, v4  }
0x1df: {  	v10 =	vmul.f32 $8.000000000e+00, v13;
	v12 =	vld [tilespmem:s6+$0xFFFFFE30];
	[tilespmem:s6+$0x20] =	vst v0;
	v0 =	vmul.f32 $8.000000000e+00, v7  }
0x1e0: {  	v7 =	vmul.f32 $8.000000000e+00, v14;
	v13 =	vld [tilespmem:s6+$0xFFFFFE20];
	[tilespmem:s6+$0x30] =	vst v1;
	v1 =	vmul.f32 $8.000000000e+00, v2  }
0x1e1: {  	v6 =	vmul.f32 $8.000000000e+00, v6;
	v14 =	vld [tilespmem:s6+$0xFFFFFE10];
	[tilespmem:s6+$0x80] =	vst v0;
	v2 =	vmul.f32 $8.000000000e+00, v3  }
0x1e2: {  	v4 =	vmul.f32 $8.000000000e+00, v19;
	[tilespmem:s6+$0x90] =	vst v1;
	v19 =	vld [tilespmem:s6+$0x130]  }
.Ltmp5:
0x1e3: {  	v0 =	vmul.f32 $8.000000000e+00, v5;
	v11 =	vld [tilespmem:s6+$0x110];
	[tilespmem:s6+$0x1B0] =	vst v2;
	(pc) =	sbr.rel @p0 .LBB2_13-.Ltmp5, $4  }
0x1e4: {  	v2 =	vmul.f32 $8.000000000e+00, v12;
	[tilespmem:s6+$0xFFFFFFA0] =	vst v16;
	v12 =	vld [tilespmem:s6+$0x180]  }
0x1e5: {  	v3 =	vmul.f32 $8.000000000e+00, v13;
	[tilespmem:s6+$0xFFFFFF90] =	vst v15;
	v13 =	vld [tilespmem:s6+$0x100]  }
0x1e6: {  	v1 =	vmul.f32 $8.000000000e+00, v14;
	[tilespmem:s6+$0xFFFFFF80] =	vst v17;
	v15 =	vld [tilespmem:s6+$0xB0]  }
0x1e7: {  	s6 =	sadd.s32 $0x400, s6;
	[tilespmem:s31+$0xFFFFFF30] =	vst v18;
	v14 =	vld [tilespmem:s31+$0xA0];
	v5 =	vmul.f32 $8.000000000e+00, v19  }
0x1e8: {  	[tilespmem:s31+$0xFFFFFF20] =	vst v8  }
0x1e9: {  	[tilespmem:s31+$0xFFFFFF10] =	vst v9  }
0x1ea: {  	[tilespmem:s31+$0xFFFFFF00] =	vst v10  }
0x1eb: {  	[tilespmem:s31+$0xFFFFFEB0] =	vst v7  }
0x1ec: {  	[tilespmem:s31+$0xFFFFFEA0] =	vst v6  }
0x1ed: {  	[tilespmem:s31+$0xFFFFFE90] =	vst v4  }
0x1ee: {  	[tilespmem:s31+$0xFFFFFE80] =	vst v0  }
0x1ef: {  	[tilespmem:s31+$0xFFFFFE30] =	vst v2  }
0x1f0: {  	[tilespmem:s31+$0xFFFFFE20] =	vst v3  }
0x1f1: {  	v63 =	vmul.f32 $8.000000000e+00, v11;
	[tilespmem:s31+$0xFFFFFE10] =	vst v1  }
0x1f2: {  	s0 =	sshll.u32 s10, $0x3;
	v59 =	vmul.f32 $8.000000000e+00, v12;
	[tilespmem:s31+$0x130] =	vst v5  }
0x1f3: {  	s0 =	sadd.s32 s5, s0;
	v60 =	vmul.f32 $8.000000000e+00, v13;
	[tilespmem:s31+$0x110] =	vst v63  }
0x1f4: {  	s6 =	smul.u32 $0x380, s0;
	[tilespmem:s31+$0x180] =	vst v59;
	v61 =	vmul.f32 $8.000000000e+00, v15  }
0x1f5: {  	s0 =	smul.u32 $0x1C00, s0;
	[tilespmem:s31+$0x100] =	vst v60;
	v62 =	vmul.f32 $8.000000000e+00, v14  }
0x1f6: {  	[tilespmem:s31+$0xB0] =	vst v61  }
0x1f7: {  	s16 =	simm.s32 $0xE100;
	s8 =	sadd.s32 s4, s6;
	s0 =	sshrl.u32 s0, $0x3;
	[tilespmem:s31+$0xA0] =	vst v62  }
0x1f8: {  	[hbm4b:s8+s2] =	stream.linear.scatter [tilespmem:s16], [sflag:$0x4], $0x1900, $0x38;
	[tilespmem:$0x1A900] =	vst v63  }
0x1f9: {  	s17 =	simm.s32 $0xFA00;
	s6 =	sadd.s32 s6, s7;
	s0 =	sadd.s32 s4, s0  }
0x1fa: {  	[hbm4b:s6+s2] =	stream.linear.scatter [tilespmem:s17], [sflag:$0x4], $0x1900, $0x38;
	[tilespmem:$0x1A900] =	vst v63  }
0x1fb: {  	s19 =	simm.s32 $0x11300;
	s18 =	sadd.s32 $0x700, s0  }
0x1fc: {  	[hbm4b:s18+s2] =	stream.linear.scatter [tilespmem:s19], [sflag:$0x4], $0x1900, $0x38;
	[tilespmem:$0x1A900] =	vst v63  }
0x1fd: {  	s23 =	simm.s32 $0x12C00;
	s22 =	sadd.s32 $0xA80, s0  }
0x1fe: {  	[hbm4b:s22+s2] =	stream.linear.scatter [tilespmem:s23], [sflag:$0x4], $0x1900, $0x38;
	[tilespmem:$0x1A900] =	vst v63  }
0x1ff: {  	s25 =	simm.s32 $0x14500;
	s1 =	sadd.s32 $0x1, s1;
	s24 =	sadd.s32 $0xE00, s0  }
0x200: {  	[hbm4b:s24+s2] =	stream.linear.scatter [tilespmem:s25], [sflag:$0x4], $0x1900, $0x38;
	[tilespmem:$0x1A900] =	vst v63  }
0x201: {  	s28 =	simm.s32 $0x15E00;
	p0 =	sne.s32 s1, $0x8;
	s26 =	sadd.s32 $0x1180, s0  }
0x202: {  	[hbm4b:s26+s2] =	stream.linear.scatter [tilespmem:s28], [sflag:$0x4], $0x1900, $0x38;
	[tilespmem:$0x1A900] =	vst v63  }
.Ltmp6:
0x203: {  	_ = 	snop;
	(pc) =	sbr.rel @p0 .LBB2_4-.Ltmp6, $4  }
0x204: {  	s30 =	simm.s32 $0x17700;
	s12 =	sadd.s32 $0x320, s12;
	s29 =	sadd.s32 $0x1500, s0  }
0x205: {  	[hbm4b:s29+s2] =	stream.linear.scatter [tilespmem:s30], [sflag:$0x4], $0x1900, $0x38;
	[tilespmem:$0x1A900] =	vst v63  }
0x206: {  	s9 =	sadd.s32 $0x320, s9;
	s0 =	sadd.s32 $0x1880, s0;
	s31 =	simm.s32 $0x19000  }
0x207: {  	[hbm4b:s0+s2] =	stream.linear.scatter [tilespmem:s31], [sflag:$0x4], $0x1900, $0x38;
	[tilespmem:$0x1A900] =	vst v63  }
0x208: {  	s1 =	simm.s32 $0x4  }
0x209: {  	_ =	swait.ge [sflag:s1], $0xC800  }
0x20a: {  	s6 =	rddreg [dreg:$0x6]  }
0x20b: {  	s0 =	rddreg [dreg:$0x5];
	s6 =	sadd.s32 $0x1, s6  }
0x20c: {  	p0 =	sne.s32 s6, s0  }
.Ltmp7:
0x20d: {  	_ = 	snop;
	(pc) =	sbr.rel @p0 .LBB2_1-.Ltmp7, $3  }
0x20e: {  	_ =	sdelay $0x1  }
0x20f: {  	[sflag:s1] =	ssyncset.done $0x0  }
0x210: {  	[sflag:s1] =	ssyncadd.s32 $0xFFFF3800  }
0x211: {  	_ =	sfence.sel $0x180000  }
0x212: {  	[bflag:$0x0] =	sbarrier.arrive $0xFFFF  }
0x213: {  	_ =	strace $0x90000047  }
0x214: {  	s0 =	stileid.u32;
	[bflag:$0x2] =	sbarrier.arrive $0xFFFF  }
0x215: {  	p0 =	sne.s32 s0, $0x0;
	s0 =	rddreg [dreg:$0x2]  }
0x216: {  	s0 =	sadd.s32 @!p0 $0x100000, s0  }
0x217: {  	[sflag:s0] =	ssyncadd.tile.s32 @!p0 $0x1;
	_ =	shalt  }
.Lfunc_end2:
_tile_overlayer_lowered:
.L_overlay_start_2:
0x218: {  	(tag) =	ssettag $0x2  }
0x219: {  	s0 =	rddreg [dreg:$0x0];
	s2 =	stileid.u32  }
0x21a: {  	s1 =	rddreg [dreg:$0x1];
	p0 =	sne.s32 s2, $0x0  }
0x21b: {  	s3 =	rddreg [dreg:$0x2];
	[bflag:$0x3] =	sbarrier.arrive $0xFFFF;
	s2 =	simm.s32 @!p0 $0x1C05  }
0x21c: {  	[timem:s3], [sflag:s2] =	dma.local @!p0 [hbm:s0], s1  }
0x21d: {  	s0 =	simm.s32 @!p0 $0x5  }
0x21e: {  	_ =	swait.ge @!p0 [sflag:s0], s1  }
0x21f: {  	s1 =	ssub.s32 @!p0 $0x0, s1;
	[sflag:s0] =	ssyncset.done @!p0 $0x0  }
0x220: {  	[sflag:s0] =	ssyncadd.s32 @!p0 s1  }
0x221: {  	[bflag:$0x3] =	sbarrier.arrive $0xFFFF  }
0x222: {  	_ =	shalt  }

</sc_bundles>
